<compile_context>
chip_gen: v7x
topology: tpu7x:2x2x1
jax: 0.10.2.dev20260603
libtpu: 0.0.44.dev20260713+nightly
codegen_flags: <defaults>
</compile_context>

<pallas_src>
import functools

import jax
import jax.numpy as jnp
from jax import lax
from jax.experimental import pallas as pl
from jax.experimental.pallas import tpu as pltpu
from jax.experimental.pallas import tpu_sc as plsc

N_NODES = 10000
N_EDGES = 320000
D = 128
DH = 64

NC = 2
NS = 16
NW = NC * NS

EDGE_BATCH = 128
E_PAD = 2560 * EDGE_BATCH
ROWS_PER_W = E_PAD // EDGE_BATCH // NW
ACC_ROWS = 10240
TRASH = N_NODES
SUB_ROWS = ACC_ROWS // NS

K_IDX = 8
DEG_W = 8
NBUF = 4
PF = 3


def _make_sc_agg(ncols, with_deg):
  n_outer = ROWS_PER_W // K_IDX
  mesh = plsc.VectorSubcoreMesh(core_axis_name="c", subcore_axis_name="s",
                                num_cores=NC, num_subcores=NS)

  out_type = [jax.ShapeDtypeStruct((NC, ACC_ROWS, ncols), jnp.float32)]
  scratch = [
      pltpu.MemorySpace.VMEM_SHARED((ACC_ROWS, ncols), jnp.float32),
      pltpu.VMEM((K_IDX, EDGE_BATCH), jnp.int32),
      pltpu.VMEM((K_IDX, EDGE_BATCH), jnp.int32),
      pltpu.VMEM((NBUF, EDGE_BATCH, ncols), jnp.float32),
  ] + [pltpu.SemaphoreType.DMA] * NBUF
  if with_deg:
    out_type.append(jax.ShapeDtypeStruct((NC, ACC_ROWS, DEG_W), jnp.float32))
    scratch += [
        pltpu.MemorySpace.VMEM_SHARED((ACC_ROWS, DEG_W), jnp.float32),
        pltpu.VMEM((EDGE_BATCH, DEG_W), jnp.float32),
    ]

  def body(table, src2d, dst2d, zeros_hbm, ones_hbm, zdeg_hbm,
           out, deg_out, acc, idx_s, idx_d, rows, sems, deg_acc, ones):
    c = lax.axis_index("c")
    s = lax.axis_index("s")
    wid = c * NS + s

    pltpu.sync_copy(zeros_hbm.at[pl.ds(s * SUB_ROWS, SUB_ROWS)],
                    acc.at[pl.ds(s * SUB_ROWS, SUB_ROWS)])
    if with_deg:
      pltpu.sync_copy(zdeg_hbm.at[pl.ds(s * SUB_ROWS, SUB_ROWS)],
                      deg_acc.at[pl.ds(s * SUB_ROWS, SUB_ROWS)])
      pltpu.sync_copy(ones_hbm, ones)
    plsc.subcore_barrier()

    @pl.loop(0, n_outer)
    def _(it):
      base = wid * ROWS_PER_W + it * K_IDX
      pltpu.sync_copy(src2d.at[pl.ds(base, K_IDX)], idx_s)
      pltpu.sync_copy(dst2d.at[pl.ds(base, K_IDX)], idx_d)
      descs = [
          pltpu.async_copy(table.at[idx_s.at[j]], rows.at[j % NBUF],
                           sems[j % NBUF])
          for j in range(PF)
      ]
      for j in range(K_IDX):
        n = j + PF
        if n < K_IDX:
          descs.append(
              pltpu.async_copy(table.at[idx_s.at[n]], rows.at[n % NBUF],
                               sems[n % NBUF]))
        descs[j].wait()
        pltpu.sync_copy(rows.at[j % NBUF], acc.at[idx_d.at[j]], add=True)
        if with_deg:
          pltpu.sync_copy(ones, deg_acc.at[idx_d.at[j]], add=True)

    plsc.subcore_barrier()
    pltpu.sync_copy(acc.at[pl.ds(s * SUB_ROWS, SUB_ROWS)],
                    out.at[c, pl.ds(s * SUB_ROWS, SUB_ROWS)])
    if with_deg:
      pltpu.sync_copy(deg_acc.at[pl.ds(s * SUB_ROWS, SUB_ROWS)],
                      deg_out.at[c, pl.ds(s * SUB_ROWS, SUB_ROWS)])

  if with_deg:
    def body_wd(table, src2d, dst2d, z, o, zd, out, deg_out,
                acc, idx_s, idx_d, rows, s0, s1, s2, s3, deg_acc, ones):
      body(table, src2d, dst2d, z, o, zd, out, deg_out, acc, idx_s, idx_d,
           rows, (s0, s1, s2, s3), deg_acc, ones)
    fn = body_wd
  else:
    def body_nd(table, src2d, dst2d, z, o, zd, out,
                acc, idx_s, idx_d, rows, s0, s1, s2, s3):
      body(table, src2d, dst2d, z, o, zd, out, None, acc, idx_s, idx_d,
           rows, (s0, s1, s2, s3), None, None)
    fn = body_nd

  return pl.kernel(fn, out_type=tuple(out_type), mesh=mesh,
                   scratch_types=scratch,
                   compiler_params=pltpu.CompilerParams(
                       use_tc_tiling_on_sc=False))


def _tc_pre(x, WpT, bp):
  def body(x_ref, w_ref, b_ref, lo_ref, hi_ref):
    h = jnp.maximum(
        jnp.dot(x_ref[...], w_ref[...],
                preferred_element_type=jnp.float32) + b_ref[...], 0.0)
    lo_ref[...] = h[:, :DH]
    hi_ref[...] = h[:, DH:]
  r = 2000
  return pl.pallas_call(
      body,
      grid=(N_NODES // r,),
      in_specs=[
          pl.BlockSpec((r, D), lambda i: (i, 0)),
          pl.BlockSpec((D, D), lambda i: (0, 0)),
          pl.BlockSpec((1, D), lambda i: (0, 0)),
      ],
      out_specs=[
          pl.BlockSpec((r, DH), lambda i: (i, 0)),
          pl.BlockSpec((r, DH), lambda i: (i, 0)),
      ],
      out_shape=[
          jax.ShapeDtypeStruct((N_NODES, DH), jnp.float32),
          jax.ShapeDtypeStruct((N_NODES, DH), jnp.float32),
      ],
  )(x, WpT, bp)


def _tc_mid(alo0, alo1, ahi0, ahi1, deg0, deg1, h_lo, h_hi,
            Wl1T, bl1, Wr1T, Wl2Tp, Wr2Tp):
  def body(al0, al1, ah0, ah1, d0, d1, hl, hh, wl, bl, wr, w2l, w2r,
           g1_ref, r2_ref):
    deg = d0[...] + d1[...]
    recip = 1.0 / jnp.maximum(deg[:, 0:1], 1.0)
    mean = jnp.concatenate(
        [al0[...] + al1[...], ah0[...] + ah1[...]], axis=1) * recip
    h = jnp.concatenate([hl[...], hh[...]], axis=1)
    h1 = jnp.maximum(
        jnp.dot(mean, wl[...], preferred_element_type=jnp.float32)
        + bl[...]
        + jnp.dot(h, wr[...], preferred_element_type=jnp.float32),
        0.0)
    g1_ref[...] = jnp.dot(h1, w2l[...], preferred_element_type=jnp.float32)
    r2_ref[...] = jnp.dot(h1, w2r[...], preferred_element_type=jnp.float32)
  r = 2000
  full = lambda i: (0, 0)
  return pl.pallas_call(
      body,
      grid=(N_NODES // r,),
      in_specs=[
          pl.BlockSpec((r, DH), lambda i: (i, 0)),
          pl.BlockSpec((r, DH), lambda i: (i, 0)),
          pl.BlockSpec((r, DH), lambda i: (i, 0)),
          pl.BlockSpec((r, DH), lambda i: (i, 0)),
          pl.BlockSpec((r, DEG_W), lambda i: (i, 0)),
          pl.BlockSpec((r, DEG_W), lambda i: (i, 0)),
          pl.BlockSpec((r, DH), lambda i: (i, 0)),
          pl.BlockSpec((r, DH), lambda i: (i, 0)),
          pl.BlockSpec((D, D), full),
          pl.BlockSpec((1, D), full),
          pl.BlockSpec((D, D), full),
          pl.BlockSpec((D, 16), full),
          pl.BlockSpec((D, 16), full),
      ],
      out_specs=[
          pl.BlockSpec((r, 16), lambda i: (i, 0)),
          pl.BlockSpec((r, 16), lambda i: (i, 0)),
      ],
      out_shape=[
          jax.ShapeDtypeStruct((N_NODES, 16), jnp.float32),
          jax.ShapeDtypeStruct((N_NODES, 16), jnp.float32),
      ],
  )(alo0, alo1, ahi0, ahi1, deg0, deg1, h_lo, h_hi,
    Wl1T, bl1, Wr1T, Wl2Tp, Wr2Tp)


def _tc_final(agg2_0, agg2_1, deg0, deg1, r2, bl2p):
  def body(a0, a1, d0, d1, r2_ref, b_ref, o_ref):
    deg = d0[...] + d1[...]
    recip = 1.0 / jnp.maximum(deg[:, 0:1], 1.0)
    o = (a0[...] + a1[...]) * recip + r2_ref[...] + b_ref[...]
    o_ref[...] = o[:, 0:4]
  r = 2000
  return pl.pallas_call(
      body,
      grid=(N_NODES // r,),
      in_specs=[
          pl.BlockSpec((r, 16), lambda i: (i, 0)),
          pl.BlockSpec((r, 16), lambda i: (i, 0)),
          pl.BlockSpec((r, DEG_W), lambda i: (i, 0)),
          pl.BlockSpec((r, DEG_W), lambda i: (i, 0)),
          pl.BlockSpec((r, 16), lambda i: (i, 0)),
          pl.BlockSpec((1, 16), lambda i: (0, 0)),
      ],
      out_specs=pl.BlockSpec((r, 4), lambda i: (i, 0)),
      out_shape=jax.ShapeDtypeStruct((N_NODES, 4), jnp.float32),
  )(agg2_0, agg2_1, deg0, deg1, r2, bl2p)


_sc_half_deg = functools.lru_cache(None)(
    lambda: _make_sc_agg(DH, with_deg=True))
_sc_half = functools.lru_cache(None)(
    lambda: _make_sc_agg(DH, with_deg=False))
_sc_narrow = functools.lru_cache(None)(
    lambda: _make_sc_agg(16, with_deg=False))


def kernel(x, edge_index, Wp, bp, Wl1, bl1, Wr1, Wl2, bl2, Wr2):
  src = edge_index[0].astype(jnp.int32)
  dst = edge_index[1].astype(jnp.int32)
  npad = E_PAD - N_EDGES
  src2d = jnp.concatenate(
      [src, jnp.zeros((npad,), jnp.int32)]).reshape(-1, EDGE_BATCH)
  dst2d = jnp.concatenate(
      [dst, jnp.full((npad,), TRASH, jnp.int32)]).reshape(-1, EDGE_BATCH)

  zeros_h = jnp.zeros((ACC_ROWS, DH), jnp.float32)
  zeros_16 = jnp.zeros((ACC_ROWS, 16), jnp.float32)
  zeros_d = jnp.zeros((ACC_ROWS, DEG_W), jnp.float32)
  ones = jnp.ones((EDGE_BATCH, DEG_W), jnp.float32)

  h_lo, h_hi = _tc_pre(x, Wp.T, bp.reshape(1, D))

  agg_lo, deg = _sc_half_deg()(h_lo, src2d, dst2d, zeros_h, ones, zeros_d)
  (agg_hi,) = _sc_half()(h_hi, src2d, dst2d, zeros_h, ones, zeros_d)

  Wl2Tp = jnp.zeros((D, 16), jnp.float32).at[:, 0:4].set(Wl2.T)
  Wr2Tp = jnp.zeros((D, 16), jnp.float32).at[:, 0:4].set(Wr2.T)
  g1, r2 = _tc_mid(agg_lo[0], agg_lo[1], agg_hi[0], agg_hi[1],
                   deg[0], deg[1], h_lo, h_hi,
                   Wl1.T, bl1.reshape(1, D), Wr1.T, Wl2Tp, Wr2Tp)

  (agg2,) = _sc_narrow()(g1, src2d, dst2d, zeros_16, ones, zeros_16)

  bl2p = jnp.zeros((1, 16), jnp.float32).at[0, 0:4].set(bl2)
  return _tc_final(agg2[0], agg2[1], deg[0], deg[1], r2, bl2p)

# --- scband reference (transcript-rebuilt; emitter-appended) ---
"""Pipeline reference for scband-mel-graph-sage-29583734734919 (READ-ONLY COPY).

The authoritative reference and input builder live on the scoring server;
editing this copy changes nothing except your own understanding.
"""

import jax, jax.numpy as jnp
import numpy as np

N_NODES = 10000
N_EDGES = 320000
D_IN = 128
D_HID = 128
N_CLASSES = 4


def setup_inputs(seed: int = 0) -> dict:
    key = jax.random.key(seed)
    ks = jax.random.split(key, 12)
    x = jax.random.normal(ks[0], (N_NODES, D_IN), dtype=jnp.float32)
    edge_index = jax.random.randint(ks[1], (2, N_EDGES), 0, N_NODES, dtype=jnp.int64 if jax.config.jax_enable_x64 else jnp.int32)
    s_pre = 1.0 / np.sqrt(D_IN)
    s_hid = 1.0 / np.sqrt(D_HID)
    Wp = jax.random.uniform(ks[2], (D_HID, D_IN), minval=-s_pre, maxval=s_pre, dtype=jnp.float32)
    bp = jax.random.uniform(ks[3], (D_HID,), minval=-s_pre, maxval=s_pre, dtype=jnp.float32)
    Wl1 = jax.random.uniform(ks[4], (D_HID, D_HID), minval=-s_hid, maxval=s_hid, dtype=jnp.float32)
    bl1 = jax.random.uniform(ks[5], (D_HID,), minval=-s_hid, maxval=s_hid, dtype=jnp.float32)
    Wr1 = jax.random.uniform(ks[6], (D_HID, D_HID), minval=-s_hid, maxval=s_hid, dtype=jnp.float32)
    Wl2 = jax.random.uniform(ks[7], (N_CLASSES, D_HID), minval=-s_hid, maxval=s_hid, dtype=jnp.float32)
    bl2 = jax.random.uniform(ks[8], (N_CLASSES,), minval=-s_hid, maxval=s_hid, dtype=jnp.float32)
    Wr2 = jax.random.uniform(ks[9], (N_CLASSES, D_HID), minval=-s_hid, maxval=s_hid, dtype=jnp.float32)
    return {"x": x, "edge_index": edge_index, "Wp": Wp, "bp": bp,
            "Wl1": Wl1, "bl1": bl1, "Wr1": Wr1,
            "Wl2": Wl2, "bl2": bl2, "Wr2": Wr2}


def _sage_conv(x, src, dst, n_nodes, W_l, b_l, W_r):
    # PyG SAGEConv (mean aggregation): out = lin_l(mean_j x_j) + lin_r(x)
    msgs = jnp.take(x, src, axis=0)
    agg = jax.ops.segment_sum(msgs, dst, num_segments=n_nodes)
    deg = jax.ops.segment_sum(jnp.ones((src.shape[0],), dtype=x.dtype), dst, num_segments=n_nodes)
    agg = agg / jnp.clip(deg, 1.0, None)[:, None]
    return agg @ W_l.T + b_l + x @ W_r.T


def reference(x, edge_index, Wp, bp, Wl1, bl1, Wr1, Wl2, bl2, Wr2):
    n_nodes = x.shape[0]
    src = edge_index[0]
    dst = edge_index[1]
    # flatten is identity for 2D input
    h = jax.nn.relu(x @ Wp.T + bp)
    h = jax.nn.relu(_sage_conv(h, src, dst, n_nodes, Wl1, bl1, Wr1))
    out = _sage_conv(h, src, dst, n_nodes, Wl2, bl2, Wr2)
    return out

if __name__ == "__main__":
    import jax
    _d = setup_inputs()
    print(jax.jit(kernel)(*tuple(_d.values())))

</pallas_src>

<mosaic_0001>
#map = affine_map<(d0, d1) -> (0, 0)>
#map1 = affine_map<(d0, d1) -> (0, 0, 0)>
module attributes {stable_mosaic.version = 14 : i64} {
  func.func @body_nd(%arg0: i32, %arg1: i32, %arg2: memref<10000x16xf32, #tpu.memory_space<hbm>>, %arg3: memref<2560x128xi32, #tpu.memory_space<hbm>>, %arg4: memref<2560x128xi32, #tpu.memory_space<hbm>>, %arg5: memref<10240x16xf32, #tpu.memory_space<hbm>>, %arg6: memref<128x8xf32, #tpu.memory_space<hbm>>, %arg7: memref<10240x16xf32, #tpu.memory_space<hbm>>, %arg8: memref<2x10240x16xf32, #tpu.memory_space<hbm>>, %arg9: memref<10240x16xf32, #tpu.memory_space<vmem_shared>>, %arg10: memref<8x128xi32, #tpu.memory_space<vmem>>, %arg11: memref<8x128xi32, #tpu.memory_space<vmem>>, %arg12: memref<4x128x16xf32, #tpu.memory_space<vmem>>, %arg13: memref<!tpu.dma_semaphore, #tpu.memory_space<semaphore_mem>>, %arg14: memref<!tpu.dma_semaphore, #tpu.memory_space<semaphore_mem>>, %arg15: memref<!tpu.dma_semaphore, #tpu.memory_space<semaphore_mem>>, %arg16: memref<!tpu.dma_semaphore, #tpu.memory_space<semaphore_mem>>) attributes {dimension_semantics = [#tpu.dimension_semantics<core_parallel>, #tpu.dimension_semantics<subcore_parallel>], iteration_bounds = array<i64: 2, 16>, scalar_prefetch = 0 : i64, scratch_operands = 8 : i64, tpu.core_type = #tpu.core_type<sc_vector_subcore>, window_params = [{transform_indices = #map}, {transform_indices = #map}, {transform_indices = #map}, {transform_indices = #map}, {transform_indices = #map}, {transform_indices = #map}, {transform_indices = #map1}]} {
    %mul3A = arith.constant 16 : i32
    %mul3A_0 = arith.muli %arg0, %mul3A : i32
    %add3A = arith.addi %mul3A_0, %arg1 : i32
    %mul3A_1 = arith.constant 640 : i32
    %mul3A_2 = arith.muli %arg1, %mul3A_1 : i32
    %mul3A_3 = arith.constant 640 : i32
    %mul3A_4 = arith.muli %arg1, %mul3A_3 : i32
    "tpu.region"() ({
      %run_scoped3A = tpu.sem_alloc : memref<!tpu.dma_semaphore, #tpu.memory_space<semaphore_mem>>
      %dma_start3A = arith.constant 0 : i32
      %dma_start3A_14 = tpu.memref_slice %arg9[%mul3A_4, %dma_start3A] : memref<10240x16xf32, #tpu.memory_space<vmem_shared>> -> memref<640x16xf32, #tpu.memory_space<vmem_shared>>
      %dma_start3A_15 = arith.constant 0 : i32
      %dma_start3A_16 = tpu.memref_slice %arg5[%mul3A_2, %dma_start3A_15] : memref<10240x16xf32, #tpu.memory_space<hbm>> -> memref<640x16xf32, #tpu.memory_space<hbm>>
      tpu.enqueue_dma source(%dma_start3A_16 : memref<640x16xf32, #tpu.memory_space<hbm>>) target(%dma_start3A_14 : memref<640x16xf32, #tpu.memory_space<vmem_shared>>) target_semaphore(%run_scoped3A : memref<!tpu.dma_semaphore, #tpu.memory_space<semaphore_mem>>)
      %dma_wait3A = arith.constant 0 : i32
      %dma_wait3A_17 = tpu.memref_slice %arg9[%mul3A_4, %dma_wait3A] : memref<10240x16xf32, #tpu.memory_space<vmem_shared>> -> memref<640x16xf32, #tpu.memory_space<vmem_shared>>
      %dma_wait3A_18 = arith.constant 0 : i32
      %dma_wait3A_19 = tpu.memref_slice %arg5[%mul3A_2, %dma_wait3A_18] : memref<10240x16xf32, #tpu.memory_space<hbm>> -> memref<640x16xf32, #tpu.memory_space<hbm>>
      tpu.wait_dma2 semaphore(%run_scoped3A : memref<!tpu.dma_semaphore, #tpu.memory_space<semaphore_mem>>) src(%dma_wait3A_19 : memref<640x16xf32, #tpu.memory_space<hbm>>) dst(%dma_wait3A_17 : memref<640x16xf32, #tpu.memory_space<vmem_shared>>)
      tpu.yield
    }) : () -> ()
    %barrier3A = arith.constant 0 : index
    tpu.barrier barrier_id(%barrier3A)
    %scan3A = arith.constant 0 : i32
    %scan3A_5 = arith.constant 10 : i32
    %scan3A_6 = arith.addi %scan3A, %scan3A_5 : i32
    %scan3A_7 = arith.constant 1 : i32
    scf.for %scan3A_14 = %scan3A to %scan3A_6 step %scan3A_7  : i32 {
      %mul3A_15 = arith.constant 1 : i32
      %mul3A_16 = arith.muli %scan3A_14, %mul3A_15 : i32
      %add3A_17 = arith.constant 0 : i32
      %add3A_18 = arith.addi %add3A_17, %mul3A_16 : i32
      %mul3A_19 = arith.constant 80 : i32
      %mul3A_20 = arith.muli %add3A, %mul3A_19 : i32
      %mul3A_21 = arith.constant 8 : i32
      %mul3A_22 = arith.muli %add3A_18, %mul3A_21 : i32
      %add3A_23 = arith.addi %mul3A_20, %mul3A_22 : i32
      "tpu.region"() ({
        %run_scoped3A_229 = tpu.sem_alloc : memref<!tpu.dma_semaphore, #tpu.memory_space<semaphore_mem>>
        %dma_start3A_230 = arith.constant 0 : i32
        %dma_start3A_231 = tpu.memref_slice %arg3[%add3A_23, %dma_start3A_230] : memref<2560x128xi32, #tpu.memory_space<hbm>> -> memref<8x128xi32, #tpu.memory_space<hbm>>
        %dma_start3A_232 = arith.constant 0 : i32
        %dma_start3A_233 = tpu.memref_slice %arg3[%add3A_23, %dma_start3A_232] : memref<2560x128xi32, #tpu.memory_space<hbm>> -> memref<8x128xi32, #tpu.memory_space<hbm>>
        tpu.enqueue_dma source(%dma_start3A_233 : memref<8x128xi32, #tpu.memory_space<hbm>>) target(%arg10 : memref<8x128xi32, #tpu.memory_space<vmem>>) target_semaphore(%run_scoped3A_229 : memref<!tpu.dma_semaphore, #tpu.memory_space<semaphore_mem>>)
        %dma_wait3A_234 = arith.constant 0 : i32
        %dma_wait3A_235 = tpu.memref_slice %arg3[%add3A_23, %dma_wait3A_234] : memref<2560x128xi32, #tpu.memory_space<hbm>> -> memref<8x128xi32, #tpu.memory_space<hbm>>
        %dma_wait3A_236 = arith.constant 0 : i32
        %dma_wait3A_237 = tpu.memref_slice %arg3[%add3A_23, %dma_wait3A_236] : memref<2560x128xi32, #tpu.memory_space<hbm>> -> memref<8x128xi32, #tpu.memory_space<hbm>>
        tpu.wait_dma2 semaphore(%run_scoped3A_229 : memref<!tpu.dma_semaphore, #tpu.memory_space<semaphore_mem>>) src(%dma_wait3A_237 : memref<8x128xi32, #tpu.memory_space<hbm>>) dst(%arg10 : memref<8x128xi32, #tpu.memory_space<vmem>>)
        tpu.yield
      }) : () -> ()
      "tpu.region"() ({
        %run_scoped3A_229 = tpu.sem_alloc : memref<!tpu.dma_semaphore, #tpu.memory_space<semaphore_mem>>
        %dma_start3A_230 = arith.constant 0 : i32
        %dma_start3A_231 = tpu.memref_slice %arg4[%add3A_23, %dma_start3A_230] : memref<2560x128xi32, #tpu.memory_space<hbm>> -> memref<8x128xi32, #tpu.memory_space<hbm>>
        %dma_start3A_232 = arith.constant 0 : i32
        %dma_start3A_233 = tpu.memref_slice %arg4[%add3A_23, %dma_start3A_232] : memref<2560x128xi32, #tpu.memory_space<hbm>> -> memref<8x128xi32, #tpu.memory_space<hbm>>
        tpu.enqueue_dma source(%dma_start3A_233 : memref<8x128xi32, #tpu.memory_space<hbm>>) target(%arg11 : memref<8x128xi32, #tpu.memory_space<vmem>>) target_semaphore(%run_scoped3A_229 : memref<!tpu.dma_semaphore, #tpu.memory_space<semaphore_mem>>)
        %dma_wait3A_234 = arith.constant 0 : i32
        %dma_wait3A_235 = tpu.memref_slice %arg4[%add3A_23, %dma_wait3A_234] : memref<2560x128xi32, #tpu.memory_space<hbm>> -> memref<8x128xi32, #tpu.memory_space<hbm>>
        %dma_wait3A_236 = arith.constant 0 : i32
        %dma_wait3A_237 = tpu.memref_slice %arg4[%add3A_23, %dma_wait3A_236] : memref<2560x128xi32, #tpu.memory_space<hbm>> -> memref<8x128xi32, #tpu.memory_space<hbm>>
        tpu.wait_dma2 semaphore(%run_scoped3A_229 : memref<!tpu.dma_semaphore, #tpu.memory_space<semaphore_mem>>) src(%dma_wait3A_237 : memref<8x128xi32, #tpu.memory_space<hbm>>) dst(%arg11 : memref<8x128xi32, #tpu.memory_space<vmem>>)
        tpu.yield
      }) : () -> ()
      %dma_start3A = arith.constant 0 : i32
      %dma_start3A_24 = arith.constant 0 : i32
      %dma_start3A_25 = arith.constant 0 : i32
      %dma_start3A_26 = arith.constant 0 : i32
      %dma_start3A_27 = tpu.memref_slice %arg12[%dma_start3A_24, %dma_start3A_25, %dma_start3A_26] : memref<4x128x16xf32, #tpu.memory_space<vmem>> -> memref<1x128x16xf32, #tpu.memory_space<vmem>>
      %dma_start3A_28 = tpu.memref_squeeze %dma_start3A_27 : memref<1x128x16xf32, #tpu.memory_space<vmem>> -> memref<128x16xf32, #tpu.memory_space<vmem>>
      %dma_start3A_29 = arith.constant 0 : i32
      %dma_start3A_30 = tpu.memref_slice %arg10[%dma_start3A, %dma_start3A_29] : memref<8x128xi32, #tpu.memory_space<vmem>> -> memref<1x128xi32, #tpu.memory_space<vmem>>
      %dma_start3A_31 = tpu.memref_squeeze %dma_start3A_30 : memref<1x128xi32, #tpu.memory_space<vmem>> -> memref<128xi32, #tpu.memory_space<vmem>>
      %dma_start3A_32 = arith.constant 0 : i32
      %dma_start3A_33 = arith.constant 0 : i32
      %dma_start3A_34 = tpu.memref_slice %arg2[%dma_start3A_32, %dma_start3A_33] : memref<10000x16xf32, #tpu.memory_space<hbm>> -> memref<10000x16xf32, #tpu.memory_space<hbm>>
      tpu.enqueue_indirect_dma source(%dma_start3A_34 : memref<10000x16xf32, #tpu.memory_space<hbm>>) target(%dma_start3A_28 : memref<128x16xf32, #tpu.memory_space<vmem>>) offsets(%dma_start3A_31 : memref<128xi32, #tpu.memory_space<vmem>>) semaphore(%arg13 : memref<!tpu.dma_semaphore, #tpu.memory_space<semaphore_mem>>)
      %dma_start3A_35 = arith.constant 1 : i32
      %dma_start3A_36 = arith.constant 1 : i32
      %dma_start3A_37 = arith.constant 0 : i32
      %dma_start3A_38 = arith.constant 0 : i32
      %dma_start3A_39 = tpu.memref_slice %arg12[%dma_start3A_36, %dma_start3A_37, %dma_start3A_38] : memref<4x128x16xf32, #tpu.memory_space<vmem>> -> memref<1x128x16xf32, #tpu.memory_space<vmem>>
      %dma_start3A_40 = tpu.memref_squeeze %dma_start3A_39 : memref<1x128x16xf32, #tpu.memory_space<vmem>> -> memref<128x16xf32, #tpu.memory_space<vmem>>
      %dma_start3A_41 = arith.constant 0 : i32
      %dma_start3A_42 = tpu.memref_slice %arg10[%dma_start3A_35, %dma_start3A_41] : memref<8x128xi32, #tpu.memory_space<vmem>> -> memref<1x128xi32, #tpu.memory_space<vmem>>
      %dma_start3A_43 = tpu.memref_squeeze %dma_start3A_42 : memref<1x128xi32, #tpu.memory_space<vmem>> -> memref<128xi32, #tpu.memory_space<vmem>>
      %dma_start3A_44 = arith.constant 0 : i32
      %dma_start3A_45 = arith.constant 0 : i32
      %dma_start3A_46 = tpu.memref_slice %arg2[%dma_start3A_44, %dma_start3A_45] : memref<10000x16xf32, #tpu.memory_space<hbm>> -> memref<10000x16xf32, #tpu.memory_space<hbm>>
      tpu.enqueue_indirect_dma source(%dma_start3A_46 : memref<10000x16xf32, #tpu.memory_space<hbm>>) target(%dma_start3A_40 : memref<128x16xf32, #tpu.memory_space<vmem>>) offsets(%dma_start3A_43 : memref<128xi32, #tpu.memory_space<vmem>>) semaphore(%arg14 : memref<!tpu.dma_semaphore, #tpu.memory_space<semaphore_mem>>)
      %dma_start3A_47 = arith.constant 2 : i32
      %dma_start3A_48 = arith.constant 2 : i32
      %dma_start3A_49 = arith.constant 0 : i32
      %dma_start3A_50 = arith.constant 0 : i32
      %dma_start3A_51 = tpu.memref_slice %arg12[%dma_start3A_48, %dma_start3A_49, %dma_start3A_50] : memref<4x128x16xf32, #tpu.memory_space<vmem>> -> memref<1x128x16xf32, #tpu.memory_space<vmem>>
      %dma_start3A_52 = tpu.memref_squeeze %dma_start3A_51 : memref<1x128x16xf32, #tpu.memory_space<vmem>> -> memref<128x16xf32, #tpu.memory_space<vmem>>
      %dma_start3A_53 = arith.constant 0 : i32
      %dma_start3A_54 = tpu.memref_slice %arg10[%dma_start3A_47, %dma_start3A_53] : memref<8x128xi32, #tpu.memory_space<vmem>> -> memref<1x128xi32, #tpu.memory_space<vmem>>
      %dma_start3A_55 = tpu.memref_squeeze %dma_start3A_54 : memref<1x128xi32, #tpu.memory_space<vmem>> -> memref<128xi32, #tpu.memory_space<vmem>>
      %dma_start3A_56 = arith.constant 0 : i32
      %dma_start3A_57 = arith.constant 0 : i32
      %dma_start3A_58 = tpu.memref_slice %arg2[%dma_start3A_56, %dma_start3A_57] : memref<10000x16xf32, #tpu.memory_space<hbm>> -> memref<10000x16xf32, #tpu.memory_space<hbm>>
      tpu.enqueue_indirect_dma source(%dma_start3A_58 : memref<10000x16xf32, #tpu.memory_space<hbm>>) target(%dma_start3A_52 : memref<128x16xf32, #tpu.memory_space<vmem>>) offsets(%dma_start3A_55 : memref<128xi32, #tpu.memory_space<vmem>>) semaphore(%arg15 : memref<!tpu.dma_semaphore, #tpu.memory_space<semaphore_mem>>)
      %dma_start3A_59 = arith.constant 3 : i32
      %dma_start3A_60 = arith.constant 3 : i32
      %dma_start3A_61 = arith.constant 0 : i32
      %dma_start3A_62 = arith.constant 0 : i32
      %dma_start3A_63 = tpu.memref_slice %arg12[%dma_start3A_60, %dma_start3A_61, %dma_start3A_62] : memref<4x128x16xf32, #tpu.memory_space<vmem>> -> memref<1x128x16xf32, #tpu.memory_space<vmem>>
      %dma_start3A_64 = tpu.memref_squeeze %dma_start3A_63 : memref<1x128x16xf32, #tpu.memory_space<vmem>> -> memref<128x16xf32, #tpu.memory_space<vmem>>
      %dma_start3A_65 = arith.constant 0 : i32
      %dma_start3A_66 = tpu.memref_slice %arg10[%dma_start3A_59, %dma_start3A_65] : memref<8x128xi32, #tpu.memory_space<vmem>> -> memref<1x128xi32, #tpu.memory_space<vmem>>
      %dma_start3A_67 = tpu.memref_squeeze %dma_start3A_66 : memref<1x128xi32, #tpu.memory_space<vmem>> -> memref<128xi32, #tpu.memory_space<vmem>>
      %dma_start3A_68 = arith.constant 0 : i32
      %dma_start3A_69 = arith.constant 0 : i32
      %dma_start3A_70 = tpu.memref_slice %arg2[%dma_start3A_68, %dma_start3A_69] : memref<10000x16xf32, #tpu.memory_space<hbm>> -> memref<10000x16xf32, #tpu.memory_space<hbm>>
      tpu.enqueue_indirect_dma source(%dma_start3A_70 : memref<10000x16xf32, #tpu.memory_space<hbm>>) target(%dma_start3A_64 : memref<128x16xf32, #tpu.memory_space<vmem>>) offsets(%dma_start3A_67 : memref<128xi32, #tpu.memory_space<vmem>>) semaphore(%arg16 : memref<!tpu.dma_semaphore, #tpu.memory_space<semaphore_mem>>)
      %dma_wait3A = arith.constant 0 : i32
      %dma_wait3A_71 = arith.constant 0 : i32
      %dma_wait3A_72 = arith.constant 0 : i32
      %dma_wait3A_73 = arith.constant 0 : i32
      %dma_wait3A_74 = tpu.memref_slice %arg12[%dma_wait3A_71, %dma_wait3A_72, %dma_wait3A_73] : memref<4x128x16xf32, #tpu.memory_space<vmem>> -> memref<1x128x16xf32, #tpu.memory_space<vmem>>
      %dma_wait3A_75 = tpu.memref_squeeze %dma_wait3A_74 : memref<1x128x16xf32, #tpu.memory_space<vmem>> -> memref<128x16xf32, #tpu.memory_space<vmem>>
      %dma_wait3A_76 = arith.constant 0 : i32
      %dma_wait3A_77 = tpu.memref_slice %arg10[%dma_wait3A, %dma_wait3A_76] : memref<8x128xi32, #tpu.memory_space<vmem>> -> memref<1x128xi32, #tpu.memory_space<vmem>>
      %dma_wait3A_78 = tpu.memref_squeeze %dma_wait3A_77 : memref<1x128xi32, #tpu.memory_space<vmem>> -> memref<128xi32, #tpu.memory_space<vmem>>
      %dma_wait3A_79 = arith.constant 0 : i32
      %dma_wait3A_80 = arith.constant 0 : i32
      %dma_wait3A_81 = tpu.memref_slice %arg2[%dma_wait3A_79, %dma_wait3A_80] : memref<10000x16xf32, #tpu.memory_space<hbm>> -> memref<10000x16xf32, #tpu.memory_space<hbm>>
      tpu.wait_indirect_dma semaphore(%arg13 : memref<!tpu.dma_semaphore, #tpu.memory_space<semaphore_mem>>) src(%dma_wait3A_81 : memref<10000x16xf32, #tpu.memory_space<hbm>>) dst(%dma_wait3A_75 : memref<128x16xf32, #tpu.memory_space<vmem>>)
      %run_scoped3A = arith.constant 0 : i32
      %run_scoped3A_82 = arith.constant 0 : i32
      "tpu.region"() ({
        %run_scoped3A_229 = tpu.sem_alloc : memref<!tpu.dma_semaphore, #tpu.memory_space<semaphore_mem>>
        %dma_start3A_230 = arith.constant 0 : i32
        %dma_start3A_231 = arith.constant 0 : i32
        %dma_start3A_232 = tpu.memref_slice %arg12[%run_scoped3A, %dma_start3A_230, %dma_start3A_231] : memref<4x128x16xf32, #tpu.memory_space<vmem>> -> memref<1x128x16xf32, #tpu.memory_space<vmem>>
        %dma_start3A_233 = tpu.memref_squeeze %dma_start3A_232 : memref<1x128x16xf32, #tpu.memory_space<vmem>> -> memref<128x16xf32, #tpu.memory_space<vmem>>
        %dma_start3A_234 = arith.constant 0 : i32
        %dma_start3A_235 = tpu.memref_slice %arg11[%run_scoped3A_82, %dma_start3A_234] : memref<8x128xi32, #tpu.memory_space<vmem>> -> memref<1x128xi32, #tpu.memory_space<vmem>>
        %dma_start3A_236 = tpu.memref_squeeze %dma_start3A_235 : memref<1x128xi32, #tpu.memory_space<vmem>> -> memref<128xi32, #tpu.memory_space<vmem>>
        %dma_start3A_237 = arith.constant 0 : i32
        %dma_start3A_238 = arith.constant 0 : i32
        %dma_start3A_239 = tpu.memref_slice %arg9[%dma_start3A_237, %dma_start3A_238] : memref<10240x16xf32, #tpu.memory_space<vmem_shared>> -> memref<10240x16xf32, #tpu.memory_space<vmem_shared>>
        tpu.enqueue_indirect_dma source(%dma_start3A_233 : memref<128x16xf32, #tpu.memory_space<vmem>>) target(%dma_start3A_239 : memref<10240x16xf32, #tpu.memory_space<vmem_shared>>) offsets(%dma_start3A_236 : memref<128xi32, #tpu.memory_space<vmem>>) semaphore(%run_scoped3A_229 : memref<!tpu.dma_semaphore, #tpu.memory_space<semaphore_mem>>) {add = true}
        %dma_wait3A_240 = arith.constant 0 : i32
        %dma_wait3A_241 = arith.constant 0 : i32
        %dma_wait3A_242 = tpu.memref_slice %arg12[%run_scoped3A, %dma_wait3A_240, %dma_wait3A_241] : memref<4x128x16xf32, #tpu.memory_space<vmem>> -> memref<1x128x16xf32, #tpu.memory_space<vmem>>
        %dma_wait3A_243 = tpu.memref_squeeze %dma_wait3A_242 : memref<1x128x16xf32, #tpu.memory_space<vmem>> -> memref<128x16xf32, #tpu.memory_space<vmem>>
        %dma_wait3A_244 = arith.constant 0 : i32
        %dma_wait3A_245 = tpu.memref_slice %arg11[%run_scoped3A_82, %dma_wait3A_244] : memref<8x128xi32, #tpu.memory_space<vmem>> -> memref<1x128xi32, #tpu.memory_space<vmem>>
        %dma_wait3A_246 = tpu.memref_squeeze %dma_wait3A_245 : memref<1x128xi32, #tpu.memory_space<vmem>> -> memref<128xi32, #tpu.memory_space<vmem>>
        %dma_wait3A_247 = arith.constant 0 : i32
        %dma_wait3A_248 = arith.constant 0 : i32
        %dma_wait3A_249 = tpu.memref_slice %arg9[%dma_wait3A_247, %dma_wait3A_248] : memref<10240x16xf32, #tpu.memory_space<vmem_shared>> -> memref<10240x16xf32, #tpu.memory_space<vmem_shared>>
        tpu.wait_indirect_dma semaphore(%run_scoped3A_229 : memref<!tpu.dma_semaphore, #tpu.memory_space<semaphore_mem>>) src(%dma_wait3A_243 : memref<128x16xf32, #tpu.memory_space<vmem>>) dst(%dma_wait3A_249 : memref<10240x16xf32, #tpu.memory_space<vmem_shared>>)
        tpu.yield
      }) : () -> ()
      %dma_start3A_83 = arith.constant 4 : i32
      %dma_start3A_84 = arith.constant 0 : i32
      %dma_start3A_85 = arith.constant 0 : i32
      %dma_start3A_86 = arith.constant 0 : i32
      %dma_start3A_87 = tpu.memref_slice %arg12[%dma_start3A_84, %dma_start3A_85, %dma_start3A_86] : memref<4x128x16xf32, #tpu.memory_space<vmem>> -> memref<1x128x16xf32, #tpu.memory_space<vmem>>
      %dma_start3A_88 = tpu.memref_squeeze %dma_start3A_87 : memref<1x128x16xf32, #tpu.memory_space<vmem>> -> memref<128x16xf32, #tpu.memory_space<vmem>>
      %dma_start3A_89 = arith.constant 0 : i32
      %dma_start3A_90 = tpu.memref_slice %arg10[%dma_start3A_83, %dma_start3A_89] : memref<8x128xi32, #tpu.memory_space<vmem>> -> memref<1x128xi32, #tpu.memory_space<vmem>>
      %dma_start3A_91 = tpu.memref_squeeze %dma_start3A_90 : memref<1x128xi32, #tpu.memory_space<vmem>> -> memref<128xi32, #tpu.memory_space<vmem>>
      %dma_start3A_92 = arith.constant 0 : i32
      %dma_start3A_93 = arith.constant 0 : i32
      %dma_start3A_94 = tpu.memref_slice %arg2[%dma_start3A_92, %dma_start3A_93] : memref<10000x16xf32, #tpu.memory_space<hbm>> -> memref<10000x16xf32, #tpu.memory_space<hbm>>
      tpu.enqueue_indirect_dma source(%dma_start3A_94 : memref<10000x16xf32, #tpu.memory_space<hbm>>) target(%dma_start3A_88 : memref<128x16xf32, #tpu.memory_space<vmem>>) offsets(%dma_start3A_91 : memref<128xi32, #tpu.memory_space<vmem>>) semaphore(%arg13 : memref<!tpu.dma_semaphore, #tpu.memory_space<semaphore_mem>>)
      %dma_wait3A_95 = arith.constant 1 : i32
      %dma_wait3A_96 = arith.constant 1 : i32
      %dma_wait3A_97 = arith.constant 0 : i32
      %dma_wait3A_98 = arith.constant 0 : i32
      %dma_wait3A_99 = tpu.memref_slice %arg12[%dma_wait3A_96, %dma_wait3A_97, %dma_wait3A_98] : memref<4x128x16xf32, #tpu.memory_space<vmem>> -> memref<1x128x16xf32, #tpu.memory_space<vmem>>
      %dma_wait3A_100 = tpu.memref_squeeze %dma_wait3A_99 : memref<1x128x16xf32, #tpu.memory_space<vmem>> -> memref<128x16xf32, #tpu.memory_space<vmem>>
      %dma_wait3A_101 = arith.constant 0 : i32
      %dma_wait3A_102 = tpu.memref_slice %arg10[%dma_wait3A_95, %dma_wait3A_101] : memref<8x128xi32, #tpu.memory_space<vmem>> -> memref<1x128xi32, #tpu.memory_space<vmem>>
      %dma_wait3A_103 = tpu.memref_squeeze %dma_wait3A_102 : memref<1x128xi32, #tpu.memory_space<vmem>> -> memref<128xi32, #tpu.memory_space<vmem>>
      %dma_wait3A_104 = arith.constant 0 : i32
      %dma_wait3A_105 = arith.constant 0 : i32
      %dma_wait3A_106 = tpu.memref_slice %arg2[%dma_wait3A_104, %dma_wait3A_105] : memref<10000x16xf32, #tpu.memory_space<hbm>> -> memref<10000x16xf32, #tpu.memory_space<hbm>>
      tpu.wait_indirect_dma semaphore(%arg14 : memref<!tpu.dma_semaphore, #tpu.memory_space<semaphore_mem>>) src(%dma_wait3A_106 : memref<10000x16xf32, #tpu.memory_space<hbm>>) dst(%dma_wait3A_100 : memref<128x16xf32, #tpu.memory_space<vmem>>)
      %run_scoped3A_107 = arith.constant 1 : i32
      %run_scoped3A_108 = arith.constant 1 : i32
      "tpu.region"() ({
        %run_scoped3A_229 = tpu.sem_alloc : memref<!tpu.dma_semaphore, #tpu.memory_space<semaphore_mem>>
        %dma_start3A_230 = arith.constant 0 : i32
        %dma_start3A_231 = arith.constant 0 : i32
        %dma_start3A_232 = tpu.memref_slice %arg12[%run_scoped3A_107, %dma_start3A_230, %dma_start3A_231] : memref<4x128x16xf32, #tpu.memory_space<vmem>> -> memref<1x128x16xf32, #tpu.memory_space<vmem>>
        %dma_start3A_233 = tpu.memref_squeeze %dma_start3A_232 : memref<1x128x16xf32, #tpu.memory_space<vmem>> -> memref<128x16xf32, #tpu.memory_space<vmem>>
        %dma_start3A_234 = arith.constant 0 : i32
        %dma_start3A_235 = tpu.memref_slice %arg11[%run_scoped3A_108, %dma_start3A_234] : memref<8x128xi32, #tpu.memory_space<vmem>> -> memref<1x128xi32, #tpu.memory_space<vmem>>
        %dma_start3A_236 = tpu.memref_squeeze %dma_start3A_235 : memref<1x128xi32, #tpu.memory_space<vmem>> -> memref<128xi32, #tpu.memory_space<vmem>>
        %dma_start3A_237 = arith.constant 0 : i32
        %dma_start3A_238 = arith.constant 0 : i32
        %dma_start3A_239 = tpu.memref_slice %arg9[%dma_start3A_237, %dma_start3A_238] : memref<10240x16xf32, #tpu.memory_space<vmem_shared>> -> memref<10240x16xf32, #tpu.memory_space<vmem_shared>>
        tpu.enqueue_indirect_dma source(%dma_start3A_233 : memref<128x16xf32, #tpu.memory_space<vmem>>) target(%dma_start3A_239 : memref<10240x16xf32, #tpu.memory_space<vmem_shared>>) offsets(%dma_start3A_236 : memref<128xi32, #tpu.memory_space<vmem>>) semaphore(%run_scoped3A_229 : memref<!tpu.dma_semaphore, #tpu.memory_space<semaphore_mem>>) {add = true}
        %dma_wait3A_240 = arith.constant 0 : i32
        %dma_wait3A_241 = arith.constant 0 : i32
        %dma_wait3A_242 = tpu.memref_slice %arg12[%run_scoped3A_107, %dma_wait3A_240, %dma_wait3A_241] : memref<4x128x16xf32, #tpu.memory_space<vmem>> -> memref<1x128x16xf32, #tpu.memory_space<vmem>>
        %dma_wait3A_243 = tpu.memref_squeeze %dma_wait3A_242 : memref<1x128x16xf32, #tpu.memory_space<vmem>> -> memref<128x16xf32, #tpu.memory_space<vmem>>
        %dma_wait3A_244 = arith.constant 0 : i32
        %dma_wait3A_245 = tpu.memref_slice %arg11[%run_scoped3A_108, %dma_wait3A_244] : memref<8x128xi32, #tpu.memory_space<vmem>> -> memref<1x128xi32, #tpu.memory_space<vmem>>
        %dma_wait3A_246 = tpu.memref_squeeze %dma_wait3A_245 : memref<1x128xi32, #tpu.memory_space<vmem>> -> memref<128xi32, #tpu.memory_space<vmem>>
        %dma_wait3A_247 = arith.constant 0 : i32
        %dma_wait3A_248 = arith.constant 0 : i32
        %dma_wait3A_249 = tpu.memref_slice %arg9[%dma_wait3A_247, %dma_wait3A_248] : memref<10240x16xf32, #tpu.memory_space<vmem_shared>> -> memref<10240x16xf32, #tpu.memory_space<vmem_shared>>
        tpu.wait_indirect_dma semaphore(%run_scoped3A_229 : memref<!tpu.dma_semaphore, #tpu.memory_space<semaphore_mem>>) src(%dma_wait3A_243 : memref<128x16xf32, #tpu.memory_space<vmem>>) dst(%dma_wait3A_249 : memref<10240x16xf32, #tpu.memory_space<vmem_shared>>)
        tpu.yield
      }) : () -> ()
      %dma_start3A_109 = arith.constant 5 : i32
      %dma_start3A_110 = arith.constant 1 : i32
      %dma_start3A_111 = arith.constant 0 : i32
      %dma_start3A_112 = arith.constant 0 : i32
      %dma_start3A_113 = tpu.memref_slice %arg12[%dma_start3A_110, %dma_start3A_111, %dma_start3A_112] : memref<4x128x16xf32, #tpu.memory_space<vmem>> -> memref<1x128x16xf32, #tpu.memory_space<vmem>>
      %dma_start3A_114 = tpu.memref_squeeze %dma_start3A_113 : memref<1x128x16xf32, #tpu.memory_space<vmem>> -> memref<128x16xf32, #tpu.memory_space<vmem>>
      %dma_start3A_115 = arith.constant 0 : i32
      %dma_start3A_116 = tpu.memref_slice %arg10[%dma_start3A_109, %dma_start3A_115] : memref<8x128xi32, #tpu.memory_space<vmem>> -> memref<1x128xi32, #tpu.memory_space<vmem>>
      %dma_start3A_117 = tpu.memref_squeeze %dma_start3A_116 : memref<1x128xi32, #tpu.memory_space<vmem>> -> memref<128xi32, #tpu.memory_space<vmem>>
      %dma_start3A_118 = arith.constant 0 : i32
      %dma_start3A_119 = arith.constant 0 : i32
      %dma_start3A_120 = tpu.memref_slice %arg2[%dma_start3A_118, %dma_start3A_119] : memref<10000x16xf32, #tpu.memory_space<hbm>> -> memref<10000x16xf32, #tpu.memory_space<hbm>>
      tpu.enqueue_indirect_dma source(%dma_start3A_120 : memref<10000x16xf32, #tpu.memory_space<hbm>>) target(%dma_start3A_114 : memref<128x16xf32, #tpu.memory_space<vmem>>) offsets(%dma_start3A_117 : memref<128xi32, #tpu.memory_space<vmem>>) semaphore(%arg14 : memref<!tpu.dma_semaphore, #tpu.memory_space<semaphore_mem>>)
      %dma_wait3A_121 = arith.constant 2 : i32
      %dma_wait3A_122 = arith.constant 2 : i32
      %dma_wait3A_123 = arith.constant 0 : i32
      %dma_wait3A_124 = arith.constant 0 : i32
      %dma_wait3A_125 = tpu.memref_slice %arg12[%dma_wait3A_122, %dma_wait3A_123, %dma_wait3A_124] : memref<4x128x16xf32, #tpu.memory_space<vmem>> -> memref<1x128x16xf32, #tpu.memory_space<vmem>>
      %dma_wait3A_126 = tpu.memref_squeeze %dma_wait3A_125 : memref<1x128x16xf32, #tpu.memory_space<vmem>> -> memref<128x16xf32, #tpu.memory_space<vmem>>
      %dma_wait3A_127 = arith.constant 0 : i32
      %dma_wait3A_128 = tpu.memref_slice %arg10[%dma_wait3A_121, %dma_wait3A_127] : memref<8x128xi32, #tpu.memory_space<vmem>> -> memref<1x128xi32, #tpu.memory_space<vmem>>
      %dma_wait3A_129 = tpu.memref_squeeze %dma_wait3A_128 : memref<1x128xi32, #tpu.memory_space<vmem>> -> memref<128xi32, #tpu.memory_space<vmem>>
      %dma_wait3A_130 = arith.constant 0 : i32
      %dma_wait3A_131 = arith.constant 0 : i32
      %dma_wait3A_132 = tpu.memref_slice %arg2[%dma_wait3A_130, %dma_wait3A_131] : memref<10000x16xf32, #tpu.memory_space<hbm>> -> memref<10000x16xf32, #tpu.memory_space<hbm>>
      tpu.wait_indirect_dma semaphore(%arg15 : memref<!tpu.dma_semaphore, #tpu.memory_space<semaphore_mem>>) src(%dma_wait3A_132 : memref<10000x16xf32, #tpu.memory_space<hbm>>) dst(%dma_wait3A_126 : memref<128x16xf32, #tpu.memory_space<vmem>>)
      %run_scoped3A_133 = arith.constant 2 : i32
      %run_scoped3A_134 = arith.constant 2 : i32
      "tpu.region"() ({
        %run_scoped3A_229 = tpu.sem_alloc : memref<!tpu.dma_semaphore, #tpu.memory_space<semaphore_mem>>
        %dma_start3A_230 = arith.constant 0 : i32
        %dma_start3A_231 = arith.constant 0 : i32
        %dma_start3A_232 = tpu.memref_slice %arg12[%run_scoped3A_133, %dma_start3A_230, %dma_start3A_231] : memref<4x128x16xf32, #tpu.memory_space<vmem>> -> memref<1x128x16xf32, #tpu.memory_space<vmem>>
        %dma_start3A_233 = tpu.memref_squeeze %dma_start3A_232 : memref<1x128x16xf32, #tpu.memory_space<vmem>> -> memref<128x16xf32, #tpu.memory_space<vmem>>
        %dma_start3A_234 = arith.constant 0 : i32
        %dma_start3A_235 = tpu.memref_slice %arg11[%run_scoped3A_134, %dma_start3A_234] : memref<8x128xi32, #tpu.memory_space<vmem>> -> memref<1x128xi32, #tpu.memory_space<vmem>>
        %dma_start3A_236 = tpu.memref_squeeze %dma_start3A_235 : memref<1x128xi32, #tpu.memory_space<vmem>> -> memref<128xi32, #tpu.memory_space<vmem>>
        %dma_start3A_237 = arith.constant 0 : i32
        %dma_start3A_238 = arith.constant 0 : i32
        %dma_start3A_239 = tpu.memref_slice %arg9[%dma_start3A_237, %dma_start3A_238] : memref<10240x16xf32, #tpu.memory_space<vmem_shared>> -> memref<10240x16xf32, #tpu.memory_space<vmem_shared>>
        tpu.enqueue_indirect_dma source(%dma_start3A_233 : memref<128x16xf32, #tpu.memory_space<vmem>>) target(%dma_start3A_239 : memref<10240x16xf32, #tpu.memory_space<vmem_shared>>) offsets(%dma_start3A_236 : memref<128xi32, #tpu.memory_space<vmem>>) semaphore(%run_scoped3A_229 : memref<!tpu.dma_semaphore, #tpu.memory_space<semaphore_mem>>) {add = true}
        %dma_wait3A_240 = arith.constant 0 : i32
        %dma_wait3A_241 = arith.constant 0 : i32
        %dma_wait3A_242 = tpu.memref_slice %arg12[%run_scoped3A_133, %dma_wait3A_240, %dma_wait3A_241] : memref<4x128x16xf32, #tpu.memory_space<vmem>> -> memref<1x128x16xf32, #tpu.memory_space<vmem>>
        %dma_wait3A_243 = tpu.memref_squeeze %dma_wait3A_242 : memref<1x128x16xf32, #tpu.memory_space<vmem>> -> memref<128x16xf32, #tpu.memory_space<vmem>>
        %dma_wait3A_244 = arith.constant 0 : i32
        %dma_wait3A_245 = tpu.memref_slice %arg11[%run_scoped3A_134, %dma_wait3A_244] : memref<8x128xi32, #tpu.memory_space<vmem>> -> memref<1x128xi32, #tpu.memory_space<vmem>>
        %dma_wait3A_246 = tpu.memref_squeeze %dma_wait3A_245 : memref<1x128xi32, #tpu.memory_space<vmem>> -> memref<128xi32, #tpu.memory_space<vmem>>
        %dma_wait3A_247 = arith.constant 0 : i32
        %dma_wait3A_248 = arith.constant 0 : i32
        %dma_wait3A_249 = tpu.memref_slice %arg9[%dma_wait3A_247, %dma_wait3A_248] : memref<10240x16xf32, #tpu.memory_space<vmem_shared>> -> memref<10240x16xf32, #tpu.memory_space<vmem_shared>>
        tpu.wait_indirect_dma semaphore(%run_scoped3A_229 : memref<!tpu.dma_semaphore, #tpu.memory_space<semaphore_mem>>) src(%dma_wait3A_243 : memref<128x16xf32, #tpu.memory_space<vmem>>) dst(%dma_wait3A_249 : memref<10240x16xf32, #tpu.memory_space<vmem_shared>>)
        tpu.yield
      }) : () -> ()
      %dma_start3A_135 = arith.constant 6 : i32
      %dma_start3A_136 = arith.constant 2 : i32
      %dma_start3A_137 = arith.constant 0 : i32
      %dma_start3A_138 = arith.constant 0 : i32
      %dma_start3A_139 = tpu.memref_slice %arg12[%dma_start3A_136, %dma_start3A_137, %dma_start3A_138] : memref<4x128x16xf32, #tpu.memory_space<vmem>> -> memref<1x128x16xf32, #tpu.memory_space<vmem>>
      %dma_start3A_140 = tpu.memref_squeeze %dma_start3A_139 : memref<1x128x16xf32, #tpu.memory_space<vmem>> -> memref<128x16xf32, #tpu.memory_space<vmem>>
      %dma_start3A_141 = arith.constant 0 : i32
      %dma_start3A_142 = tpu.memref_slice %arg10[%dma_start3A_135, %dma_start3A_141] : memref<8x128xi32, #tpu.memory_space<vmem>> -> memref<1x128xi32, #tpu.memory_space<vmem>>
      %dma_start3A_143 = tpu.memref_squeeze %dma_start3A_142 : memref<1x128xi32, #tpu.memory_space<vmem>> -> memref<128xi32, #tpu.memory_space<vmem>>
      %dma_start3A_144 = arith.constant 0 : i32
      %dma_start3A_145 = arith.constant 0 : i32
      %dma_start3A_146 = tpu.memref_slice %arg2[%dma_start3A_144, %dma_start3A_145] : memref<10000x16xf32, #tpu.memory_space<hbm>> -> memref<10000x16xf32, #tpu.memory_space<hbm>>
      tpu.enqueue_indirect_dma source(%dma_start3A_146 : memref<10000x16xf32, #tpu.memory_space<hbm>>) target(%dma_start3A_140 : memref<128x16xf32, #tpu.memory_space<vmem>>) offsets(%dma_start3A_143 : memref<128xi32, #tpu.memory_space<vmem>>) semaphore(%arg15 : memref<!tpu.dma_semaphore, #tpu.memory_space<semaphore_mem>>)
      %dma_wait3A_147 = arith.constant 3 : i32
      %dma_wait3A_148 = arith.constant 3 : i32
      %dma_wait3A_149 = arith.constant 0 : i32
      %dma_wait3A_150 = arith.constant 0 : i32
      %dma_wait3A_151 = tpu.memref_slice %arg12[%dma_wait3A_148, %dma_wait3A_149, %dma_wait3A_150] : memref<4x128x16xf32, #tpu.memory_space<vmem>> -> memref<1x128x16xf32, #tpu.memory_space<vmem>>
      %dma_wait3A_152 = tpu.memref_squeeze %dma_wait3A_151 : memref<1x128x16xf32, #tpu.memory_space<vmem>> -> memref<128x16xf32, #tpu.memory_space<vmem>>
      %dma_wait3A_153 = arith.constant 0 : i32
      %dma_wait3A_154 = tpu.memref_slice %arg10[%dma_wait3A_147, %dma_wait3A_153] : memref<8x128xi32, #tpu.memory_space<vmem>> -> memref<1x128xi32, #tpu.memory_space<vmem>>
      %dma_wait3A_155 = tpu.memref_squeeze %dma_wait3A_154 : memref<1x128xi32, #tpu.memory_space<vmem>> -> memref<128xi32, #tpu.memory_space<vmem>>
      %dma_wait3A_156 = arith.constant 0 : i32
      %dma_wait3A_157 = arith.constant 0 : i32
      %dma_wait3A_158 = tpu.memref_slice %arg2[%dma_wait3A_156, %dma_wait3A_157] : memref<10000x16xf32, #tpu.memory_space<hbm>> -> memref<10000x16xf32, #tpu.memory_space<hbm>>
      tpu.wait_indirect_dma semaphore(%arg16 : memref<!tpu.dma_semaphore, #tpu.memory_space<semaphore_mem>>) src(%dma_wait3A_158 : memref<10000x16xf32, #tpu.memory_space<hbm>>) dst(%dma_wait3A_152 : memref<128x16xf32, #tpu.memory_space<vmem>>)
      %run_scoped3A_159 = arith.constant 3 : i32
      %run_scoped3A_160 = arith.constant 3 : i32
      "tpu.region"() ({
        %run_scoped3A_229 = tpu.sem_alloc : memref<!tpu.dma_semaphore, #tpu.memory_space<semaphore_mem>>
        %dma_start3A_230 = arith.constant 0 : i32
        %dma_start3A_231 = arith.constant 0 : i32
        %dma_start3A_232 = tpu.memref_slice %arg12[%run_scoped3A_159, %dma_start3A_230, %dma_start3A_231] : memref<4x128x16xf32, #tpu.memory_space<vmem>> -> memref<1x128x16xf32, #tpu.memory_space<vmem>>
        %dma_start3A_233 = tpu.memref_squeeze %dma_start3A_232 : memref<1x128x16xf32, #tpu.memory_space<vmem>> -> memref<128x16xf32, #tpu.memory_space<vmem>>
        %dma_start3A_234 = arith.constant 0 : i32
        %dma_start3A_235 = tpu.memref_slice %arg11[%run_scoped3A_160, %dma_start3A_234] : memref<8x128xi32, #tpu.memory_space<vmem>> -> memref<1x128xi32, #tpu.memory_space<vmem>>
        %dma_start3A_236 = tpu.memref_squeeze %dma_start3A_235 : memref<1x128xi32, #tpu.memory_space<vmem>> -> memref<128xi32, #tpu.memory_space<vmem>>
        %dma_start3A_237 = arith.constant 0 : i32
        %dma_start3A_238 = arith.constant 0 : i32
        %dma_start3A_239 = tpu.memref_slice %arg9[%dma_start3A_237, %dma_start3A_238] : memref<10240x16xf32, #tpu.memory_space<vmem_shared>> -> memref<10240x16xf32, #tpu.memory_space<vmem_shared>>
        tpu.enqueue_indirect_dma source(%dma_start3A_233 : memref<128x16xf32, #tpu.memory_space<vmem>>) target(%dma_start3A_239 : memref<10240x16xf32, #tpu.memory_space<vmem_shared>>) offsets(%dma_start3A_236 : memref<128xi32, #tpu.memory_space<vmem>>) semaphore(%run_scoped3A_229 : memref<!tpu.dma_semaphore, #tpu.memory_space<semaphore_mem>>) {add = true}
        %dma_wait3A_240 = arith.constant 0 : i32
        %dma_wait3A_241 = arith.constant 0 : i32
        %dma_wait3A_242 = tpu.memref_slice %arg12[%run_scoped3A_159, %dma_wait3A_240, %dma_wait3A_241] : memref<4x128x16xf32, #tpu.memory_space<vmem>> -> memref<1x128x16xf32, #tpu.memory_space<vmem>>
        %dma_wait3A_243 = tpu.memref_squeeze %dma_wait3A_242 : memref<1x128x16xf32, #tpu.memory_space<vmem>> -> memref<128x16xf32, #tpu.memory_space<vmem>>
        %dma_wait3A_244 = arith.constant 0 : i32
        %dma_wait3A_245 = tpu.memref_slice %arg11[%run_scoped3A_160, %dma_wait3A_244] : memref<8x128xi32, #tpu.memory_space<vmem>> -> memref<1x128xi32, #tpu.memory_space<vmem>>
        %dma_wait3A_246 = tpu.memref_squeeze %dma_wait3A_245 : memref<1x128xi32, #tpu.memory_space<vmem>> -> memref<128xi32, #tpu.memory_space<vmem>>
        %dma_wait3A_247 = arith.constant 0 : i32
        %dma_wait3A_248 = arith.constant 0 : i32
        %dma_wait3A_249 = tpu.memref_slice %arg9[%dma_wait3A_247, %dma_wait3A_248] : memref<10240x16xf32, #tpu.memory_space<vmem_shared>> -> memref<10240x16xf32, #tpu.memory_space<vmem_shared>>
        tpu.wait_indirect_dma semaphore(%run_scoped3A_229 : memref<!tpu.dma_semaphore, #tpu.memory_space<semaphore_mem>>) src(%dma_wait3A_243 : memref<128x16xf32, #tpu.memory_space<vmem>>) dst(%dma_wait3A_249 : memref<10240x16xf32, #tpu.memory_space<vmem_shared>>)
        tpu.yield
      }) : () -> ()
      %dma_start3A_161 = arith.constant 7 : i32
      %dma_start3A_162 = arith.constant 3 : i32
      %dma_start3A_163 = arith.constant 0 : i32
      %dma_start3A_164 = arith.constant 0 : i32
      %dma_start3A_165 = tpu.memref_slice %arg12[%dma_start3A_162, %dma_start3A_163, %dma_start3A_164] : memref<4x128x16xf32, #tpu.memory_space<vmem>> -> memref<1x128x16xf32, #tpu.memory_space<vmem>>
      %dma_start3A_166 = tpu.memref_squeeze %dma_start3A_165 : memref<1x128x16xf32, #tpu.memory_space<vmem>> -> memref<128x16xf32, #tpu.memory_space<vmem>>
      %dma_start3A_167 = arith.constant 0 : i32
      %dma_start3A_168 = tpu.memref_slice %arg10[%dma_start3A_161, %dma_start3A_167] : memref<8x128xi32, #tpu.memory_space<vmem>> -> memref<1x128xi32, #tpu.memory_space<vmem>>
      %dma_start3A_169 = tpu.memref_squeeze %dma_start3A_168 : memref<1x128xi32, #tpu.memory_space<vmem>> -> memref<128xi32, #tpu.memory_space<vmem>>
      %dma_start3A_170 = arith.constant 0 : i32
      %dma_start3A_171 = arith.constant 0 : i32
      %dma_start3A_172 = tpu.memref_slice %arg2[%dma_start3A_170, %dma_start3A_171] : memref<10000x16xf32, #tpu.memory_space<hbm>> -> memref<10000x16xf32, #tpu.memory_space<hbm>>
      tpu.enqueue_indirect_dma source(%dma_start3A_172 : memref<10000x16xf32, #tpu.memory_space<hbm>>) target(%dma_start3A_166 : memref<128x16xf32, #tpu.memory_space<vmem>>) offsets(%dma_start3A_169 : memref<128xi32, #tpu.memory_space<vmem>>) semaphore(%arg16 : memref<!tpu.dma_semaphore, #tpu.memory_space<semaphore_mem>>)
      %dma_wait3A_173 = arith.constant 4 : i32
      %dma_wait3A_174 = arith.constant 0 : i32
      %dma_wait3A_175 = arith.constant 0 : i32
      %dma_wait3A_176 = arith.constant 0 : i32
      %dma_wait3A_177 = tpu.memref_slice %arg12[%dma_wait3A_174, %dma_wait3A_175, %dma_wait3A_176] : memref<4x128x16xf32, #tpu.memory_space<vmem>> -> memref<1x128x16xf32, #tpu.memory_space<vmem>>
      %dma_wait3A_178 = tpu.memref_squeeze %dma_wait3A_177 : memref<1x128x16xf32, #tpu.memory_space<vmem>> -> memref<128x16xf32, #tpu.memory_space<vmem>>
      %dma_wait3A_179 = arith.constant 0 : i32
      %dma_wait3A_180 = tpu.memref_slice %arg10[%dma_wait3A_173, %dma_wait3A_179] : memref<8x128xi32, #tpu.memory_space<vmem>> -> memref<1x128xi32, #tpu.memory_space<vmem>>
      %dma_wait3A_181 = tpu.memref_squeeze %dma_wait3A_180 : memref<1x128xi32, #tpu.memory_space<vmem>> -> memref<128xi32, #tpu.memory_space<vmem>>
      %dma_wait3A_182 = arith.constant 0 : i32
      %dma_wait3A_183 = arith.constant 0 : i32
      %dma_wait3A_184 = tpu.memref_slice %arg2[%dma_wait3A_182, %dma_wait3A_183] : memref<10000x16xf32, #tpu.memory_space<hbm>> -> memref<10000x16xf32, #tpu.memory_space<hbm>>
      tpu.wait_indirect_dma semaphore(%arg13 : memref<!tpu.dma_semaphore, #tpu.memory_space<semaphore_mem>>) src(%dma_wait3A_184 : memref<10000x16xf32, #tpu.memory_space<hbm>>) dst(%dma_wait3A_178 : memref<128x16xf32, #tpu.memory_space<vmem>>)
      %run_scoped3A_185 = arith.constant 0 : i32
      %run_scoped3A_186 = arith.constant 4 : i32
      "tpu.region"() ({
        %run_scoped3A_229 = tpu.sem_alloc : memref<!tpu.dma_semaphore, #tpu.memory_space<semaphore_mem>>
        %dma_start3A_230 = arith.constant 0 : i32
        %dma_start3A_231 = arith.constant 0 : i32
        %dma_start3A_232 = tpu.memref_slice %arg12[%run_scoped3A_185, %dma_start3A_230, %dma_start3A_231] : memref<4x128x16xf32, #tpu.memory_space<vmem>> -> memref<1x128x16xf32, #tpu.memory_space<vmem>>
        %dma_start3A_233 = tpu.memref_squeeze %dma_start3A_232 : memref<1x128x16xf32, #tpu.memory_space<vmem>> -> memref<128x16xf32, #tpu.memory_space<vmem>>
        %dma_start3A_234 = arith.constant 0 : i32
        %dma_start3A_235 = tpu.memref_slice %arg11[%run_scoped3A_186, %dma_start3A_234] : memref<8x128xi32, #tpu.memory_space<vmem>> -> memref<1x128xi32, #tpu.memory_space<vmem>>
        %dma_start3A_236 = tpu.memref_squeeze %dma_start3A_235 : memref<1x128xi32, #tpu.memory_space<vmem>> -> memref<128xi32, #tpu.memory_space<vmem>>
        %dma_start3A_237 = arith.constant 0 : i32
        %dma_start3A_238 = arith.constant 0 : i32
        %dma_start3A_239 = tpu.memref_slice %arg9[%dma_start3A_237, %dma_start3A_238] : memref<10240x16xf32, #tpu.memory_space<vmem_shared>> -> memref<10240x16xf32, #tpu.memory_space<vmem_shared>>
        tpu.enqueue_indirect_dma source(%dma_start3A_233 : memref<128x16xf32, #tpu.memory_space<vmem>>) target(%dma_start3A_239 : memref<10240x16xf32, #tpu.memory_space<vmem_shared>>) offsets(%dma_start3A_236 : memref<128xi32, #tpu.memory_space<vmem>>) semaphore(%run_scoped3A_229 : memref<!tpu.dma_semaphore, #tpu.memory_space<semaphore_mem>>) {add = true}
        %dma_wait3A_240 = arith.constant 0 : i32
        %dma_wait3A_241 = arith.constant 0 : i32
        %dma_wait3A_242 = tpu.memref_slice %arg12[%run_scoped3A_185, %dma_wait3A_240, %dma_wait3A_241] : memref<4x128x16xf32, #tpu.memory_space<vmem>> -> memref<1x128x16xf32, #tpu.memory_space<vmem>>
        %dma_wait3A_243 = tpu.memref_squeeze %dma_wait3A_242 : memref<1x128x16xf32, #tpu.memory_space<vmem>> -> memref<128x16xf32, #tpu.memory_space<vmem>>
        %dma_wait3A_244 = arith.constant 0 : i32
        %dma_wait3A_245 = tpu.memref_slice %arg11[%run_scoped3A_186, %dma_wait3A_244] : memref<8x128xi32, #tpu.memory_space<vmem>> -> memref<1x128xi32, #tpu.memory_space<vmem>>
        %dma_wait3A_246 = tpu.memref_squeeze %dma_wait3A_245 : memref<1x128xi32, #tpu.memory_space<vmem>> -> memref<128xi32, #tpu.memory_space<vmem>>
        %dma_wait3A_247 = arith.constant 0 : i32
        %dma_wait3A_248 = arith.constant 0 : i32
        %dma_wait3A_249 = tpu.memref_slice %arg9[%dma_wait3A_247, %dma_wait3A_248] : memref<10240x16xf32, #tpu.memory_space<vmem_shared>> -> memref<10240x16xf32, #tpu.memory_space<vmem_shared>>
        tpu.wait_indirect_dma semaphore(%run_scoped3A_229 : memref<!tpu.dma_semaphore, #tpu.memory_space<semaphore_mem>>) src(%dma_wait3A_243 : memref<128x16xf32, #tpu.memory_space<vmem>>) dst(%dma_wait3A_249 : memref<10240x16xf32, #tpu.memory_space<vmem_shared>>)
        tpu.yield
      }) : () -> ()
      %dma_wait3A_187 = arith.constant 5 : i32
      %dma_wait3A_188 = arith.constant 1 : i32
      %dma_wait3A_189 = arith.constant 0 : i32
      %dma_wait3A_190 = arith.constant 0 : i32
      %dma_wait3A_191 = tpu.memref_slice %arg12[%dma_wait3A_188, %dma_wait3A_189, %dma_wait3A_190] : memref<4x128x16xf32, #tpu.memory_space<vmem>> -> memref<1x128x16xf32, #tpu.memory_space<vmem>>
      %dma_wait3A_192 = tpu.memref_squeeze %dma_wait3A_191 : memref<1x128x16xf32, #tpu.memory_space<vmem>> -> memref<128x16xf32, #tpu.memory_space<vmem>>
      %dma_wait3A_193 = arith.constant 0 : i32
      %dma_wait3A_194 = tpu.memref_slice %arg10[%dma_wait3A_187, %dma_wait3A_193] : memref<8x128xi32, #tpu.memory_space<vmem>> -> memref<1x128xi32, #tpu.memory_space<vmem>>
      %dma_wait3A_195 = tpu.memref_squeeze %dma_wait3A_194 : memref<1x128xi32, #tpu.memory_space<vmem>> -> memref<128xi32, #tpu.memory_space<vmem>>
      %dma_wait3A_196 = arith.constant 0 : i32
      %dma_wait3A_197 = arith.constant 0 : i32
      %dma_wait3A_198 = tpu.memref_slice %arg2[%dma_wait3A_196, %dma_wait3A_197] : memref<10000x16xf32, #tpu.memory_space<hbm>> -> memref<10000x16xf32, #tpu.memory_space<hbm>>
      tpu.wait_indirect_dma semaphore(%arg14 : memref<!tpu.dma_semaphore, #tpu.memory_space<semaphore_mem>>) src(%dma_wait3A_198 : memref<10000x16xf32, #tpu.memory_space<hbm>>) dst(%dma_wait3A_192 : memref<128x16xf32, #tpu.memory_space<vmem>>)
      %run_scoped3A_199 = arith.constant 1 : i32
      %run_scoped3A_200 = arith.constant 5 : i32
      "tpu.region"() ({
        %run_scoped3A_229 = tpu.sem_alloc : memref<!tpu.dma_semaphore, #tpu.memory_space<semaphore_mem>>
        %dma_start3A_230 = arith.constant 0 : i32
        %dma_start3A_231 = arith.constant 0 : i32
        %dma_start3A_232 = tpu.memref_slice %arg12[%run_scoped3A_199, %dma_start3A_230, %dma_start3A_231] : memref<4x128x16xf32, #tpu.memory_space<vmem>> -> memref<1x128x16xf32, #tpu.memory_space<vmem>>
        %dma_start3A_233 = tpu.memref_squeeze %dma_start3A_232 : memref<1x128x16xf32, #tpu.memory_space<vmem>> -> memref<128x16xf32, #tpu.memory_space<vmem>>
        %dma_start3A_234 = arith.constant 0 : i32
        %dma_start3A_235 = tpu.memref_slice %arg11[%run_scoped3A_200, %dma_start3A_234] : memref<8x128xi32, #tpu.memory_space<vmem>> -> memref<1x128xi32, #tpu.memory_space<vmem>>
        %dma_start3A_236 = tpu.memref_squeeze %dma_start3A_235 : memref<1x128xi32, #tpu.memory_space<vmem>> -> memref<128xi32, #tpu.memory_space<vmem>>
        %dma_start3A_237 = arith.constant 0 : i32
        %dma_start3A_238 = arith.constant 0 : i32
        %dma_start3A_239 = tpu.memref_slice %arg9[%dma_start3A_237, %dma_start3A_238] : memref<10240x16xf32, #tpu.memory_space<vmem_shared>> -> memref<10240x16xf32, #tpu.memory_space<vmem_shared>>
        tpu.enqueue_indirect_dma source(%dma_start3A_233 : memref<128x16xf32, #tpu.memory_space<vmem>>) target(%dma_start3A_239 : memref<10240x16xf32, #tpu.memory_space<vmem_shared>>) offsets(%dma_start3A_236 : memref<128xi32, #tpu.memory_space<vmem>>) semaphore(%run_scoped3A_229 : memref<!tpu.dma_semaphore, #tpu.memory_space<semaphore_mem>>) {add = true}
        %dma_wait3A_240 = arith.constant 0 : i32
        %dma_wait3A_241 = arith.constant 0 : i32
        %dma_wait3A_242 = tpu.memref_slice %arg12[%run_scoped3A_199, %dma_wait3A_240, %dma_wait3A_241] : memref<4x128x16xf32, #tpu.memory_space<vmem>> -> memref<1x128x16xf32, #tpu.memory_space<vmem>>
        %dma_wait3A_243 = tpu.memref_squeeze %dma_wait3A_242 : memref<1x128x16xf32, #tpu.memory_space<vmem>> -> memref<128x16xf32, #tpu.memory_space<vmem>>
        %dma_wait3A_244 = arith.constant 0 : i32
        %dma_wait3A_245 = tpu.memref_slice %arg11[%run_scoped3A_200, %dma_wait3A_244] : memref<8x128xi32, #tpu.memory_space<vmem>> -> memref<1x128xi32, #tpu.memory_space<vmem>>
        %dma_wait3A_246 = tpu.memref_squeeze %dma_wait3A_245 : memref<1x128xi32, #tpu.memory_space<vmem>> -> memref<128xi32, #tpu.memory_space<vmem>>
        %dma_wait3A_247 = arith.constant 0 : i32
        %dma_wait3A_248 = arith.constant 0 : i32
        %dma_wait3A_249 = tpu.memref_slice %arg9[%dma_wait3A_247, %dma_wait3A_248] : memref<10240x16xf32, #tpu.memory_space<vmem_shared>> -> memref<10240x16xf32, #tpu.memory_space<vmem_shared>>
        tpu.wait_indirect_dma semaphore(%run_scoped3A_229 : memref<!tpu.dma_semaphore, #tpu.memory_space<semaphore_mem>>) src(%dma_wait3A_243 : memref<128x16xf32, #tpu.memory_space<vmem>>) dst(%dma_wait3A_249 : memref<10240x16xf32, #tpu.memory_space<vmem_shared>>)
        tpu.yield
      }) : () -> ()
      %dma_wait3A_201 = arith.constant 6 : i32
      %dma_wait3A_202 = arith.constant 2 : i32
      %dma_wait3A_203 = arith.constant 0 : i32
      %dma_wait3A_204 = arith.constant 0 : i32
      %dma_wait3A_205 = tpu.memref_slice %arg12[%dma_wait3A_202, %dma_wait3A_203, %dma_wait3A_204] : memref<4x128x16xf32, #tpu.memory_space<vmem>> -> memref<1x128x16xf32, #tpu.memory_space<vmem>>
      %dma_wait3A_206 = tpu.memref_squeeze %dma_wait3A_205 : memref<1x128x16xf32, #tpu.memory_space<vmem>> -> memref<128x16xf32, #tpu.memory_space<vmem>>
      %dma_wait3A_207 = arith.constant 0 : i32
      %dma_wait3A_208 = tpu.memref_slice %arg10[%dma_wait3A_201, %dma_wait3A_207] : memref<8x128xi32, #tpu.memory_space<vmem>> -> memref<1x128xi32, #tpu.memory_space<vmem>>
      %dma_wait3A_209 = tpu.memref_squeeze %dma_wait3A_208 : memref<1x128xi32, #tpu.memory_space<vmem>> -> memref<128xi32, #tpu.memory_space<vmem>>
      %dma_wait3A_210 = arith.constant 0 : i32
      %dma_wait3A_211 = arith.constant 0 : i32
      %dma_wait3A_212 = tpu.memref_slice %arg2[%dma_wait3A_210, %dma_wait3A_211] : memref<10000x16xf32, #tpu.memory_space<hbm>> -> memref<10000x16xf32, #tpu.memory_space<hbm>>
      tpu.wait_indirect_dma semaphore(%arg15 : memref<!tpu.dma_semaphore, #tpu.memory_space<semaphore_mem>>) src(%dma_wait3A_212 : memref<10000x16xf32, #tpu.memory_space<hbm>>) dst(%dma_wait3A_206 : memref<128x16xf32, #tpu.memory_space<vmem>>)
      %run_scoped3A_213 = arith.constant 2 : i32
      %run_scoped3A_214 = arith.constant 6 : i32
      "tpu.region"() ({
        %run_scoped3A_229 = tpu.sem_alloc : memref<!tpu.dma_semaphore, #tpu.memory_space<semaphore_mem>>
        %dma_start3A_230 = arith.constant 0 : i32
        %dma_start3A_231 = arith.constant 0 : i32
        %dma_start3A_232 = tpu.memref_slice %arg12[%run_scoped3A_213, %dma_start3A_230, %dma_start3A_231] : memref<4x128x16xf32, #tpu.memory_space<vmem>> -> memref<1x128x16xf32, #tpu.memory_space<vmem>>
        %dma_start3A_233 = tpu.memref_squeeze %dma_start3A_232 : memref<1x128x16xf32, #tpu.memory_space<vmem>> -> memref<128x16xf32, #tpu.memory_space<vmem>>
        %dma_start3A_234 = arith.constant 0 : i32
        %dma_start3A_235 = tpu.memref_slice %arg11[%run_scoped3A_214, %dma_start3A_234] : memref<8x128xi32, #tpu.memory_space<vmem>> -> memref<1x128xi32, #tpu.memory_space<vmem>>
        %dma_start3A_236 = tpu.memref_squeeze %dma_start3A_235 : memref<1x128xi32, #tpu.memory_space<vmem>> -> memref<128xi32, #tpu.memory_space<vmem>>
        %dma_start3A_237 = arith.constant 0 : i32
        %dma_start3A_238 = arith.constant 0 : i32
        %dma_start3A_239 = tpu.memref_slice %arg9[%dma_start3A_237, %dma_start3A_238] : memref<10240x16xf32, #tpu.memory_space<vmem_shared>> -> memref<10240x16xf32, #tpu.memory_space<vmem_shared>>
        tpu.enqueue_indirect_dma source(%dma_start3A_233 : memref<128x16xf32, #tpu.memory_space<vmem>>) target(%dma_start3A_239 : memref<10240x16xf32, #tpu.memory_space<vmem_shared>>) offsets(%dma_start3A_236 : memref<128xi32, #tpu.memory_space<vmem>>) semaphore(%run_scoped3A_229 : memref<!tpu.dma_semaphore, #tpu.memory_space<semaphore_mem>>) {add = true}
        %dma_wait3A_240 = arith.constant 0 : i32
        %dma_wait3A_241 = arith.constant 0 : i32
        %dma_wait3A_242 = tpu.memref_slice %arg12[%run_scoped3A_213, %dma_wait3A_240, %dma_wait3A_241] : memref<4x128x16xf32, #tpu.memory_space<vmem>> -> memref<1x128x16xf32, #tpu.memory_space<vmem>>
        %dma_wait3A_243 = tpu.memref_squeeze %dma_wait3A_242 : memref<1x128x16xf32, #tpu.memory_space<vmem>> -> memref<128x16xf32, #tpu.memory_space<vmem>>
        %dma_wait3A_244 = arith.constant 0 : i32
        %dma_wait3A_245 = tpu.memref_slice %arg11[%run_scoped3A_214, %dma_wait3A_244] : memref<8x128xi32, #tpu.memory_space<vmem>> -> memref<1x128xi32, #tpu.memory_space<vmem>>
        %dma_wait3A_246 = tpu.memref_squeeze %dma_wait3A_245 : memref<1x128xi32, #tpu.memory_space<vmem>> -> memref<128xi32, #tpu.memory_space<vmem>>
        %dma_wait3A_247 = arith.constant 0 : i32
        %dma_wait3A_248 = arith.constant 0 : i32
        %dma_wait3A_249 = tpu.memref_slice %arg9[%dma_wait3A_247, %dma_wait3A_248] : memref<10240x16xf32, #tpu.memory_space<vmem_shared>> -> memref<10240x16xf32, #tpu.memory_space<vmem_shared>>
        tpu.wait_indirect_dma semaphore(%run_scoped3A_229 : memref<!tpu.dma_semaphore, #tpu.memory_space<semaphore_mem>>) src(%dma_wait3A_243 : memref<128x16xf32, #tpu.memory_space<vmem>>) dst(%dma_wait3A_249 : memref<10240x16xf32, #tpu.memory_space<vmem_shared>>)
        tpu.yield
      }) : () -> ()
      %dma_wait3A_215 = arith.constant 7 : i32
      %dma_wait3A_216 = arith.constant 3 : i32
      %dma_wait3A_217 = arith.constant 0 : i32
      %dma_wait3A_218 = arith.constant 0 : i32
      %dma_wait3A_219 = tpu.memref_slice %arg12[%dma_wait3A_216, %dma_wait3A_217, %dma_wait3A_218] : memref<4x128x16xf32, #tpu.memory_space<vmem>> -> memref<1x128x16xf32, #tpu.memory_space<vmem>>
      %dma_wait3A_220 = tpu.memref_squeeze %dma_wait3A_219 : memref<1x128x16xf32, #tpu.memory_space<vmem>> -> memref<128x16xf32, #tpu.memory_space<vmem>>
      %dma_wait3A_221 = arith.constant 0 : i32
      %dma_wait3A_222 = tpu.memref_slice %arg10[%dma_wait3A_215, %dma_wait3A_221] : memref<8x128xi32, #tpu.memory_space<vmem>> -> memref<1x128xi32, #tpu.memory_space<vmem>>
      %dma_wait3A_223 = tpu.memref_squeeze %dma_wait3A_222 : memref<1x128xi32, #tpu.memory_space<vmem>> -> memref<128xi32, #tpu.memory_space<vmem>>
      %dma_wait3A_224 = arith.constant 0 : i32
      %dma_wait3A_225 = arith.constant 0 : i32
      %dma_wait3A_226 = tpu.memref_slice %arg2[%dma_wait3A_224, %dma_wait3A_225] : memref<10000x16xf32, #tpu.memory_space<hbm>> -> memref<10000x16xf32, #tpu.memory_space<hbm>>
      tpu.wait_indirect_dma semaphore(%arg16 : memref<!tpu.dma_semaphore, #tpu.memory_space<semaphore_mem>>) src(%dma_wait3A_226 : memref<10000x16xf32, #tpu.memory_space<hbm>>) dst(%dma_wait3A_220 : memref<128x16xf32, #tpu.memory_space<vmem>>)
      %run_scoped3A_227 = arith.constant 3 : i32
      %run_scoped3A_228 = arith.constant 7 : i32
      "tpu.region"() ({
        %run_scoped3A_229 = tpu.sem_alloc : memref<!tpu.dma_semaphore, #tpu.memory_space<semaphore_mem>>
        %dma_start3A_230 = arith.constant 0 : i32
        %dma_start3A_231 = arith.constant 0 : i32
        %dma_start3A_232 = tpu.memref_slice %arg12[%run_scoped3A_227, %dma_start3A_230, %dma_start3A_231] : memref<4x128x16xf32, #tpu.memory_space<vmem>> -> memref<1x128x16xf32, #tpu.memory_space<vmem>>
        %dma_start3A_233 = tpu.memref_squeeze %dma_start3A_232 : memref<1x128x16xf32, #tpu.memory_space<vmem>> -> memref<128x16xf32, #tpu.memory_space<vmem>>
        %dma_start3A_234 = arith.constant 0 : i32
        %dma_start3A_235 = tpu.memref_slice %arg11[%run_scoped3A_228, %dma_start3A_234] : memref<8x128xi32, #tpu.memory_space<vmem>> -> memref<1x128xi32, #tpu.memory_space<vmem>>
        %dma_start3A_236 = tpu.memref_squeeze %dma_start3A_235 : memref<1x128xi32, #tpu.memory_space<vmem>> -> memref<128xi32, #tpu.memory_space<vmem>>
        %dma_start3A_237 = arith.constant 0 : i32
        %dma_start3A_238 = arith.constant 0 : i32
        %dma_start3A_239 = tpu.memref_slice %arg9[%dma_start3A_237, %dma_start3A_238] : memref<10240x16xf32, #tpu.memory_space<vmem_shared>> -> memref<10240x16xf32, #tpu.memory_space<vmem_shared>>
        tpu.enqueue_indirect_dma source(%dma_start3A_233 : memref<128x16xf32, #tpu.memory_space<vmem>>) target(%dma_start3A_239 : memref<10240x16xf32, #tpu.memory_space<vmem_shared>>) offsets(%dma_start3A_236 : memref<128xi32, #tpu.memory_space<vmem>>) semaphore(%run_scoped3A_229 : memref<!tpu.dma_semaphore, #tpu.memory_space<semaphore_mem>>) {add = true}
        %dma_wait3A_240 = arith.constant 0 : i32
        %dma_wait3A_241 = arith.constant 0 : i32
        %dma_wait3A_242 = tpu.memref_slice %arg12[%run_scoped3A_227, %dma_wait3A_240, %dma_wait3A_241] : memref<4x128x16xf32, #tpu.memory_space<vmem>> -> memref<1x128x16xf32, #tpu.memory_space<vmem>>
        %dma_wait3A_243 = tpu.memref_squeeze %dma_wait3A_242 : memref<1x128x16xf32, #tpu.memory_space<vmem>> -> memref<128x16xf32, #tpu.memory_space<vmem>>
        %dma_wait3A_244 = arith.constant 0 : i32
        %dma_wait3A_245 = tpu.memref_slice %arg11[%run_scoped3A_228, %dma_wait3A_244] : memref<8x128xi32, #tpu.memory_space<vmem>> -> memref<1x128xi32, #tpu.memory_space<vmem>>
        %dma_wait3A_246 = tpu.memref_squeeze %dma_wait3A_245 : memref<1x128xi32, #tpu.memory_space<vmem>> -> memref<128xi32, #tpu.memory_space<vmem>>
        %dma_wait3A_247 = arith.constant 0 : i32
        %dma_wait3A_248 = arith.constant 0 : i32
        %dma_wait3A_249 = tpu.memref_slice %arg9[%dma_wait3A_247, %dma_wait3A_248] : memref<10240x16xf32, #tpu.memory_space<vmem_shared>> -> memref<10240x16xf32, #tpu.memory_space<vmem_shared>>
        tpu.wait_indirect_dma semaphore(%run_scoped3A_229 : memref<!tpu.dma_semaphore, #tpu.memory_space<semaphore_mem>>) src(%dma_wait3A_243 : memref<128x16xf32, #tpu.memory_space<vmem>>) dst(%dma_wait3A_249 : memref<10240x16xf32, #tpu.memory_space<vmem_shared>>)
        tpu.yield
      }) : () -> ()
    }
    %scan3A_8 = arith.constant 10 : i32
    %barrier3A_9 = arith.constant 0 : index
    tpu.barrier barrier_id(%barrier3A_9)
    %mul3A_10 = arith.constant 640 : i32
    %mul3A_11 = arith.muli %arg1, %mul3A_10 : i32
    %mul3A_12 = arith.constant 640 : i32
    %mul3A_13 = arith.muli %arg1, %mul3A_12 : i32
    "tpu.region"() ({
      %run_scoped3A = tpu.sem_alloc : memref<!tpu.dma_semaphore, #tpu.memory_space<semaphore_mem>>
      %dma_start3A = arith.constant 0 : i32
      %dma_start3A_14 = tpu.memref_slice %arg8[%arg0, %mul3A_13, %dma_start3A] : memref<2x10240x16xf32, #tpu.memory_space<hbm>> -> memref<1x640x16xf32, #tpu.memory_space<hbm>>
      %dma_start3A_15 = tpu.memref_squeeze %dma_start3A_14 : memref<1x640x16xf32, #tpu.memory_space<hbm>> -> memref<640x16xf32, #tpu.memory_space<hbm>>
      %dma_start3A_16 = arith.constant 0 : i32
      %dma_start3A_17 = tpu.memref_slice %arg9[%mul3A_11, %dma_start3A_16] : memref<10240x16xf32, #tpu.memory_space<vmem_shared>> -> memref<640x16xf32, #tpu.memory_space<vmem_shared>>
      tpu.enqueue_dma source(%dma_start3A_17 : memref<640x16xf32, #tpu.memory_space<vmem_shared>>) target(%dma_start3A_15 : memref<640x16xf32, #tpu.memory_space<hbm>>) target_semaphore(%run_scoped3A : memref<!tpu.dma_semaphore, #tpu.memory_space<semaphore_mem>>)
      %dma_wait3A = arith.constant 0 : i32
      %dma_wait3A_18 = tpu.memref_slice %arg8[%arg0, %mul3A_13, %dma_wait3A] : memref<2x10240x16xf32, #tpu.memory_space<hbm>> -> memref<1x640x16xf32, #tpu.memory_space<hbm>>
      %dma_wait3A_19 = tpu.memref_squeeze %dma_wait3A_18 : memref<1x640x16xf32, #tpu.memory_space<hbm>> -> memref<640x16xf32, #tpu.memory_space<hbm>>
      %dma_wait3A_20 = arith.constant 0 : i32
      %dma_wait3A_21 = tpu.memref_slice %arg9[%mul3A_11, %dma_wait3A_20] : memref<10240x16xf32, #tpu.memory_space<vmem_shared>> -> memref<640x16xf32, #tpu.memory_space<vmem_shared>>
      tpu.wait_dma2 semaphore(%run_scoped3A : memref<!tpu.dma_semaphore, #tpu.memory_space<semaphore_mem>>) src(%dma_wait3A_21 : memref<640x16xf32, #tpu.memory_space<vmem_shared>>) dst(%dma_wait3A_19 : memref<640x16xf32, #tpu.memory_space<hbm>>)
      tpu.yield
    }) : () -> ()
    return
  }
}

#map = affine_map<(d0, d1) -> (0, 0)>
#map1 = affine_map<(d0, d1) -> (0, 0, 0)>
module attributes {stable_mosaic.version = 14 : i64} {
  func.func @body_nd(%arg0: i32, %arg1: i32, %arg2: memref<10000x64xf32, #tpu.memory_space<hbm>>, %arg3: memref<2560x128xi32, #tpu.memory_space<hbm>>, %arg4: memref<2560x128xi32, #tpu.memory_space<hbm>>, %arg5: memref<10240x64xf32, #tpu.memory_space<hbm>>, %arg6: memref<128x8xf32, #tpu.memory_space<hbm>>, %arg7: memref<10240x8xf32, #tpu.memory_space<hbm>>, %arg8: memref<2x10240x64xf32, #tpu.memory_space<hbm>>, %arg9: memref<10240x64xf32, #tpu.memory_space<vmem_shared>>, %arg10: memref<8x128xi32, #tpu.memory_space<vmem>>, %arg11: memref<8x128xi32, #tpu.memory_space<vmem>>, %arg12: memref<4x128x64xf32, #tpu.memory_space<vmem>>, %arg13: memref<!tpu.dma_semaphore, #tpu.memory_space<semaphore_mem>>, %arg14: memref<!tpu.dma_semaphore, #tpu.memory_space<semaphore_mem>>, %arg15: memref<!tpu.dma_semaphore, #tpu.memory_space<semaphore_mem>>, %arg16: memref<!tpu.dma_semaphore, #tpu.memory_space<semaphore_mem>>) attributes {dimension_semantics = [#tpu.dimension_semantics<core_parallel>, #tpu.dimension_semantics<subcore_parallel>], iteration_bounds = array<i64: 2, 16>, scalar_prefetch = 0 : i64, scratch_operands = 8 : i64, tpu.core_type = #tpu.core_type<sc_vector_subcore>, window_params = [{transform_indices = #map}, {transform_indices = #map}, {transform_indices = #map}, {transform_indices = #map}, {transform_indices = #map}, {transform_indices = #map}, {transform_indices = #map1}]} {
    %mul3A = arith.constant 16 : i32
    %mul3A_0 = arith.muli %arg0, %mul3A : i32
    %add3A = arith.addi %mul3A_0, %arg1 : i32
    %mul3A_1 = arith.constant 640 : i32
    %mul3A_2 = arith.muli %arg1, %mul3A_1 : i32
    %mul3A_3 = arith.constant 640 : i32
    %mul3A_4 = arith.muli %arg1, %mul3A_3 : i32
    "tpu.region"() ({
      %run_scoped3A = tpu.sem_alloc : memref<!tpu.dma_semaphore, #tpu.memory_space<semaphore_mem>>
      %dma_start3A = arith.constant 0 : i32
      %dma_start3A_14 = tpu.memref_slice %arg9[%mul3A_4, %dma_start3A] : memref<10240x64xf32, #tpu.memory_space<vmem_shared>> -> memref<640x64xf32, #tpu.memory_space<vmem_shared>>
      %dma_start3A_15 = arith.constant 0 : i32
      %dma_start3A_16 = tpu.memref_slice %arg5[%mul3A_2, %dma_start3A_15] : memref<10240x64xf32, #tpu.memory_space<hbm>> -> memref<640x64xf32, #tpu.memory_space<hbm>>
      tpu.enqueue_dma source(%dma_start3A_16 : memref<640x64xf32, #tpu.memory_space<hbm>>) target(%dma_start3A_14 : memref<640x64xf32, #tpu.memory_space<vmem_shared>>) target_semaphore(%run_scoped3A : memref<!tpu.dma_semaphore, #tpu.memory_space<semaphore_mem>>)
      %dma_wait3A = arith.constant 0 : i32
      %dma_wait3A_17 = tpu.memref_slice %arg9[%mul3A_4, %dma_wait3A] : memref<10240x64xf32, #tpu.memory_space<vmem_shared>> -> memref<640x64xf32, #tpu.memory_space<vmem_shared>>
      %dma_wait3A_18 = arith.constant 0 : i32
      %dma_wait3A_19 = tpu.memref_slice %arg5[%mul3A_2, %dma_wait3A_18] : memref<10240x64xf32, #tpu.memory_space<hbm>> -> memref<640x64xf32, #tpu.memory_space<hbm>>
      tpu.wait_dma2 semaphore(%run_scoped3A : memref<!tpu.dma_semaphore, #tpu.memory_space<semaphore_mem>>) src(%dma_wait3A_19 : memref<640x64xf32, #tpu.memory_space<hbm>>) dst(%dma_wait3A_17 : memref<640x64xf32, #tpu.memory_space<vmem_shared>>)
      tpu.yield
    }) : () -> ()
    %barrier3A = arith.constant 0 : index
    tpu.barrier barrier_id(%barrier3A)
    %scan3A = arith.constant 0 : i32
    %scan3A_5 = arith.constant 10 : i32
    %scan3A_6 = arith.addi %scan3A, %scan3A_5 : i32
    %scan3A_7 = arith.constant 1 : i32
    scf.for %scan3A_14 = %scan3A to %scan3A_6 step %scan3A_7  : i32 {
      %mul3A_15 = arith.constant 1 : i32
      %mul3A_16 = arith.muli %scan3A_14, %mul3A_15 : i32
      %add3A_17 = arith.constant 0 : i32
      %add3A_18 = arith.addi %add3A_17, %mul3A_16 : i32
      %mul3A_19 = arith.constant 80 : i32
      %mul3A_20 = arith.muli %add3A, %mul3A_19 : i32
      %mul3A_21 = arith.constant 8 : i32
      %mul3A_22 = arith.muli %add3A_18, %mul3A_21 : i32
      %add3A_23 = arith.addi %mul3A_20, %mul3A_22 : i32
      "tpu.region"() ({
        %run_scoped3A_229 = tpu.sem_alloc : memref<!tpu.dma_semaphore, #tpu.memory_space<semaphore_mem>>
        %dma_start3A_230 = arith.constant 0 : i32
        %dma_start3A_231 = tpu.memref_slice %arg3[%add3A_23, %dma_start3A_230] : memref<2560x128xi32, #tpu.memory_space<hbm>> -> memref<8x128xi32, #tpu.memory_space<hbm>>
        %dma_start3A_232 = arith.constant 0 : i32
        %dma_start3A_233 = tpu.memref_slice %arg3[%add3A_23, %dma_start3A_232] : memref<2560x128xi32, #tpu.memory_space<hbm>> -> memref<8x128xi32, #tpu.memory_space<hbm>>
        tpu.enqueue_dma source(%dma_start3A_233 : memref<8x128xi32, #tpu.memory_space<hbm>>) target(%arg10 : memref<8x128xi32, #tpu.memory_space<vmem>>) target_semaphore(%run_scoped3A_229 : memref<!tpu.dma_semaphore, #tpu.memory_space<semaphore_mem>>)
        %dma_wait3A_234 = arith.constant 0 : i32
        %dma_wait3A_235 = tpu.memref_slice %arg3[%add3A_23, %dma_wait3A_234] : memref<2560x128xi32, #tpu.memory_space<hbm>> -> memref<8x128xi32, #tpu.memory_space<hbm>>
        %dma_wait3A_236 = arith.constant 0 : i32
        %dma_wait3A_237 = tpu.memref_slice %arg3[%add3A_23, %dma_wait3A_236] : memref<2560x128xi32, #tpu.memory_space<hbm>> -> memref<8x128xi32, #tpu.memory_space<hbm>>
        tpu.wait_dma2 semaphore(%run_scoped3A_229 : memref<!tpu.dma_semaphore, #tpu.memory_space<semaphore_mem>>) src(%dma_wait3A_237 : memref<8x128xi32, #tpu.memory_space<hbm>>) dst(%arg10 : memref<8x128xi32, #tpu.memory_space<vmem>>)
        tpu.yield
      }) : () -> ()
      "tpu.region"() ({
        %run_scoped3A_229 = tpu.sem_alloc : memref<!tpu.dma_semaphore, #tpu.memory_space<semaphore_mem>>
        %dma_start3A_230 = arith.constant 0 : i32
        %dma_start3A_231 = tpu.memref_slice %arg4[%add3A_23, %dma_start3A_230] : memref<2560x128xi32, #tpu.memory_space<hbm>> -> memref<8x128xi32, #tpu.memory_space<hbm>>
        %dma_start3A_232 = arith.constant 0 : i32
        %dma_start3A_233 = tpu.memref_slice %arg4[%add3A_23, %dma_start3A_232] : memref<2560x128xi32, #tpu.memory_space<hbm>> -> memref<8x128xi32, #tpu.memory_space<hbm>>
        tpu.enqueue_dma source(%dma_start3A_233 : memref<8x128xi32, #tpu.memory_space<hbm>>) target(%arg11 : memref<8x128xi32, #tpu.memory_space<vmem>>) target_semaphore(%run_scoped3A_229 : memref<!tpu.dma_semaphore, #tpu.memory_space<semaphore_mem>>)
        %dma_wait3A_234 = arith.constant 0 : i32
        %dma_wait3A_235 = tpu.memref_slice %arg4[%add3A_23, %dma_wait3A_234] : memref<2560x128xi32, #tpu.memory_space<hbm>> -> memref<8x128xi32, #tpu.memory_space<hbm>>
        %dma_wait3A_236 = arith.constant 0 : i32
        %dma_wait3A_237 = tpu.memref_slice %arg4[%add3A_23, %dma_wait3A_236] : memref<2560x128xi32, #tpu.memory_space<hbm>> -> memref<8x128xi32, #tpu.memory_space<hbm>>
        tpu.wait_dma2 semaphore(%run_scoped3A_229 : memref<!tpu.dma_semaphore, #tpu.memory_space<semaphore_mem>>) src(%dma_wait3A_237 : memref<8x128xi32, #tpu.memory_space<hbm>>) dst(%arg11 : memref<8x128xi32, #tpu.memory_space<vmem>>)
        tpu.yield
      }) : () -> ()
      %dma_start3A = arith.constant 0 : i32
      %dma_start3A_24 = arith.constant 0 : i32
      %dma_start3A_25 = arith.constant 0 : i32
      %dma_start3A_26 = arith.constant 0 : i32
      %dma_start3A_27 = tpu.memref_slice %arg12[%dma_start3A_24, %dma_start3A_25, %dma_start3A_26] : memref<4x128x64xf32, #tpu.memory_space<vmem>> -> memref<1x128x64xf32, #tpu.memory_space<vmem>>
      %dma_start3A_28 = tpu.memref_squeeze %dma_start3A_27 : memref<1x128x64xf32, #tpu.memory_space<vmem>> -> memref<128x64xf32, #tpu.memory_space<vmem>>
      %dma_start3A_29 = arith.constant 0 : i32
      %dma_start3A_30 = tpu.memref_slice %arg10[%dma_start3A, %dma_start3A_29] : memref<8x128xi32, #tpu.memory_space<vmem>> -> memref<1x128xi32, #tpu.memory_space<vmem>>
      %dma_start3A_31 = tpu.memref_squeeze %dma_start3A_30 : memref<1x128xi32, #tpu.memory_space<vmem>> -> memref<128xi32, #tpu.memory_space<vmem>>
      %dma_start3A_32 = arith.constant 0 : i32
      %dma_start3A_33 = arith.constant 0 : i32
      %dma_start3A_34 = tpu.memref_slice %arg2[%dma_start3A_32, %dma_start3A_33] : memref<10000x64xf32, #tpu.memory_space<hbm>> -> memref<10000x64xf32, #tpu.memory_space<hbm>>
      tpu.enqueue_indirect_dma source(%dma_start3A_34 : memref<10000x64xf32, #tpu.memory_space<hbm>>) target(%dma_start3A_28 : memref<128x64xf32, #tpu.memory_space<vmem>>) offsets(%dma_start3A_31 : memref<128xi32, #tpu.memory_space<vmem>>) semaphore(%arg13 : memref<!tpu.dma_semaphore, #tpu.memory_space<semaphore_mem>>)
      %dma_start3A_35 = arith.constant 1 : i32
      %dma_start3A_36 = arith.constant 1 : i32
      %dma_start3A_37 = arith.constant 0 : i32
      %dma_start3A_38 = arith.constant 0 : i32
      %dma_start3A_39 = tpu.memref_slice %arg12[%dma_start3A_36, %dma_start3A_37, %dma_start3A_38] : memref<4x128x64xf32, #tpu.memory_space<vmem>> -> memref<1x128x64xf32, #tpu.memory_space<vmem>>
      %dma_start3A_40 = tpu.memref_squeeze %dma_start3A_39 : memref<1x128x64xf32, #tpu.memory_space<vmem>> -> memref<128x64xf32, #tpu.memory_space<vmem>>
      %dma_start3A_41 = arith.constant 0 : i32
      %dma_start3A_42 = tpu.memref_slice %arg10[%dma_start3A_35, %dma_start3A_41] : memref<8x128xi32, #tpu.memory_space<vmem>> -> memref<1x128xi32, #tpu.memory_space<vmem>>
      %dma_start3A_43 = tpu.memref_squeeze %dma_start3A_42 : memref<1x128xi32, #tpu.memory_space<vmem>> -> memref<128xi32, #tpu.memory_space<vmem>>
      %dma_start3A_44 = arith.constant 0 : i32
      %dma_start3A_45 = arith.constant 0 : i32
      %dma_start3A_46 = tpu.memref_slice %arg2[%dma_start3A_44, %dma_start3A_45] : memref<10000x64xf32, #tpu.memory_space<hbm>> -> memref<10000x64xf32, #tpu.memory_space<hbm>>
      tpu.enqueue_indirect_dma source(%dma_start3A_46 : memref<10000x64xf32, #tpu.memory_space<hbm>>) target(%dma_start3A_40 : memref<128x64xf32, #tpu.memory_space<vmem>>) offsets(%dma_start3A_43 : memref<128xi32, #tpu.memory_space<vmem>>) semaphore(%arg14 : memref<!tpu.dma_semaphore, #tpu.memory_space<semaphore_mem>>)
      %dma_start3A_47 = arith.constant 2 : i32
      %dma_start3A_48 = arith.constant 2 : i32
      %dma_start3A_49 = arith.constant 0 : i32
      %dma_start3A_50 = arith.constant 0 : i32
      %dma_start3A_51 = tpu.memref_slice %arg12[%dma_start3A_48, %dma_start3A_49, %dma_start3A_50] : memref<4x128x64xf32, #tpu.memory_space<vmem>> -> memref<1x128x64xf32, #tpu.memory_space<vmem>>
      %dma_start3A_52 = tpu.memref_squeeze %dma_start3A_51 : memref<1x128x64xf32, #tpu.memory_space<vmem>> -> memref<128x64xf32, #tpu.memory_space<vmem>>
      %dma_start3A_53 = arith.constant 0 : i32
      %dma_start3A_54 = tpu.memref_slice %arg10[%dma_start3A_47, %dma_start3A_53] : memref<8x128xi32, #tpu.memory_space<vmem>> -> memref<1x128xi32, #tpu.memory_space<vmem>>
      %dma_start3A_55 = tpu.memref_squeeze %dma_start3A_54 : memref<1x128xi32, #tpu.memory_space<vmem>> -> memref<128xi32, #tpu.memory_space<vmem>>
      %dma_start3A_56 = arith.constant 0 : i32
      %dma_start3A_57 = arith.constant 0 : i32
      %dma_start3A_58 = tpu.memref_slice %arg2[%dma_start3A_56, %dma_start3A_57] : memref<10000x64xf32, #tpu.memory_space<hbm>> -> memref<10000x64xf32, #tpu.memory_space<hbm>>
      tpu.enqueue_indirect_dma source(%dma_start3A_58 : memref<10000x64xf32, #tpu.memory_space<hbm>>) target(%dma_start3A_52 : memref<128x64xf32, #tpu.memory_space<vmem>>) offsets(%dma_start3A_55 : memref<128xi32, #tpu.memory_space<vmem>>) semaphore(%arg15 : memref<!tpu.dma_semaphore, #tpu.memory_space<semaphore_mem>>)
      %dma_start3A_59 = arith.constant 3 : i32
      %dma_start3A_60 = arith.constant 3 : i32
      %dma_start3A_61 = arith.constant 0 : i32
      %dma_start3A_62 = arith.constant 0 : i32
      %dma_start3A_63 = tpu.memref_slice %arg12[%dma_start3A_60, %dma_start3A_61, %dma_start3A_62] : memref<4x128x64xf32, #tpu.memory_space<vmem>> -> memref<1x128x64xf32, #tpu.memory_space<vmem>>
      %dma_start3A_64 = tpu.memref_squeeze %dma_start3A_63 : memref<1x128x64xf32, #tpu.memory_space<vmem>> -> memref<128x64xf32, #tpu.memory_space<vmem>>
      %dma_start3A_65 = arith.constant 0 : i32
      %dma_start3A_66 = tpu.memref_slice %arg10[%dma_start3A_59, %dma_start3A_65] : memref<8x128xi32, #tpu.memory_space<vmem>> -> memref<1x128xi32, #tpu.memory_space<vmem>>
      %dma_start3A_67 = tpu.memref_squeeze %dma_start3A_66 : memref<1x128xi32, #tpu.memory_space<vmem>> -> memref<128xi32, #tpu.memory_space<vmem>>
      %dma_start3A_68 = arith.constant 0 : i32
      %dma_start3A_69 = arith.constant 0 : i32
      %dma_start3A_70 = tpu.memref_slice %arg2[%dma_start3A_68, %dma_start3A_69] : memref<10000x64xf32, #tpu.memory_space<hbm>> -> memref<10000x64xf32, #tpu.memory_space<hbm>>
      tpu.enqueue_indirect_dma source(%dma_start3A_70 : memref<10000x64xf32, #tpu.memory_space<hbm>>) target(%dma_start3A_64 : memref<128x64xf32, #tpu.memory_space<vmem>>) offsets(%dma_start3A_67 : memref<128xi32, #tpu.memory_space<vmem>>) semaphore(%arg16 : memref<!tpu.dma_semaphore, #tpu.memory_space<semaphore_mem>>)
      %dma_wait3A = arith.constant 0 : i32
      %dma_wait3A_71 = arith.constant 0 : i32
      %dma_wait3A_72 = arith.constant 0 : i32
      %dma_wait3A_73 = arith.constant 0 : i32
      %dma_wait3A_74 = tpu.memref_slice %arg12[%dma_wait3A_71, %dma_wait3A_72, %dma_wait3A_73] : memref<4x128x64xf32, #tpu.memory_space<vmem>> -> memref<1x128x64xf32, #tpu.memory_space<vmem>>
      %dma_wait3A_75 = tpu.memref_squeeze %dma_wait3A_74 : memref<1x128x64xf32, #tpu.memory_space<vmem>> -> memref<128x64xf32, #tpu.memory_space<vmem>>
      %dma_wait3A_76 = arith.constant 0 : i32
      %dma_wait3A_77 = tpu.memref_slice %arg10[%dma_wait3A, %dma_wait3A_76] : memref<8x128xi32, #tpu.memory_space<vmem>> -> memref<1x128xi32, #tpu.memory_space<vmem>>
      %dma_wait3A_78 = tpu.memref_squeeze %dma_wait3A_77 : memref<1x128xi32, #tpu.memory_space<vmem>> -> memref<128xi32, #tpu.memory_space<vmem>>
      %dma_wait3A_79 = arith.constant 0 : i32
      %dma_wait3A_80 = arith.constant 0 : i32
      %dma_wait3A_81 = tpu.memref_slice %arg2[%dma_wait3A_79, %dma_wait3A_80] : memref<10000x64xf32, #tpu.memory_space<hbm>> -> memref<10000x64xf32, #tpu.memory_space<hbm>>
      tpu.wait_indirect_dma semaphore(%arg13 : memref<!tpu.dma_semaphore, #tpu.memory_space<semaphore_mem>>) src(%dma_wait3A_81 : memref<10000x64xf32, #tpu.memory_space<hbm>>) dst(%dma_wait3A_75 : memref<128x64xf32, #tpu.memory_space<vmem>>)
      %run_scoped3A = arith.constant 0 : i32
      %run_scoped3A_82 = arith.constant 0 : i32
      "tpu.region"() ({
        %run_scoped3A_229 = tpu.sem_alloc : memref<!tpu.dma_semaphore, #tpu.memory_space<semaphore_mem>>
        %dma_start3A_230 = arith.constant 0 : i32
        %dma_start3A_231 = arith.constant 0 : i32
        %dma_start3A_232 = tpu.memref_slice %arg12[%run_scoped3A, %dma_start3A_230, %dma_start3A_231] : memref<4x128x64xf32, #tpu.memory_space<vmem>> -> memref<1x128x64xf32, #tpu.memory_space<vmem>>
        %dma_start3A_233 = tpu.memref_squeeze %dma_start3A_232 : memref<1x128x64xf32, #tpu.memory_space<vmem>> -> memref<128x64xf32, #tpu.memory_space<vmem>>
        %dma_start3A_234 = arith.constant 0 : i32
        %dma_start3A_235 = tpu.memref_slice %arg11[%run_scoped3A_82, %dma_start3A_234] : memref<8x128xi32, #tpu.memory_space<vmem>> -> memref<1x128xi32, #tpu.memory_space<vmem>>
        %dma_start3A_236 = tpu.memref_squeeze %dma_start3A_235 : memref<1x128xi32, #tpu.memory_space<vmem>> -> memref<128xi32, #tpu.memory_space<vmem>>
        %dma_start3A_237 = arith.constant 0 : i32
        %dma_start3A_238 = arith.constant 0 : i32
        %dma_start3A_239 = tpu.memref_slice %arg9[%dma_start3A_237, %dma_start3A_238] : memref<10240x64xf32, #tpu.memory_space<vmem_shared>> -> memref<10240x64xf32, #tpu.memory_space<vmem_shared>>
        tpu.enqueue_indirect_dma source(%dma_start3A_233 : memref<128x64xf32, #tpu.memory_space<vmem>>) target(%dma_start3A_239 : memref<10240x64xf32, #tpu.memory_space<vmem_shared>>) offsets(%dma_start3A_236 : memref<128xi32, #tpu.memory_space<vmem>>) semaphore(%run_scoped3A_229 : memref<!tpu.dma_semaphore, #tpu.memory_space<semaphore_mem>>) {add = true}
        %dma_wait3A_240 = arith.constant 0 : i32
        %dma_wait3A_241 = arith.constant 0 : i32
        %dma_wait3A_242 = tpu.memref_slice %arg12[%run_scoped3A, %dma_wait3A_240, %dma_wait3A_241] : memref<4x128x64xf32, #tpu.memory_space<vmem>> -> memref<1x128x64xf32, #tpu.memory_space<vmem>>
        %dma_wait3A_243 = tpu.memref_squeeze %dma_wait3A_242 : memref<1x128x64xf32, #tpu.memory_space<vmem>> -> memref<128x64xf32, #tpu.memory_space<vmem>>
        %dma_wait3A_244 = arith.constant 0 : i32
        %dma_wait3A_245 = tpu.memref_slice %arg11[%run_scoped3A_82, %dma_wait3A_244] : memref<8x128xi32, #tpu.memory_space<vmem>> -> memref<1x128xi32, #tpu.memory_space<vmem>>
        %dma_wait3A_246 = tpu.memref_squeeze %dma_wait3A_245 : memref<1x128xi32, #tpu.memory_space<vmem>> -> memref<128xi32, #tpu.memory_space<vmem>>
        %dma_wait3A_247 = arith.constant 0 : i32
        %dma_wait3A_248 = arith.constant 0 : i32
        %dma_wait3A_249 = tpu.memref_slice %arg9[%dma_wait3A_247, %dma_wait3A_248] : memref<10240x64xf32, #tpu.memory_space<vmem_shared>> -> memref<10240x64xf32, #tpu.memory_space<vmem_shared>>
        tpu.wait_indirect_dma semaphore(%run_scoped3A_229 : memref<!tpu.dma_semaphore, #tpu.memory_space<semaphore_mem>>) src(%dma_wait3A_243 : memref<128x64xf32, #tpu.memory_space<vmem>>) dst(%dma_wait3A_249 : memref<10240x64xf32, #tpu.memory_space<vmem_shared>>)
        tpu.yield
      }) : () -> ()
      %dma_start3A_83 = arith.constant 4 : i32
      %dma_start3A_84 = arith.constant 0 : i32
      %dma_start3A_85 = arith.constant 0 : i32
      %dma_start3A_86 = arith.constant 0 : i32
      %dma_start3A_87 = tpu.memref_slice %arg12[%dma_start3A_84, %dma_start3A_85, %dma_start3A_86] : memref<4x128x64xf32, #tpu.memory_space<vmem>> -> memref<1x128x64xf32, #tpu.memory_space<vmem>>
      %dma_start3A_88 = tpu.memref_squeeze %dma_start3A_87 : memref<1x128x64xf32, #tpu.memory_space<vmem>> -> memref<128x64xf32, #tpu.memory_space<vmem>>
      %dma_start3A_89 = arith.constant 0 : i32
      %dma_start3A_90 = tpu.memref_slice %arg10[%dma_start3A_83, %dma_start3A_89] : memref<8x128xi32, #tpu.memory_space<vmem>> -> memref<1x128xi32, #tpu.memory_space<vmem>>
      %dma_start3A_91 = tpu.memref_squeeze %dma_start3A_90 : memref<1x128xi32, #tpu.memory_space<vmem>> -> memref<128xi32, #tpu.memory_space<vmem>>
      %dma_start3A_92 = arith.constant 0 : i32
      %dma_start3A_93 = arith.constant 0 : i32
      %dma_start3A_94 = tpu.memref_slice %arg2[%dma_start3A_92, %dma_start3A_93] : memref<10000x64xf32, #tpu.memory_space<hbm>> -> memref<10000x64xf32, #tpu.memory_space<hbm>>
      tpu.enqueue_indirect_dma source(%dma_start3A_94 : memref<10000x64xf32, #tpu.memory_space<hbm>>) target(%dma_start3A_88 : memref<128x64xf32, #tpu.memory_space<vmem>>) offsets(%dma_start3A_91 : memref<128xi32, #tpu.memory_space<vmem>>) semaphore(%arg13 : memref<!tpu.dma_semaphore, #tpu.memory_space<semaphore_mem>>)
      %dma_wait3A_95 = arith.constant 1 : i32
      %dma_wait3A_96 = arith.constant 1 : i32
      %dma_wait3A_97 = arith.constant 0 : i32
      %dma_wait3A_98 = arith.constant 0 : i32
      %dma_wait3A_99 = tpu.memref_slice %arg12[%dma_wait3A_96, %dma_wait3A_97, %dma_wait3A_98] : memref<4x128x64xf32, #tpu.memory_space<vmem>> -> memref<1x128x64xf32, #tpu.memory_space<vmem>>
      %dma_wait3A_100 = tpu.memref_squeeze %dma_wait3A_99 : memref<1x128x64xf32, #tpu.memory_space<vmem>> -> memref<128x64xf32, #tpu.memory_space<vmem>>
      %dma_wait3A_101 = arith.constant 0 : i32
      %dma_wait3A_102 = tpu.memref_slice %arg10[%dma_wait3A_95, %dma_wait3A_101] : memref<8x128xi32, #tpu.memory_space<vmem>> -> memref<1x128xi32, #tpu.memory_space<vmem>>
      %dma_wait3A_103 = tpu.memref_squeeze %dma_wait3A_102 : memref<1x128xi32, #tpu.memory_space<vmem>> -> memref<128xi32, #tpu.memory_space<vmem>>
      %dma_wait3A_104 = arith.constant 0 : i32
      %dma_wait3A_105 = arith.constant 0 : i32
      %dma_wait3A_106 = tpu.memref_slice %arg2[%dma_wait3A_104, %dma_wait3A_105] : memref<10000x64xf32, #tpu.memory_space<hbm>> -> memref<10000x64xf32, #tpu.memory_space<hbm>>
      tpu.wait_indirect_dma semaphore(%arg14 : memref<!tpu.dma_semaphore, #tpu.memory_space<semaphore_mem>>) src(%dma_wait3A_106 : memref<10000x64xf32, #tpu.memory_space<hbm>>) dst(%dma_wait3A_100 : memref<128x64xf32, #tpu.memory_space<vmem>>)
      %run_scoped3A_107 = arith.constant 1 : i32
      %run_scoped3A_108 = arith.constant 1 : i32
      "tpu.region"() ({
        %run_scoped3A_229 = tpu.sem_alloc : memref<!tpu.dma_semaphore, #tpu.memory_space<semaphore_mem>>
        %dma_start3A_230 = arith.constant 0 : i32
        %dma_start3A_231 = arith.constant 0 : i32
        %dma_start3A_232 = tpu.memref_slice %arg12[%run_scoped3A_107, %dma_start3A_230, %dma_start3A_231] : memref<4x128x64xf32, #tpu.memory_space<vmem>> -> memref<1x128x64xf32, #tpu.memory_space<vmem>>
        %dma_start3A_233 = tpu.memref_squeeze %dma_start3A_232 : memref<1x128x64xf32, #tpu.memory_space<vmem>> -> memref<128x64xf32, #tpu.memory_space<vmem>>
        %dma_start3A_234 = arith.constant 0 : i32
        %dma_start3A_235 = tpu.memref_slice %arg11[%run_scoped3A_108, %dma_start3A_234] : memref<8x128xi32, #tpu.memory_space<vmem>> -> memref<1x128xi32, #tpu.memory_space<vmem>>
        %dma_start3A_236 = tpu.memref_squeeze %dma_start3A_235 : memref<1x128xi32, #tpu.memory_space<vmem>> -> memref<128xi32, #tpu.memory_space<vmem>>
        %dma_start3A_237 = arith.constant 0 : i32
        %dma_start3A_238 = arith.constant 0 : i32
        %dma_start3A_239 = tpu.memref_slice %arg9[%dma_start3A_237, %dma_start3A_238] : memref<10240x64xf32, #tpu.memory_space<vmem_shared>> -> memref<10240x64xf32, #tpu.memory_space<vmem_shared>>
        tpu.enqueue_indirect_dma source(%dma_start3A_233 : memref<128x64xf32, #tpu.memory_space<vmem>>) target(%dma_start3A_239 : memref<10240x64xf32, #tpu.memory_space<vmem_shared>>) offsets(%dma_start3A_236 : memref<128xi32, #tpu.memory_space<vmem>>) semaphore(%run_scoped3A_229 : memref<!tpu.dma_semaphore, #tpu.memory_space<semaphore_mem>>) {add = true}
        %dma_wait3A_240 = arith.constant 0 : i32
        %dma_wait3A_241 = arith.constant 0 : i32
        %dma_wait3A_242 = tpu.memref_slice %arg12[%run_scoped3A_107, %dma_wait3A_240, %dma_wait3A_241] : memref<4x128x64xf32, #tpu.memory_space<vmem>> -> memref<1x128x64xf32, #tpu.memory_space<vmem>>
        %dma_wait3A_243 = tpu.memref_squeeze %dma_wait3A_242 : memref<1x128x64xf32, #tpu.memory_space<vmem>> -> memref<128x64xf32, #tpu.memory_space<vmem>>
        %dma_wait3A_244 = arith.constant 0 : i32
        %dma_wait3A_245 = tpu.memref_slice %arg11[%run_scoped3A_108, %dma_wait3A_244] : memref<8x128xi32, #tpu.memory_space<vmem>> -> memref<1x128xi32, #tpu.memory_space<vmem>>
        %dma_wait3A_246 = tpu.memref_squeeze %dma_wait3A_245 : memref<1x128xi32, #tpu.memory_space<vmem>> -> memref<128xi32, #tpu.memory_space<vmem>>
        %dma_wait3A_247 = arith.constant 0 : i32
        %dma_wait3A_248 = arith.constant 0 : i32
        %dma_wait3A_249 = tpu.memref_slice %arg9[%dma_wait3A_247, %dma_wait3A_248] : memref<10240x64xf32, #tpu.memory_space<vmem_shared>> -> memref<10240x64xf32, #tpu.memory_space<vmem_shared>>
        tpu.wait_indirect_dma semaphore(%run_scoped3A_229 : memref<!tpu.dma_semaphore, #tpu.memory_space<semaphore_mem>>) src(%dma_wait3A_243 : memref<128x64xf32, #tpu.memory_space<vmem>>) dst(%dma_wait3A_249 : memref<10240x64xf32, #tpu.memory_space<vmem_shared>>)
        tpu.yield
      }) : () -> ()
      %dma_start3A_109 = arith.constant 5 : i32
      %dma_start3A_110 = arith.constant 1 : i32
      %dma_start3A_111 = arith.constant 0 : i32
      %dma_start3A_112 = arith.constant 0 : i32
      %dma_start3A_113 = tpu.memref_slice %arg12[%dma_start3A_110, %dma_start3A_111, %dma_start3A_112] : memref<4x128x64xf32, #tpu.memory_space<vmem>> -> memref<1x128x64xf32, #tpu.memory_space<vmem>>
      %dma_start3A_114 = tpu.memref_squeeze %dma_start3A_113 : memref<1x128x64xf32, #tpu.memory_space<vmem>> -> memref<128x64xf32, #tpu.memory_space<vmem>>
      %dma_start3A_115 = arith.constant 0 : i32
      %dma_start3A_116 = tpu.memref_slice %arg10[%dma_start3A_109, %dma_start3A_115] : memref<8x128xi32, #tpu.memory_space<vmem>> -> memref<1x128xi32, #tpu.memory_space<vmem>>
      %dma_start3A_117 = tpu.memref_squeeze %dma_start3A_116 : memref<1x128xi32, #tpu.memory_space<vmem>> -> memref<128xi32, #tpu.memory_space<vmem>>
      %dma_start3A_118 = arith.constant 0 : i32
      %dma_start3A_119 = arith.constant 0 : i32
      %dma_start3A_120 = tpu.memref_slice %arg2[%dma_start3A_118, %dma_start3A_119] : memref<10000x64xf32, #tpu.memory_space<hbm>> -> memref<10000x64xf32, #tpu.memory_space<hbm>>
      tpu.enqueue_indirect_dma source(%dma_start3A_120 : memref<10000x64xf32, #tpu.memory_space<hbm>>) target(%dma_start3A_114 : memref<128x64xf32, #tpu.memory_space<vmem>>) offsets(%dma_start3A_117 : memref<128xi32, #tpu.memory_space<vmem>>) semaphore(%arg14 : memref<!tpu.dma_semaphore, #tpu.memory_space<semaphore_mem>>)
      %dma_wait3A_121 = arith.constant 2 : i32
      %dma_wait3A_122 = arith.constant 2 : i32
      %dma_wait3A_123 = arith.constant 0 : i32
      %dma_wait3A_124 = arith.constant 0 : i32
      %dma_wait3A_125 = tpu.memref_slice %arg12[%dma_wait3A_122, %dma_wait3A_123, %dma_wait3A_124] : memref<4x128x64xf32, #tpu.memory_space<vmem>> -> memref<1x128x64xf32, #tpu.memory_space<vmem>>
      %dma_wait3A_126 = tpu.memref_squeeze %dma_wait3A_125 : memref<1x128x64xf32, #tpu.memory_space<vmem>> -> memref<128x64xf32, #tpu.memory_space<vmem>>
      %dma_wait3A_127 = arith.constant 0 : i32
      %dma_wait3A_128 = tpu.memref_slice %arg10[%dma_wait3A_121, %dma_wait3A_127] : memref<8x128xi32, #tpu.memory_space<vmem>> -> memref<1x128xi32, #tpu.memory_space<vmem>>
      %dma_wait3A_129 = tpu.memref_squeeze %dma_wait3A_128 : memref<1x128xi32, #tpu.memory_space<vmem>> -> memref<128xi32, #tpu.memory_space<vmem>>
      %dma_wait3A_130 = arith.constant 0 : i32
      %dma_wait3A_131 = arith.constant 0 : i32
      %dma_wait3A_132 = tpu.memref_slice %arg2[%dma_wait3A_130, %dma_wait3A_131] : memref<10000x64xf32, #tpu.memory_space<hbm>> -> memref<10000x64xf32, #tpu.memory_space<hbm>>
      tpu.wait_indirect_dma semaphore(%arg15 : memref<!tpu.dma_semaphore, #tpu.memory_space<semaphore_mem>>) src(%dma_wait3A_132 : memref<10000x64xf32, #tpu.memory_space<hbm>>) dst(%dma_wait3A_126 : memref<128x64xf32, #tpu.memory_space<vmem>>)
      %run_scoped3A_133 = arith.constant 2 : i32
      %run_scoped3A_134 = arith.constant 2 : i32
      "tpu.region"() ({
        %run_scoped3A_229 = tpu.sem_alloc : memref<!tpu.dma_semaphore, #tpu.memory_space<semaphore_mem>>
        %dma_start3A_230 = arith.constant 0 : i32
        %dma_start3A_231 = arith.constant 0 : i32
        %dma_start3A_232 = tpu.memref_slice %arg12[%run_scoped3A_133, %dma_start3A_230, %dma_start3A_231] : memref<4x128x64xf32, #tpu.memory_space<vmem>> -> memref<1x128x64xf32, #tpu.memory_space<vmem>>
        %dma_start3A_233 = tpu.memref_squeeze %dma_start3A_232 : memref<1x128x64xf32, #tpu.memory_space<vmem>> -> memref<128x64xf32, #tpu.memory_space<vmem>>
        %dma_start3A_234 = arith.constant 0 : i32
        %dma_start3A_235 = tpu.memref_slice %arg11[%run_scoped3A_134, %dma_start3A_234] : memref<8x128xi32, #tpu.memory_space<vmem>> -> memref<1x128xi32, #tpu.memory_space<vmem>>
        %dma_start3A_236 = tpu.memref_squeeze %dma_start3A_235 : memref<1x128xi32, #tpu.memory_space<vmem>> -> memref<128xi32, #tpu.memory_space<vmem>>
        %dma_start3A_237 = arith.constant 0 : i32
        %dma_start3A_238 = arith.constant 0 : i32
        %dma_start3A_239 = tpu.memref_slice %arg9[%dma_start3A_237, %dma_start3A_238] : memref<10240x64xf32, #tpu.memory_space<vmem_shared>> -> memref<10240x64xf32, #tpu.memory_space<vmem_shared>>
        tpu.enqueue_indirect_dma source(%dma_start3A_233 : memref<128x64xf32, #tpu.memory_space<vmem>>) target(%dma_start3A_239 : memref<10240x64xf32, #tpu.memory_space<vmem_shared>>) offsets(%dma_start3A_236 : memref<128xi32, #tpu.memory_space<vmem>>) semaphore(%run_scoped3A_229 : memref<!tpu.dma_semaphore, #tpu.memory_space<semaphore_mem>>) {add = true}
        %dma_wait3A_240 = arith.constant 0 : i32
        %dma_wait3A_241 = arith.constant 0 : i32
        %dma_wait3A_242 = tpu.memref_slice %arg12[%run_scoped3A_133, %dma_wait3A_240, %dma_wait3A_241] : memref<4x128x64xf32, #tpu.memory_space<vmem>> -> memref<1x128x64xf32, #tpu.memory_space<vmem>>
        %dma_wait3A_243 = tpu.memref_squeeze %dma_wait3A_242 : memref<1x128x64xf32, #tpu.memory_space<vmem>> -> memref<128x64xf32, #tpu.memory_space<vmem>>
        %dma_wait3A_244 = arith.constant 0 : i32
        %dma_wait3A_245 = tpu.memref_slice %arg11[%run_scoped3A_134, %dma_wait3A_244] : memref<8x128xi32, #tpu.memory_space<vmem>> -> memref<1x128xi32, #tpu.memory_space<vmem>>
        %dma_wait3A_246 = tpu.memref_squeeze %dma_wait3A_245 : memref<1x128xi32, #tpu.memory_space<vmem>> -> memref<128xi32, #tpu.memory_space<vmem>>
        %dma_wait3A_247 = arith.constant 0 : i32
        %dma_wait3A_248 = arith.constant 0 : i32
        %dma_wait3A_249 = tpu.memref_slice %arg9[%dma_wait3A_247, %dma_wait3A_248] : memref<10240x64xf32, #tpu.memory_space<vmem_shared>> -> memref<10240x64xf32, #tpu.memory_space<vmem_shared>>
        tpu.wait_indirect_dma semaphore(%run_scoped3A_229 : memref<!tpu.dma_semaphore, #tpu.memory_space<semaphore_mem>>) src(%dma_wait3A_243 : memref<128x64xf32, #tpu.memory_space<vmem>>) dst(%dma_wait3A_249 : memref<10240x64xf32, #tpu.memory_space<vmem_shared>>)
        tpu.yield
      }) : () -> ()
      %dma_start3A_135 = arith.constant 6 : i32
      %dma_start3A_136 = arith.constant 2 : i32
      %dma_start3A_137 = arith.constant 0 : i32
      %dma_start3A_138 = arith.constant 0 : i32
      %dma_start3A_139 = tpu.memref_slice %arg12[%dma_start3A_136, %dma_start3A_137, %dma_start3A_138] : memref<4x128x64xf32, #tpu.memory_space<vmem>> -> memref<1x128x64xf32, #tpu.memory_space<vmem>>
      %dma_start3A_140 = tpu.memref_squeeze %dma_start3A_139 : memref<1x128x64xf32, #tpu.memory_space<vmem>> -> memref<128x64xf32, #tpu.memory_space<vmem>>
      %dma_start3A_141 = arith.constant 0 : i32
      %dma_start3A_142 = tpu.memref_slice %arg10[%dma_start3A_135, %dma_start3A_141] : memref<8x128xi32, #tpu.memory_space<vmem>> -> memref<1x128xi32, #tpu.memory_space<vmem>>
      %dma_start3A_143 = tpu.memref_squeeze %dma_start3A_142 : memref<1x128xi32, #tpu.memory_space<vmem>> -> memref<128xi32, #tpu.memory_space<vmem>>
      %dma_start3A_144 = arith.constant 0 : i32
      %dma_start3A_145 = arith.constant 0 : i32
      %dma_start3A_146 = tpu.memref_slice %arg2[%dma_start3A_144, %dma_start3A_145] : memref<10000x64xf32, #tpu.memory_space<hbm>> -> memref<10000x64xf32, #tpu.memory_space<hbm>>
      tpu.enqueue_indirect_dma source(%dma_start3A_146 : memref<10000x64xf32, #tpu.memory_space<hbm>>) target(%dma_start3A_140 : memref<128x64xf32, #tpu.memory_space<vmem>>) offsets(%dma_start3A_143 : memref<128xi32, #tpu.memory_space<vmem>>) semaphore(%arg15 : memref<!tpu.dma_semaphore, #tpu.memory_space<semaphore_mem>>)
      %dma_wait3A_147 = arith.constant 3 : i32
      %dma_wait3A_148 = arith.constant 3 : i32
      %dma_wait3A_149 = arith.constant 0 : i32
      %dma_wait3A_150 = arith.constant 0 : i32
      %dma_wait3A_151 = tpu.memref_slice %arg12[%dma_wait3A_148, %dma_wait3A_149, %dma_wait3A_150] : memref<4x128x64xf32, #tpu.memory_space<vmem>> -> memref<1x128x64xf32, #tpu.memory_space<vmem>>
      %dma_wait3A_152 = tpu.memref_squeeze %dma_wait3A_151 : memref<1x128x64xf32, #tpu.memory_space<vmem>> -> memref<128x64xf32, #tpu.memory_space<vmem>>
      %dma_wait3A_153 = arith.constant 0 : i32
      %dma_wait3A_154 = tpu.memref_slice %arg10[%dma_wait3A_147, %dma_wait3A_153] : memref<8x128xi32, #tpu.memory_space<vmem>> -> memref<1x128xi32, #tpu.memory_space<vmem>>
      %dma_wait3A_155 = tpu.memref_squeeze %dma_wait3A_154 : memref<1x128xi32, #tpu.memory_space<vmem>> -> memref<128xi32, #tpu.memory_space<vmem>>
      %dma_wait3A_156 = arith.constant 0 : i32
      %dma_wait3A_157 = arith.constant 0 : i32
      %dma_wait3A_158 = tpu.memref_slice %arg2[%dma_wait3A_156, %dma_wait3A_157] : memref<10000x64xf32, #tpu.memory_space<hbm>> -> memref<10000x64xf32, #tpu.memory_space<hbm>>
      tpu.wait_indirect_dma semaphore(%arg16 : memref<!tpu.dma_semaphore, #tpu.memory_space<semaphore_mem>>) src(%dma_wait3A_158 : memref<10000x64xf32, #tpu.memory_space<hbm>>) dst(%dma_wait3A_152 : memref<128x64xf32, #tpu.memory_space<vmem>>)
      %run_scoped3A_159 = arith.constant 3 : i32
      %run_scoped3A_160 = arith.constant 3 : i32
      "tpu.region"() ({
        %run_scoped3A_229 = tpu.sem_alloc : memref<!tpu.dma_semaphore, #tpu.memory_space<semaphore_mem>>
        %dma_start3A_230 = arith.constant 0 : i32
        %dma_start3A_231 = arith.constant 0 : i32
        %dma_start3A_232 = tpu.memref_slice %arg12[%run_scoped3A_159, %dma_start3A_230, %dma_start3A_231] : memref<4x128x64xf32, #tpu.memory_space<vmem>> -> memref<1x128x64xf32, #tpu.memory_space<vmem>>
        %dma_start3A_233 = tpu.memref_squeeze %dma_start3A_232 : memref<1x128x64xf32, #tpu.memory_space<vmem>> -> memref<128x64xf32, #tpu.memory_space<vmem>>
        %dma_start3A_234 = arith.constant 0 : i32
        %dma_start3A_235 = tpu.memref_slice %arg11[%run_scoped3A_160, %dma_start3A_234] : memref<8x128xi32, #tpu.memory_space<vmem>> -> memref<1x128xi32, #tpu.memory_space<vmem>>
        %dma_start3A_236 = tpu.memref_squeeze %dma_start3A_235 : memref<1x128xi32, #tpu.memory_space<vmem>> -> memref<128xi32, #tpu.memory_space<vmem>>
        %dma_start3A_237 = arith.constant 0 : i32
        %dma_start3A_238 = arith.constant 0 : i32
        %dma_start3A_239 = tpu.memref_slice %arg9[%dma_start3A_237, %dma_start3A_238] : memref<10240x64xf32, #tpu.memory_space<vmem_shared>> -> memref<10240x64xf32, #tpu.memory_space<vmem_shared>>
        tpu.enqueue_indirect_dma source(%dma_start3A_233 : memref<128x64xf32, #tpu.memory_space<vmem>>) target(%dma_start3A_239 : memref<10240x64xf32, #tpu.memory_space<vmem_shared>>) offsets(%dma_start3A_236 : memref<128xi32, #tpu.memory_space<vmem>>) semaphore(%run_scoped3A_229 : memref<!tpu.dma_semaphore, #tpu.memory_space<semaphore_mem>>) {add = true}
        %dma_wait3A_240 = arith.constant 0 : i32
        %dma_wait3A_241 = arith.constant 0 : i32
        %dma_wait3A_242 = tpu.memref_slice %arg12[%run_scoped3A_159, %dma_wait3A_240, %dma_wait3A_241] : memref<4x128x64xf32, #tpu.memory_space<vmem>> -> memref<1x128x64xf32, #tpu.memory_space<vmem>>
        %dma_wait3A_243 = tpu.memref_squeeze %dma_wait3A_242 : memref<1x128x64xf32, #tpu.memory_space<vmem>> -> memref<128x64xf32, #tpu.memory_space<vmem>>
        %dma_wait3A_244 = arith.constant 0 : i32
        %dma_wait3A_245 = tpu.memref_slice %arg11[%run_scoped3A_160, %dma_wait3A_244] : memref<8x128xi32, #tpu.memory_space<vmem>> -> memref<1x128xi32, #tpu.memory_space<vmem>>
        %dma_wait3A_246 = tpu.memref_squeeze %dma_wait3A_245 : memref<1x128xi32, #tpu.memory_space<vmem>> -> memref<128xi32, #tpu.memory_space<vmem>>
        %dma_wait3A_247 = arith.constant 0 : i32
        %dma_wait3A_248 = arith.constant 0 : i32
        %dma_wait3A_249 = tpu.memref_slice %arg9[%dma_wait3A_247, %dma_wait3A_248] : memref<10240x64xf32, #tpu.memory_space<vmem_shared>> -> memref<10240x64xf32, #tpu.memory_space<vmem_shared>>
        tpu.wait_indirect_dma semaphore(%run_scoped3A_229 : memref<!tpu.dma_semaphore, #tpu.memory_space<semaphore_mem>>) src(%dma_wait3A_243 : memref<128x64xf32, #tpu.memory_space<vmem>>) dst(%dma_wait3A_249 : memref<10240x64xf32, #tpu.memory_space<vmem_shared>>)
        tpu.yield
      }) : () -> ()
      %dma_start3A_161 = arith.constant 7 : i32
      %dma_start3A_162 = arith.constant 3 : i32
      %dma_start3A_163 = arith.constant 0 : i32
      %dma_start3A_164 = arith.constant 0 : i32
      %dma_start3A_165 = tpu.memref_slice %arg12[%dma_start3A_162, %dma_start3A_163, %dma_start3A_164] : memref<4x128x64xf32, #tpu.memory_space<vmem>> -> memref<1x128x64xf32, #tpu.memory_space<vmem>>
      %dma_start3A_166 = tpu.memref_squeeze %dma_start3A_165 : memref<1x128x64xf32, #tpu.memory_space<vmem>> -> memref<128x64xf32, #tpu.memory_space<vmem>>
      %dma_start3A_167 = arith.constant 0 : i32
      %dma_start3A_168 = tpu.memref_slice %arg10[%dma_start3A_161, %dma_start3A_167] : memref<8x128xi32, #tpu.memory_space<vmem>> -> memref<1x128xi32, #tpu.memory_space<vmem>>
      %dma_start3A_169 = tpu.memref_squeeze %dma_start3A_168 : memref<1x128xi32, #tpu.memory_space<vmem>> -> memref<128xi32, #tpu.memory_space<vmem>>
      %dma_start3A_170 = arith.constant 0 : i32
      %dma_start3A_171 = arith.constant 0 : i32
      %dma_start3A_172 = tpu.memref_slice %arg2[%dma_start3A_170, %dma_start3A_171] : memref<10000x64xf32, #tpu.memory_space<hbm>> -> memref<10000x64xf32, #tpu.memory_space<hbm>>
      tpu.enqueue_indirect_dma source(%dma_start3A_172 : memref<10000x64xf32, #tpu.memory_space<hbm>>) target(%dma_start3A_166 : memref<128x64xf32, #tpu.memory_space<vmem>>) offsets(%dma_start3A_169 : memref<128xi32, #tpu.memory_space<vmem>>) semaphore(%arg16 : memref<!tpu.dma_semaphore, #tpu.memory_space<semaphore_mem>>)
      %dma_wait3A_173 = arith.constant 4 : i32
      %dma_wait3A_174 = arith.constant 0 : i32
      %dma_wait3A_175 = arith.constant 0 : i32
      %dma_wait3A_176 = arith.constant 0 : i32
      %dma_wait3A_177 = tpu.memref_slice %arg12[%dma_wait3A_174, %dma_wait3A_175, %dma_wait3A_176] : memref<4x128x64xf32, #tpu.memory_space<vmem>> -> memref<1x128x64xf32, #tpu.memory_space<vmem>>
      %dma_wait3A_178 = tpu.memref_squeeze %dma_wait3A_177 : memref<1x128x64xf32, #tpu.memory_space<vmem>> -> memref<128x64xf32, #tpu.memory_space<vmem>>
      %dma_wait3A_179 = arith.constant 0 : i32
      %dma_wait3A_180 = tpu.memref_slice %arg10[%dma_wait3A_173, %dma_wait3A_179] : memref<8x128xi32, #tpu.memory_space<vmem>> -> memref<1x128xi32, #tpu.memory_space<vmem>>
      %dma_wait3A_181 = tpu.memref_squeeze %dma_wait3A_180 : memref<1x128xi32, #tpu.memory_space<vmem>> -> memref<128xi32, #tpu.memory_space<vmem>>
      %dma_wait3A_182 = arith.constant 0 : i32
      %dma_wait3A_183 = arith.constant 0 : i32
      %dma_wait3A_184 = tpu.memref_slice %arg2[%dma_wait3A_182, %dma_wait3A_183] : memref<10000x64xf32, #tpu.memory_space<hbm>> -> memref<10000x64xf32, #tpu.memory_space<hbm>>
      tpu.wait_indirect_dma semaphore(%arg13 : memref<!tpu.dma_semaphore, #tpu.memory_space<semaphore_mem>>) src(%dma_wait3A_184 : memref<10000x64xf32, #tpu.memory_space<hbm>>) dst(%dma_wait3A_178 : memref<128x64xf32, #tpu.memory_space<vmem>>)
      %run_scoped3A_185 = arith.constant 0 : i32
      %run_scoped3A_186 = arith.constant 4 : i32
      "tpu.region"() ({
        %run_scoped3A_229 = tpu.sem_alloc : memref<!tpu.dma_semaphore, #tpu.memory_space<semaphore_mem>>
        %dma_start3A_230 = arith.constant 0 : i32
        %dma_start3A_231 = arith.constant 0 : i32
        %dma_start3A_232 = tpu.memref_slice %arg12[%run_scoped3A_185, %dma_start3A_230, %dma_start3A_231] : memref<4x128x64xf32, #tpu.memory_space<vmem>> -> memref<1x128x64xf32, #tpu.memory_space<vmem>>
        %dma_start3A_233 = tpu.memref_squeeze %dma_start3A_232 : memref<1x128x64xf32, #tpu.memory_space<vmem>> -> memref<128x64xf32, #tpu.memory_space<vmem>>
        %dma_start3A_234 = arith.constant 0 : i32
        %dma_start3A_235 = tpu.memref_slice %arg11[%run_scoped3A_186, %dma_start3A_234] : memref<8x128xi32, #tpu.memory_space<vmem>> -> memref<1x128xi32, #tpu.memory_space<vmem>>
        %dma_start3A_236 = tpu.memref_squeeze %dma_start3A_235 : memref<1x128xi32, #tpu.memory_space<vmem>> -> memref<128xi32, #tpu.memory_space<vmem>>
        %dma_start3A_237 = arith.constant 0 : i32
        %dma_start3A_238 = arith.constant 0 : i32
        %dma_start3A_239 = tpu.memref_slice %arg9[%dma_start3A_237, %dma_start3A_238] : memref<10240x64xf32, #tpu.memory_space<vmem_shared>> -> memref<10240x64xf32, #tpu.memory_space<vmem_shared>>
        tpu.enqueue_indirect_dma source(%dma_start3A_233 : memref<128x64xf32, #tpu.memory_space<vmem>>) target(%dma_start3A_239 : memref<10240x64xf32, #tpu.memory_space<vmem_shared>>) offsets(%dma_start3A_236 : memref<128xi32, #tpu.memory_space<vmem>>) semaphore(%run_scoped3A_229 : memref<!tpu.dma_semaphore, #tpu.memory_space<semaphore_mem>>) {add = true}
        %dma_wait3A_240 = arith.constant 0 : i32
        %dma_wait3A_241 = arith.constant 0 : i32
        %dma_wait3A_242 = tpu.memref_slice %arg12[%run_scoped3A_185, %dma_wait3A_240, %dma_wait3A_241] : memref<4x128x64xf32, #tpu.memory_space<vmem>> -> memref<1x128x64xf32, #tpu.memory_space<vmem>>
        %dma_wait3A_243 = tpu.memref_squeeze %dma_wait3A_242 : memref<1x128x64xf32, #tpu.memory_space<vmem>> -> memref<128x64xf32, #tpu.memory_space<vmem>>
        %dma_wait3A_244 = arith.constant 0 : i32
        %dma_wait3A_245 = tpu.memref_slice %arg11[%run_scoped3A_186, %dma_wait3A_244] : memref<8x128xi32, #tpu.memory_space<vmem>> -> memref<1x128xi32, #tpu.memory_space<vmem>>
        %dma_wait3A_246 = tpu.memref_squeeze %dma_wait3A_245 : memref<1x128xi32, #tpu.memory_space<vmem>> -> memref<128xi32, #tpu.memory_space<vmem>>
        %dma_wait3A_247 = arith.constant 0 : i32
        %dma_wait3A_248 = arith.constant 0 : i32
        %dma_wait3A_249 = tpu.memref_slice %arg9[%dma_wait3A_247, %dma_wait3A_248] : memref<10240x64xf32, #tpu.memory_space<vmem_shared>> -> memref<10240x64xf32, #tpu.memory_space<vmem_shared>>
        tpu.wait_indirect_dma semaphore(%run_scoped3A_229 : memref<!tpu.dma_semaphore, #tpu.memory_space<semaphore_mem>>) src(%dma_wait3A_243 : memref<128x64xf32, #tpu.memory_space<vmem>>) dst(%dma_wait3A_249 : memref<10240x64xf32, #tpu.memory_space<vmem_shared>>)
        tpu.yield
      }) : () -> ()
      %dma_wait3A_187 = arith.constant 5 : i32
      %dma_wait3A_188 = arith.constant 1 : i32
      %dma_wait3A_189 = arith.constant 0 : i32
      %dma_wait3A_190 = arith.constant 0 : i32
      %dma_wait3A_191 = tpu.memref_slice %arg12[%dma_wait3A_188, %dma_wait3A_189, %dma_wait3A_190] : memref<4x128x64xf32, #tpu.memory_space<vmem>> -> memref<1x128x64xf32, #tpu.memory_space<vmem>>
      %dma_wait3A_192 = tpu.memref_squeeze %dma_wait3A_191 : memref<1x128x64xf32, #tpu.memory_space<vmem>> -> memref<128x64xf32, #tpu.memory_space<vmem>>
      %dma_wait3A_193 = arith.constant 0 : i32
      %dma_wait3A_194 = tpu.memref_slice %arg10[%dma_wait3A_187, %dma_wait3A_193] : memref<8x128xi32, #tpu.memory_space<vmem>> -> memref<1x128xi32, #tpu.memory_space<vmem>>
      %dma_wait3A_195 = tpu.memref_squeeze %dma_wait3A_194 : memref<1x128xi32, #tpu.memory_space<vmem>> -> memref<128xi32, #tpu.memory_space<vmem>>
      %dma_wait3A_196 = arith.constant 0 : i32
      %dma_wait3A_197 = arith.constant 0 : i32
      %dma_wait3A_198 = tpu.memref_slice %arg2[%dma_wait3A_196, %dma_wait3A_197] : memref<10000x64xf32, #tpu.memory_space<hbm>> -> memref<10000x64xf32, #tpu.memory_space<hbm>>
      tpu.wait_indirect_dma semaphore(%arg14 : memref<!tpu.dma_semaphore, #tpu.memory_space<semaphore_mem>>) src(%dma_wait3A_198 : memref<10000x64xf32, #tpu.memory_space<hbm>>) dst(%dma_wait3A_192 : memref<128x64xf32, #tpu.memory_space<vmem>>)
      %run_scoped3A_199 = arith.constant 1 : i32
      %run_scoped3A_200 = arith.constant 5 : i32
      "tpu.region"() ({
        %run_scoped3A_229 = tpu.sem_alloc : memref<!tpu.dma_semaphore, #tpu.memory_space<semaphore_mem>>
        %dma_start3A_230 = arith.constant 0 : i32
        %dma_start3A_231 = arith.constant 0 : i32
        %dma_start3A_232 = tpu.memref_slice %arg12[%run_scoped3A_199, %dma_start3A_230, %dma_start3A_231] : memref<4x128x64xf32, #tpu.memory_space<vmem>> -> memref<1x128x64xf32, #tpu.memory_space<vmem>>
        %dma_start3A_233 = tpu.memref_squeeze %dma_start3A_232 : memref<1x128x64xf32, #tpu.memory_space<vmem>> -> memref<128x64xf32, #tpu.memory_space<vmem>>
        %dma_start3A_234 = arith.constant 0 : i32
        %dma_start3A_235 = tpu.memref_slice %arg11[%run_scoped3A_200, %dma_start3A_234] : memref<8x128xi32, #tpu.memory_space<vmem>> -> memref<1x128xi32, #tpu.memory_space<vmem>>
        %dma_start3A_236 = tpu.memref_squeeze %dma_start3A_235 : memref<1x128xi32, #tpu.memory_space<vmem>> -> memref<128xi32, #tpu.memory_space<vmem>>
        %dma_start3A_237 = arith.constant 0 : i32
        %dma_start3A_238 = arith.constant 0 : i32
        %dma_start3A_239 = tpu.memref_slice %arg9[%dma_start3A_237, %dma_start3A_238] : memref<10240x64xf32, #tpu.memory_space<vmem_shared>> -> memref<10240x64xf32, #tpu.memory_space<vmem_shared>>
        tpu.enqueue_indirect_dma source(%dma_start3A_233 : memref<128x64xf32, #tpu.memory_space<vmem>>) target(%dma_start3A_239 : memref<10240x64xf32, #tpu.memory_space<vmem_shared>>) offsets(%dma_start3A_236 : memref<128xi32, #tpu.memory_space<vmem>>) semaphore(%run_scoped3A_229 : memref<!tpu.dma_semaphore, #tpu.memory_space<semaphore_mem>>) {add = true}
        %dma_wait3A_240 = arith.constant 0 : i32
        %dma_wait3A_241 = arith.constant 0 : i32
        %dma_wait3A_242 = tpu.memref_slice %arg12[%run_scoped3A_199, %dma_wait3A_240, %dma_wait3A_241] : memref<4x128x64xf32, #tpu.memory_space<vmem>> -> memref<1x128x64xf32, #tpu.memory_space<vmem>>
        %dma_wait3A_243 = tpu.memref_squeeze %dma_wait3A_242 : memref<1x128x64xf32, #tpu.memory_space<vmem>> -> memref<128x64xf32, #tpu.memory_space<vmem>>
        %dma_wait3A_244 = arith.constant 0 : i32
        %dma_wait3A_245 = tpu.memref_slice %arg11[%run_scoped3A_200, %dma_wait3A_244] : memref<8x128xi32, #tpu.memory_space<vmem>> -> memref<1x128xi32, #tpu.memory_space<vmem>>
        %dma_wait3A_246 = tpu.memref_squeeze %dma_wait3A_245 : memref<1x128xi32, #tpu.memory_space<vmem>> -> memref<128xi32, #tpu.memory_space<vmem>>
        %dma_wait3A_247 = arith.constant 0 : i32
        %dma_wait3A_248 = arith.constant 0 : i32
        %dma_wait3A_249 = tpu.memref_slice %arg9[%dma_wait3A_247, %dma_wait3A_248] : memref<10240x64xf32, #tpu.memory_space<vmem_shared>> -> memref<10240x64xf32, #tpu.memory_space<vmem_shared>>
        tpu.wait_indirect_dma semaphore(%run_scoped3A_229 : memref<!tpu.dma_semaphore, #tpu.memory_space<semaphore_mem>>) src(%dma_wait3A_243 : memref<128x64xf32, #tpu.memory_space<vmem>>) dst(%dma_wait3A_249 : memref<10240x64xf32, #tpu.memory_space<vmem_shared>>)
        tpu.yield
      }) : () -> ()
      %dma_wait3A_201 = arith.constant 6 : i32
      %dma_wait3A_202 = arith.constant 2 : i32
      %dma_wait3A_203 = arith.constant 0 : i32
      %dma_wait3A_204 = arith.constant 0 : i32
      %dma_wait3A_205 = tpu.memref_slice %arg12[%dma_wait3A_202, %dma_wait3A_203, %dma_wait3A_204] : memref<4x128x64xf32, #tpu.memory_space<vmem>> -> memref<1x128x64xf32, #tpu.memory_space<vmem>>
      %dma_wait3A_206 = tpu.memref_squeeze %dma_wait3A_205 : memref<1x128x64xf32, #tpu.memory_space<vmem>> -> memref<128x64xf32, #tpu.memory_space<vmem>>
      %dma_wait3A_207 = arith.constant 0 : i32
      %dma_wait3A_208 = tpu.memref_slice %arg10[%dma_wait3A_201, %dma_wait3A_207] : memref<8x128xi32, #tpu.memory_space<vmem>> -> memref<1x128xi32, #tpu.memory_space<vmem>>
      %dma_wait3A_209 = tpu.memref_squeeze %dma_wait3A_208 : memref<1x128xi32, #tpu.memory_space<vmem>> -> memref<128xi32, #tpu.memory_space<vmem>>
      %dma_wait3A_210 = arith.constant 0 : i32
      %dma_wait3A_211 = arith.constant 0 : i32
      %dma_wait3A_212 = tpu.memref_slice %arg2[%dma_wait3A_210, %dma_wait3A_211] : memref<10000x64xf32, #tpu.memory_space<hbm>> -> memref<10000x64xf32, #tpu.memory_space<hbm>>
      tpu.wait_indirect_dma semaphore(%arg15 : memref<!tpu.dma_semaphore, #tpu.memory_space<semaphore_mem>>) src(%dma_wait3A_212 : memref<10000x64xf32, #tpu.memory_space<hbm>>) dst(%dma_wait3A_206 : memref<128x64xf32, #tpu.memory_space<vmem>>)
      %run_scoped3A_213 = arith.constant 2 : i32
      %run_scoped3A_214 = arith.constant 6 : i32
      "tpu.region"() ({
        %run_scoped3A_229 = tpu.sem_alloc : memref<!tpu.dma_semaphore, #tpu.memory_space<semaphore_mem>>
        %dma_start3A_230 = arith.constant 0 : i32
        %dma_start3A_231 = arith.constant 0 : i32
        %dma_start3A_232 = tpu.memref_slice %arg12[%run_scoped3A_213, %dma_start3A_230, %dma_start3A_231] : memref<4x128x64xf32, #tpu.memory_space<vmem>> -> memref<1x128x64xf32, #tpu.memory_space<vmem>>
        %dma_start3A_233 = tpu.memref_squeeze %dma_start3A_232 : memref<1x128x64xf32, #tpu.memory_space<vmem>> -> memref<128x64xf32, #tpu.memory_space<vmem>>
        %dma_start3A_234 = arith.constant 0 : i32
        %dma_start3A_235 = tpu.memref_slice %arg11[%run_scoped3A_214, %dma_start3A_234] : memref<8x128xi32, #tpu.memory_space<vmem>> -> memref<1x128xi32, #tpu.memory_space<vmem>>
        %dma_start3A_236 = tpu.memref_squeeze %dma_start3A_235 : memref<1x128xi32, #tpu.memory_space<vmem>> -> memref<128xi32, #tpu.memory_space<vmem>>
        %dma_start3A_237 = arith.constant 0 : i32
        %dma_start3A_238 = arith.constant 0 : i32
        %dma_start3A_239 = tpu.memref_slice %arg9[%dma_start3A_237, %dma_start3A_238] : memref<10240x64xf32, #tpu.memory_space<vmem_shared>> -> memref<10240x64xf32, #tpu.memory_space<vmem_shared>>
        tpu.enqueue_indirect_dma source(%dma_start3A_233 : memref<128x64xf32, #tpu.memory_space<vmem>>) target(%dma_start3A_239 : memref<10240x64xf32, #tpu.memory_space<vmem_shared>>) offsets(%dma_start3A_236 : memref<128xi32, #tpu.memory_space<vmem>>) semaphore(%run_scoped3A_229 : memref<!tpu.dma_semaphore, #tpu.memory_space<semaphore_mem>>) {add = true}
        %dma_wait3A_240 = arith.constant 0 : i32
        %dma_wait3A_241 = arith.constant 0 : i32
        %dma_wait3A_242 = tpu.memref_slice %arg12[%run_scoped3A_213, %dma_wait3A_240, %dma_wait3A_241] : memref<4x128x64xf32, #tpu.memory_space<vmem>> -> memref<1x128x64xf32, #tpu.memory_space<vmem>>
        %dma_wait3A_243 = tpu.memref_squeeze %dma_wait3A_242 : memref<1x128x64xf32, #tpu.memory_space<vmem>> -> memref<128x64xf32, #tpu.memory_space<vmem>>
        %dma_wait3A_244 = arith.constant 0 : i32
        %dma_wait3A_245 = tpu.memref_slice %arg11[%run_scoped3A_214, %dma_wait3A_244] : memref<8x128xi32, #tpu.memory_space<vmem>> -> memref<1x128xi32, #tpu.memory_space<vmem>>
        %dma_wait3A_246 = tpu.memref_squeeze %dma_wait3A_245 : memref<1x128xi32, #tpu.memory_space<vmem>> -> memref<128xi32, #tpu.memory_space<vmem>>
        %dma_wait3A_247 = arith.constant 0 : i32
        %dma_wait3A_248 = arith.constant 0 : i32
        %dma_wait3A_249 = tpu.memref_slice %arg9[%dma_wait3A_247, %dma_wait3A_248] : memref<10240x64xf32, #tpu.memory_space<vmem_shared>> -> memref<10240x64xf32, #tpu.memory_space<vmem_shared>>
        tpu.wait_indirect_dma semaphore(%run_scoped3A_229 : memref<!tpu.dma_semaphore, #tpu.memory_space<semaphore_mem>>) src(%dma_wait3A_243 : memref<128x64xf32, #tpu.memory_space<vmem>>) dst(%dma_wait3A_249 : memref<10240x64xf32, #tpu.memory_space<vmem_shared>>)
        tpu.yield
      }) : () -> ()
      %dma_wait3A_215 = arith.constant 7 : i32
      %dma_wait3A_216 = arith.constant 3 : i32
      %dma_wait3A_217 = arith.constant 0 : i32
      %dma_wait3A_218 = arith.constant 0 : i32
      %dma_wait3A_219 = tpu.memref_slice %arg12[%dma_wait3A_216, %dma_wait3A_217, %dma_wait3A_218] : memref<4x128x64xf32, #tpu.memory_space<vmem>> -> memref<1x128x64xf32, #tpu.memory_space<vmem>>
      %dma_wait3A_220 = tpu.memref_squeeze %dma_wait3A_219 : memref<1x128x64xf32, #tpu.memory_space<vmem>> -> memref<128x64xf32, #tpu.memory_space<vmem>>
      %dma_wait3A_221 = arith.constant 0 : i32
      %dma_wait3A_222 = tpu.memref_slice %arg10[%dma_wait3A_215, %dma_wait3A_221] : memref<8x128xi32, #tpu.memory_space<vmem>> -> memref<1x128xi32, #tpu.memory_space<vmem>>
      %dma_wait3A_223 = tpu.memref_squeeze %dma_wait3A_222 : memref<1x128xi32, #tpu.memory_space<vmem>> -> memref<128xi32, #tpu.memory_space<vmem>>
      %dma_wait3A_224 = arith.constant 0 : i32
      %dma_wait3A_225 = arith.constant 0 : i32
      %dma_wait3A_226 = tpu.memref_slice %arg2[%dma_wait3A_224, %dma_wait3A_225] : memref<10000x64xf32, #tpu.memory_space<hbm>> -> memref<10000x64xf32, #tpu.memory_space<hbm>>
      tpu.wait_indirect_dma semaphore(%arg16 : memref<!tpu.dma_semaphore, #tpu.memory_space<semaphore_mem>>) src(%dma_wait3A_226 : memref<10000x64xf32, #tpu.memory_space<hbm>>) dst(%dma_wait3A_220 : memref<128x64xf32, #tpu.memory_space<vmem>>)
      %run_scoped3A_227 = arith.constant 3 : i32
      %run_scoped3A_228 = arith.constant 7 : i32
      "tpu.region"() ({
        %run_scoped3A_229 = tpu.sem_alloc : memref<!tpu.dma_semaphore, #tpu.memory_space<semaphore_mem>>
        %dma_start3A_230 = arith.constant 0 : i32
        %dma_start3A_231 = arith.constant 0 : i32
        %dma_start3A_232 = tpu.memref_slice %arg12[%run_scoped3A_227, %dma_start3A_230, %dma_start3A_231] : memref<4x128x64xf32, #tpu.memory_space<vmem>> -> memref<1x128x64xf32, #tpu.memory_space<vmem>>
        %dma_start3A_233 = tpu.memref_squeeze %dma_start3A_232 : memref<1x128x64xf32, #tpu.memory_space<vmem>> -> memref<128x64xf32, #tpu.memory_space<vmem>>
        %dma_start3A_234 = arith.constant 0 : i32
        %dma_start3A_235 = tpu.memref_slice %arg11[%run_scoped3A_228, %dma_start3A_234] : memref<8x128xi32, #tpu.memory_space<vmem>> -> memref<1x128xi32, #tpu.memory_space<vmem>>
        %dma_start3A_236 = tpu.memref_squeeze %dma_start3A_235 : memref<1x128xi32, #tpu.memory_space<vmem>> -> memref<128xi32, #tpu.memory_space<vmem>>
        %dma_start3A_237 = arith.constant 0 : i32
        %dma_start3A_238 = arith.constant 0 : i32
        %dma_start3A_239 = tpu.memref_slice %arg9[%dma_start3A_237, %dma_start3A_238] : memref<10240x64xf32, #tpu.memory_space<vmem_shared>> -> memref<10240x64xf32, #tpu.memory_space<vmem_shared>>
        tpu.enqueue_indirect_dma source(%dma_start3A_233 : memref<128x64xf32, #tpu.memory_space<vmem>>) target(%dma_start3A_239 : memref<10240x64xf32, #tpu.memory_space<vmem_shared>>) offsets(%dma_start3A_236 : memref<128xi32, #tpu.memory_space<vmem>>) semaphore(%run_scoped3A_229 : memref<!tpu.dma_semaphore, #tpu.memory_space<semaphore_mem>>) {add = true}
        %dma_wait3A_240 = arith.constant 0 : i32
        %dma_wait3A_241 = arith.constant 0 : i32
        %dma_wait3A_242 = tpu.memref_slice %arg12[%run_scoped3A_227, %dma_wait3A_240, %dma_wait3A_241] : memref<4x128x64xf32, #tpu.memory_space<vmem>> -> memref<1x128x64xf32, #tpu.memory_space<vmem>>
        %dma_wait3A_243 = tpu.memref_squeeze %dma_wait3A_242 : memref<1x128x64xf32, #tpu.memory_space<vmem>> -> memref<128x64xf32, #tpu.memory_space<vmem>>
        %dma_wait3A_244 = arith.constant 0 : i32
        %dma_wait3A_245 = tpu.memref_slice %arg11[%run_scoped3A_228, %dma_wait3A_244] : memref<8x128xi32, #tpu.memory_space<vmem>> -> memref<1x128xi32, #tpu.memory_space<vmem>>
        %dma_wait3A_246 = tpu.memref_squeeze %dma_wait3A_245 : memref<1x128xi32, #tpu.memory_space<vmem>> -> memref<128xi32, #tpu.memory_space<vmem>>
        %dma_wait3A_247 = arith.constant 0 : i32
        %dma_wait3A_248 = arith.constant 0 : i32
        %dma_wait3A_249 = tpu.memref_slice %arg9[%dma_wait3A_247, %dma_wait3A_248] : memref<10240x64xf32, #tpu.memory_space<vmem_shared>> -> memref<10240x64xf32, #tpu.memory_space<vmem_shared>>
        tpu.wait_indirect_dma semaphore(%run_scoped3A_229 : memref<!tpu.dma_semaphore, #tpu.memory_space<semaphore_mem>>) src(%dma_wait3A_243 : memref<128x64xf32, #tpu.memory_space<vmem>>) dst(%dma_wait3A_249 : memref<10240x64xf32, #tpu.memory_space<vmem_shared>>)
        tpu.yield
      }) : () -> ()
    }
    %scan3A_8 = arith.constant 10 : i32
    %barrier3A_9 = arith.constant 0 : index
    tpu.barrier barrier_id(%barrier3A_9)
    %mul3A_10 = arith.constant 640 : i32
    %mul3A_11 = arith.muli %arg1, %mul3A_10 : i32
    %mul3A_12 = arith.constant 640 : i32
    %mul3A_13 = arith.muli %arg1, %mul3A_12 : i32
    "tpu.region"() ({
      %run_scoped3A = tpu.sem_alloc : memref<!tpu.dma_semaphore, #tpu.memory_space<semaphore_mem>>
      %dma_start3A = arith.constant 0 : i32
      %dma_start3A_14 = tpu.memref_slice %arg8[%arg0, %mul3A_13, %dma_start3A] : memref<2x10240x64xf32, #tpu.memory_space<hbm>> -> memref<1x640x64xf32, #tpu.memory_space<hbm>>
      %dma_start3A_15 = tpu.memref_squeeze %dma_start3A_14 : memref<1x640x64xf32, #tpu.memory_space<hbm>> -> memref<640x64xf32, #tpu.memory_space<hbm>>
      %dma_start3A_16 = arith.constant 0 : i32
      %dma_start3A_17 = tpu.memref_slice %arg9[%mul3A_11, %dma_start3A_16] : memref<10240x64xf32, #tpu.memory_space<vmem_shared>> -> memref<640x64xf32, #tpu.memory_space<vmem_shared>>
      tpu.enqueue_dma source(%dma_start3A_17 : memref<640x64xf32, #tpu.memory_space<vmem_shared>>) target(%dma_start3A_15 : memref<640x64xf32, #tpu.memory_space<hbm>>) target_semaphore(%run_scoped3A : memref<!tpu.dma_semaphore, #tpu.memory_space<semaphore_mem>>)
      %dma_wait3A = arith.constant 0 : i32
      %dma_wait3A_18 = tpu.memref_slice %arg8[%arg0, %mul3A_13, %dma_wait3A] : memref<2x10240x64xf32, #tpu.memory_space<hbm>> -> memref<1x640x64xf32, #tpu.memory_space<hbm>>
      %dma_wait3A_19 = tpu.memref_squeeze %dma_wait3A_18 : memref<1x640x64xf32, #tpu.memory_space<hbm>> -> memref<640x64xf32, #tpu.memory_space<hbm>>
      %dma_wait3A_20 = arith.constant 0 : i32
      %dma_wait3A_21 = tpu.memref_slice %arg9[%mul3A_11, %dma_wait3A_20] : memref<10240x64xf32, #tpu.memory_space<vmem_shared>> -> memref<640x64xf32, #tpu.memory_space<vmem_shared>>
      tpu.wait_dma2 semaphore(%run_scoped3A : memref<!tpu.dma_semaphore, #tpu.memory_space<semaphore_mem>>) src(%dma_wait3A_21 : memref<640x64xf32, #tpu.memory_space<vmem_shared>>) dst(%dma_wait3A_19 : memref<640x64xf32, #tpu.memory_space<hbm>>)
      tpu.yield
    }) : () -> ()
    return
  }
}

#map = affine_map<(d0, d1) -> (0, 0)>
#map1 = affine_map<(d0, d1) -> (0, 0, 0)>
module attributes {stable_mosaic.version = 14 : i64} {
  func.func @body_wd(%arg0: i32, %arg1: i32, %arg2: memref<10000x64xf32, #tpu.memory_space<hbm>>, %arg3: memref<2560x128xi32, #tpu.memory_space<hbm>>, %arg4: memref<2560x128xi32, #tpu.memory_space<hbm>>, %arg5: memref<10240x64xf32, #tpu.memory_space<hbm>>, %arg6: memref<128x8xf32, #tpu.memory_space<hbm>>, %arg7: memref<10240x8xf32, #tpu.memory_space<hbm>>, %arg8: memref<2x10240x64xf32, #tpu.memory_space<hbm>>, %arg9: memref<2x10240x8xf32, #tpu.memory_space<hbm>>, %arg10: memref<10240x64xf32, #tpu.memory_space<vmem_shared>>, %arg11: memref<8x128xi32, #tpu.memory_space<vmem>>, %arg12: memref<8x128xi32, #tpu.memory_space<vmem>>, %arg13: memref<4x128x64xf32, #tpu.memory_space<vmem>>, %arg14: memref<!tpu.dma_semaphore, #tpu.memory_space<semaphore_mem>>, %arg15: memref<!tpu.dma_semaphore, #tpu.memory_space<semaphore_mem>>, %arg16: memref<!tpu.dma_semaphore, #tpu.memory_space<semaphore_mem>>, %arg17: memref<!tpu.dma_semaphore, #tpu.memory_space<semaphore_mem>>, %arg18: memref<10240x8xf32, #tpu.memory_space<vmem_shared>>, %arg19: memref<128x8xf32, #tpu.memory_space<vmem>>) attributes {dimension_semantics = [#tpu.dimension_semantics<core_parallel>, #tpu.dimension_semantics<subcore_parallel>], iteration_bounds = array<i64: 2, 16>, scalar_prefetch = 0 : i64, scratch_operands = 10 : i64, tpu.core_type = #tpu.core_type<sc_vector_subcore>, window_params = [{transform_indices = #map}, {transform_indices = #map}, {transform_indices = #map}, {transform_indices = #map}, {transform_indices = #map}, {transform_indices = #map}, {transform_indices = #map1}, {transform_indices = #map1}]} {
    %mul3A = arith.constant 16 : i32
    %mul3A_0 = arith.muli %arg0, %mul3A : i32
    %add3A = arith.addi %mul3A_0, %arg1 : i32
    %mul3A_1 = arith.constant 640 : i32
    %mul3A_2 = arith.muli %arg1, %mul3A_1 : i32
    %mul3A_3 = arith.constant 640 : i32
    %mul3A_4 = arith.muli %arg1, %mul3A_3 : i32
    "tpu.region"() ({
      %run_scoped3A = tpu.sem_alloc : memref<!tpu.dma_semaphore, #tpu.memory_space<semaphore_mem>>
      %dma_start3A = arith.constant 0 : i32
      %dma_start3A_22 = tpu.memref_slice %arg10[%mul3A_4, %dma_start3A] : memref<10240x64xf32, #tpu.memory_space<vmem_shared>> -> memref<640x64xf32, #tpu.memory_space<vmem_shared>>
      %dma_start3A_23 = arith.constant 0 : i32
      %dma_start3A_24 = tpu.memref_slice %arg5[%mul3A_2, %dma_start3A_23] : memref<10240x64xf32, #tpu.memory_space<hbm>> -> memref<640x64xf32, #tpu.memory_space<hbm>>
      tpu.enqueue_dma source(%dma_start3A_24 : memref<640x64xf32, #tpu.memory_space<hbm>>) target(%dma_start3A_22 : memref<640x64xf32, #tpu.memory_space<vmem_shared>>) target_semaphore(%run_scoped3A : memref<!tpu.dma_semaphore, #tpu.memory_space<semaphore_mem>>)
      %dma_wait3A = arith.constant 0 : i32
      %dma_wait3A_25 = tpu.memref_slice %arg10[%mul3A_4, %dma_wait3A] : memref<10240x64xf32, #tpu.memory_space<vmem_shared>> -> memref<640x64xf32, #tpu.memory_space<vmem_shared>>
      %dma_wait3A_26 = arith.constant 0 : i32
      %dma_wait3A_27 = tpu.memref_slice %arg5[%mul3A_2, %dma_wait3A_26] : memref<10240x64xf32, #tpu.memory_space<hbm>> -> memref<640x64xf32, #tpu.memory_space<hbm>>
      tpu.wait_dma2 semaphore(%run_scoped3A : memref<!tpu.dma_semaphore, #tpu.memory_space<semaphore_mem>>) src(%dma_wait3A_27 : memref<640x64xf32, #tpu.memory_space<hbm>>) dst(%dma_wait3A_25 : memref<640x64xf32, #tpu.memory_space<vmem_shared>>)
      tpu.yield
    }) : () -> ()
    %mul3A_5 = arith.constant 640 : i32
    %mul3A_6 = arith.muli %arg1, %mul3A_5 : i32
    %mul3A_7 = arith.constant 640 : i32
    %mul3A_8 = arith.muli %arg1, %mul3A_7 : i32
    "tpu.region"() ({
      %run_scoped3A = tpu.sem_alloc : memref<!tpu.dma_semaphore, #tpu.memory_space<semaphore_mem>>
      %dma_start3A = arith.constant 0 : i32
      %dma_start3A_22 = tpu.memref_slice %arg18[%mul3A_8, %dma_start3A] : memref<10240x8xf32, #tpu.memory_space<vmem_shared>> -> memref<640x8xf32, #tpu.memory_space<vmem_shared>>
      %dma_start3A_23 = arith.constant 0 : i32
      %dma_start3A_24 = tpu.memref_slice %arg7[%mul3A_6, %dma_start3A_23] : memref<10240x8xf32, #tpu.memory_space<hbm>> -> memref<640x8xf32, #tpu.memory_space<hbm>>
      tpu.enqueue_dma source(%dma_start3A_24 : memref<640x8xf32, #tpu.memory_space<hbm>>) target(%dma_start3A_22 : memref<640x8xf32, #tpu.memory_space<vmem_shared>>) target_semaphore(%run_scoped3A : memref<!tpu.dma_semaphore, #tpu.memory_space<semaphore_mem>>)
      %dma_wait3A = arith.constant 0 : i32
      %dma_wait3A_25 = tpu.memref_slice %arg18[%mul3A_8, %dma_wait3A] : memref<10240x8xf32, #tpu.memory_space<vmem_shared>> -> memref<640x8xf32, #tpu.memory_space<vmem_shared>>
      %dma_wait3A_26 = arith.constant 0 : i32
      %dma_wait3A_27 = tpu.memref_slice %arg7[%mul3A_6, %dma_wait3A_26] : memref<10240x8xf32, #tpu.memory_space<hbm>> -> memref<640x8xf32, #tpu.memory_space<hbm>>
      tpu.wait_dma2 semaphore(%run_scoped3A : memref<!tpu.dma_semaphore, #tpu.memory_space<semaphore_mem>>) src(%dma_wait3A_27 : memref<640x8xf32, #tpu.memory_space<hbm>>) dst(%dma_wait3A_25 : memref<640x8xf32, #tpu.memory_space<vmem_shared>>)
      tpu.yield
    }) : () -> ()
    "tpu.region"() ({
      %run_scoped3A = tpu.sem_alloc : memref<!tpu.dma_semaphore, #tpu.memory_space<semaphore_mem>>
      tpu.enqueue_dma source(%arg6 : memref<128x8xf32, #tpu.memory_space<hbm>>) target(%arg19 : memref<128x8xf32, #tpu.memory_space<vmem>>) target_semaphore(%run_scoped3A : memref<!tpu.dma_semaphore, #tpu.memory_space<semaphore_mem>>)
      tpu.wait_dma2 semaphore(%run_scoped3A : memref<!tpu.dma_semaphore, #tpu.memory_space<semaphore_mem>>) src(%arg6 : memref<128x8xf32, #tpu.memory_space<hbm>>) dst(%arg19 : memref<128x8xf32, #tpu.memory_space<vmem>>)
      tpu.yield
    }) : () -> ()
    %barrier3A = arith.constant 0 : index
    tpu.barrier barrier_id(%barrier3A)
    %scan3A = arith.constant 0 : i32
    %scan3A_9 = arith.constant 10 : i32
    %scan3A_10 = arith.addi %scan3A, %scan3A_9 : i32
    %scan3A_11 = arith.constant 1 : i32
    scf.for %scan3A_22 = %scan3A to %scan3A_10 step %scan3A_11  : i32 {
      %mul3A_23 = arith.constant 1 : i32
      %mul3A_24 = arith.muli %scan3A_22, %mul3A_23 : i32
      %add3A_25 = arith.constant 0 : i32
      %add3A_26 = arith.addi %add3A_25, %mul3A_24 : i32
      %mul3A_27 = arith.constant 80 : i32
      %mul3A_28 = arith.muli %add3A, %mul3A_27 : i32
      %mul3A_29 = arith.constant 8 : i32
      %mul3A_30 = arith.muli %add3A_26, %mul3A_29 : i32
      %add3A_31 = arith.addi %mul3A_28, %mul3A_30 : i32
      "tpu.region"() ({
        %run_scoped3A_245 = tpu.sem_alloc : memref<!tpu.dma_semaphore, #tpu.memory_space<semaphore_mem>>
        %dma_start3A_246 = arith.constant 0 : i32
        %dma_start3A_247 = tpu.memref_slice %arg3[%add3A_31, %dma_start3A_246] : memref<2560x128xi32, #tpu.memory_space<hbm>> -> memref<8x128xi32, #tpu.memory_space<hbm>>
        %dma_start3A_248 = arith.constant 0 : i32
        %dma_start3A_249 = tpu.memref_slice %arg3[%add3A_31, %dma_start3A_248] : memref<2560x128xi32, #tpu.memory_space<hbm>> -> memref<8x128xi32, #tpu.memory_space<hbm>>
        tpu.enqueue_dma source(%dma_start3A_249 : memref<8x128xi32, #tpu.memory_space<hbm>>) target(%arg11 : memref<8x128xi32, #tpu.memory_space<vmem>>) target_semaphore(%run_scoped3A_245 : memref<!tpu.dma_semaphore, #tpu.memory_space<semaphore_mem>>)
        %dma_wait3A_250 = arith.constant 0 : i32
        %dma_wait3A_251 = tpu.memref_slice %arg3[%add3A_31, %dma_wait3A_250] : memref<2560x128xi32, #tpu.memory_space<hbm>> -> memref<8x128xi32, #tpu.memory_space<hbm>>
        %dma_wait3A_252 = arith.constant 0 : i32
        %dma_wait3A_253 = tpu.memref_slice %arg3[%add3A_31, %dma_wait3A_252] : memref<2560x128xi32, #tpu.memory_space<hbm>> -> memref<8x128xi32, #tpu.memory_space<hbm>>
        tpu.wait_dma2 semaphore(%run_scoped3A_245 : memref<!tpu.dma_semaphore, #tpu.memory_space<semaphore_mem>>) src(%dma_wait3A_253 : memref<8x128xi32, #tpu.memory_space<hbm>>) dst(%arg11 : memref<8x128xi32, #tpu.memory_space<vmem>>)
        tpu.yield
      }) : () -> ()
      "tpu.region"() ({
        %run_scoped3A_245 = tpu.sem_alloc : memref<!tpu.dma_semaphore, #tpu.memory_space<semaphore_mem>>
        %dma_start3A_246 = arith.constant 0 : i32
        %dma_start3A_247 = tpu.memref_slice %arg4[%add3A_31, %dma_start3A_246] : memref<2560x128xi32, #tpu.memory_space<hbm>> -> memref<8x128xi32, #tpu.memory_space<hbm>>
        %dma_start3A_248 = arith.constant 0 : i32
        %dma_start3A_249 = tpu.memref_slice %arg4[%add3A_31, %dma_start3A_248] : memref<2560x128xi32, #tpu.memory_space<hbm>> -> memref<8x128xi32, #tpu.memory_space<hbm>>
        tpu.enqueue_dma source(%dma_start3A_249 : memref<8x128xi32, #tpu.memory_space<hbm>>) target(%arg12 : memref<8x128xi32, #tpu.memory_space<vmem>>) target_semaphore(%run_scoped3A_245 : memref<!tpu.dma_semaphore, #tpu.memory_space<semaphore_mem>>)
        %dma_wait3A_250 = arith.constant 0 : i32
        %dma_wait3A_251 = tpu.memref_slice %arg4[%add3A_31, %dma_wait3A_250] : memref<2560x128xi32, #tpu.memory_space<hbm>> -> memref<8x128xi32, #tpu.memory_space<hbm>>
        %dma_wait3A_252 = arith.constant 0 : i32
        %dma_wait3A_253 = tpu.memref_slice %arg4[%add3A_31, %dma_wait3A_252] : memref<2560x128xi32, #tpu.memory_space<hbm>> -> memref<8x128xi32, #tpu.memory_space<hbm>>
        tpu.wait_dma2 semaphore(%run_scoped3A_245 : memref<!tpu.dma_semaphore, #tpu.memory_space<semaphore_mem>>) src(%dma_wait3A_253 : memref<8x128xi32, #tpu.memory_space<hbm>>) dst(%arg12 : memref<8x128xi32, #tpu.memory_space<vmem>>)
        tpu.yield
      }) : () -> ()
      %dma_start3A = arith.constant 0 : i32
      %dma_start3A_32 = arith.constant 0 : i32
      %dma_start3A_33 = arith.constant 0 : i32
      %dma_start3A_34 = arith.constant 0 : i32
      %dma_start3A_35 = tpu.memref_slice %arg13[%dma_start3A_32, %dma_start3A_33, %dma_start3A_34] : memref<4x128x64xf32, #tpu.memory_space<vmem>> -> memref<1x128x64xf32, #tpu.memory_space<vmem>>
      %dma_start3A_36 = tpu.memref_squeeze %dma_start3A_35 : memref<1x128x64xf32, #tpu.memory_space<vmem>> -> memref<128x64xf32, #tpu.memory_space<vmem>>
      %dma_start3A_37 = arith.constant 0 : i32
      %dma_start3A_38 = tpu.memref_slice %arg11[%dma_start3A, %dma_start3A_37] : memref<8x128xi32, #tpu.memory_space<vmem>> -> memref<1x128xi32, #tpu.memory_space<vmem>>
      %dma_start3A_39 = tpu.memref_squeeze %dma_start3A_38 : memref<1x128xi32, #tpu.memory_space<vmem>> -> memref<128xi32, #tpu.memory_space<vmem>>
      %dma_start3A_40 = arith.constant 0 : i32
      %dma_start3A_41 = arith.constant 0 : i32
      %dma_start3A_42 = tpu.memref_slice %arg2[%dma_start3A_40, %dma_start3A_41] : memref<10000x64xf32, #tpu.memory_space<hbm>> -> memref<10000x64xf32, #tpu.memory_space<hbm>>
      tpu.enqueue_indirect_dma source(%dma_start3A_42 : memref<10000x64xf32, #tpu.memory_space<hbm>>) target(%dma_start3A_36 : memref<128x64xf32, #tpu.memory_space<vmem>>) offsets(%dma_start3A_39 : memref<128xi32, #tpu.memory_space<vmem>>) semaphore(%arg14 : memref<!tpu.dma_semaphore, #tpu.memory_space<semaphore_mem>>)
      %dma_start3A_43 = arith.constant 1 : i32
      %dma_start3A_44 = arith.constant 1 : i32
      %dma_start3A_45 = arith.constant 0 : i32
      %dma_start3A_46 = arith.constant 0 : i32
      %dma_start3A_47 = tpu.memref_slice %arg13[%dma_start3A_44, %dma_start3A_45, %dma_start3A_46] : memref<4x128x64xf32, #tpu.memory_space<vmem>> -> memref<1x128x64xf32, #tpu.memory_space<vmem>>
      %dma_start3A_48 = tpu.memref_squeeze %dma_start3A_47 : memref<1x128x64xf32, #tpu.memory_space<vmem>> -> memref<128x64xf32, #tpu.memory_space<vmem>>
      %dma_start3A_49 = arith.constant 0 : i32
      %dma_start3A_50 = tpu.memref_slice %arg11[%dma_start3A_43, %dma_start3A_49] : memref<8x128xi32, #tpu.memory_space<vmem>> -> memref<1x128xi32, #tpu.memory_space<vmem>>
      %dma_start3A_51 = tpu.memref_squeeze %dma_start3A_50 : memref<1x128xi32, #tpu.memory_space<vmem>> -> memref<128xi32, #tpu.memory_space<vmem>>
      %dma_start3A_52 = arith.constant 0 : i32
      %dma_start3A_53 = arith.constant 0 : i32
      %dma_start3A_54 = tpu.memref_slice %arg2[%dma_start3A_52, %dma_start3A_53] : memref<10000x64xf32, #tpu.memory_space<hbm>> -> memref<10000x64xf32, #tpu.memory_space<hbm>>
      tpu.enqueue_indirect_dma source(%dma_start3A_54 : memref<10000x64xf32, #tpu.memory_space<hbm>>) target(%dma_start3A_48 : memref<128x64xf32, #tpu.memory_space<vmem>>) offsets(%dma_start3A_51 : memref<128xi32, #tpu.memory_space<vmem>>) semaphore(%arg15 : memref<!tpu.dma_semaphore, #tpu.memory_space<semaphore_mem>>)
      %dma_start3A_55 = arith.constant 2 : i32
      %dma_start3A_56 = arith.constant 2 : i32
      %dma_start3A_57 = arith.constant 0 : i32
      %dma_start3A_58 = arith.constant 0 : i32
      %dma_start3A_59 = tpu.memref_slice %arg13[%dma_start3A_56, %dma_start3A_57, %dma_start3A_58] : memref<4x128x64xf32, #tpu.memory_space<vmem>> -> memref<1x128x64xf32, #tpu.memory_space<vmem>>
      %dma_start3A_60 = tpu.memref_squeeze %dma_start3A_59 : memref<1x128x64xf32, #tpu.memory_space<vmem>> -> memref<128x64xf32, #tpu.memory_space<vmem>>
      %dma_start3A_61 = arith.constant 0 : i32
      %dma_start3A_62 = tpu.memref_slice %arg11[%dma_start3A_55, %dma_start3A_61] : memref<8x128xi32, #tpu.memory_space<vmem>> -> memref<1x128xi32, #tpu.memory_space<vmem>>
      %dma_start3A_63 = tpu.memref_squeeze %dma_start3A_62 : memref<1x128xi32, #tpu.memory_space<vmem>> -> memref<128xi32, #tpu.memory_space<vmem>>
      %dma_start3A_64 = arith.constant 0 : i32
      %dma_start3A_65 = arith.constant 0 : i32
      %dma_start3A_66 = tpu.memref_slice %arg2[%dma_start3A_64, %dma_start3A_65] : memref<10000x64xf32, #tpu.memory_space<hbm>> -> memref<10000x64xf32, #tpu.memory_space<hbm>>
      tpu.enqueue_indirect_dma source(%dma_start3A_66 : memref<10000x64xf32, #tpu.memory_space<hbm>>) target(%dma_start3A_60 : memref<128x64xf32, #tpu.memory_space<vmem>>) offsets(%dma_start3A_63 : memref<128xi32, #tpu.memory_space<vmem>>) semaphore(%arg16 : memref<!tpu.dma_semaphore, #tpu.memory_space<semaphore_mem>>)
      %dma_start3A_67 = arith.constant 3 : i32
      %dma_start3A_68 = arith.constant 3 : i32
      %dma_start3A_69 = arith.constant 0 : i32
      %dma_start3A_70 = arith.constant 0 : i32
      %dma_start3A_71 = tpu.memref_slice %arg13[%dma_start3A_68, %dma_start3A_69, %dma_start3A_70] : memref<4x128x64xf32, #tpu.memory_space<vmem>> -> memref<1x128x64xf32, #tpu.memory_space<vmem>>
      %dma_start3A_72 = tpu.memref_squeeze %dma_start3A_71 : memref<1x128x64xf32, #tpu.memory_space<vmem>> -> memref<128x64xf32, #tpu.memory_space<vmem>>
      %dma_start3A_73 = arith.constant 0 : i32
      %dma_start3A_74 = tpu.memref_slice %arg11[%dma_start3A_67, %dma_start3A_73] : memref<8x128xi32, #tpu.memory_space<vmem>> -> memref<1x128xi32, #tpu.memory_space<vmem>>
      %dma_start3A_75 = tpu.memref_squeeze %dma_start3A_74 : memref<1x128xi32, #tpu.memory_space<vmem>> -> memref<128xi32, #tpu.memory_space<vmem>>
      %dma_start3A_76 = arith.constant 0 : i32
      %dma_start3A_77 = arith.constant 0 : i32
      %dma_start3A_78 = tpu.memref_slice %arg2[%dma_start3A_76, %dma_start3A_77] : memref<10000x64xf32, #tpu.memory_space<hbm>> -> memref<10000x64xf32, #tpu.memory_space<hbm>>
      tpu.enqueue_indirect_dma source(%dma_start3A_78 : memref<10000x64xf32, #tpu.memory_space<hbm>>) target(%dma_start3A_72 : memref<128x64xf32, #tpu.memory_space<vmem>>) offsets(%dma_start3A_75 : memref<128xi32, #tpu.memory_space<vmem>>) semaphore(%arg17 : memref<!tpu.dma_semaphore, #tpu.memory_space<semaphore_mem>>)
      %dma_wait3A = arith.constant 0 : i32
      %dma_wait3A_79 = arith.constant 0 : i32
      %dma_wait3A_80 = arith.constant 0 : i32
      %dma_wait3A_81 = arith.constant 0 : i32
      %dma_wait3A_82 = tpu.memref_slice %arg13[%dma_wait3A_79, %dma_wait3A_80, %dma_wait3A_81] : memref<4x128x64xf32, #tpu.memory_space<vmem>> -> memref<1x128x64xf32, #tpu.memory_space<vmem>>
      %dma_wait3A_83 = tpu.memref_squeeze %dma_wait3A_82 : memref<1x128x64xf32, #tpu.memory_space<vmem>> -> memref<128x64xf32, #tpu.memory_space<vmem>>
      %dma_wait3A_84 = arith.constant 0 : i32
      %dma_wait3A_85 = tpu.memref_slice %arg11[%dma_wait3A, %dma_wait3A_84] : memref<8x128xi32, #tpu.memory_space<vmem>> -> memref<1x128xi32, #tpu.memory_space<vmem>>
      %dma_wait3A_86 = tpu.memref_squeeze %dma_wait3A_85 : memref<1x128xi32, #tpu.memory_space<vmem>> -> memref<128xi32, #tpu.memory_space<vmem>>
      %dma_wait3A_87 = arith.constant 0 : i32
      %dma_wait3A_88 = arith.constant 0 : i32
      %dma_wait3A_89 = tpu.memref_slice %arg2[%dma_wait3A_87, %dma_wait3A_88] : memref<10000x64xf32, #tpu.memory_space<hbm>> -> memref<10000x64xf32, #tpu.memory_space<hbm>>
      tpu.wait_indirect_dma semaphore(%arg14 : memref<!tpu.dma_semaphore, #tpu.memory_space<semaphore_mem>>) src(%dma_wait3A_89 : memref<10000x64xf32, #tpu.memory_space<hbm>>) dst(%dma_wait3A_83 : memref<128x64xf32, #tpu.memory_space<vmem>>)
      %run_scoped3A = arith.constant 0 : i32
      %run_scoped3A_90 = arith.constant 0 : i32
      "tpu.region"() ({
        %run_scoped3A_245 = tpu.sem_alloc : memref<!tpu.dma_semaphore, #tpu.memory_space<semaphore_mem>>
        %dma_start3A_246 = arith.constant 0 : i32
        %dma_start3A_247 = arith.constant 0 : i32
        %dma_start3A_248 = tpu.memref_slice %arg13[%run_scoped3A, %dma_start3A_246, %dma_start3A_247] : memref<4x128x64xf32, #tpu.memory_space<vmem>> -> memref<1x128x64xf32, #tpu.memory_space<vmem>>
        %dma_start3A_249 = tpu.memref_squeeze %dma_start3A_248 : memref<1x128x64xf32, #tpu.memory_space<vmem>> -> memref<128x64xf32, #tpu.memory_space<vmem>>
        %dma_start3A_250 = arith.constant 0 : i32
        %dma_start3A_251 = tpu.memref_slice %arg12[%run_scoped3A_90, %dma_start3A_250] : memref<8x128xi32, #tpu.memory_space<vmem>> -> memref<1x128xi32, #tpu.memory_space<vmem>>
        %dma_start3A_252 = tpu.memref_squeeze %dma_start3A_251 : memref<1x128xi32, #tpu.memory_space<vmem>> -> memref<128xi32, #tpu.memory_space<vmem>>
        %dma_start3A_253 = arith.constant 0 : i32
        %dma_start3A_254 = arith.constant 0 : i32
        %dma_start3A_255 = tpu.memref_slice %arg10[%dma_start3A_253, %dma_start3A_254] : memref<10240x64xf32, #tpu.memory_space<vmem_shared>> -> memref<10240x64xf32, #tpu.memory_space<vmem_shared>>
        tpu.enqueue_indirect_dma source(%dma_start3A_249 : memref<128x64xf32, #tpu.memory_space<vmem>>) target(%dma_start3A_255 : memref<10240x64xf32, #tpu.memory_space<vmem_shared>>) offsets(%dma_start3A_252 : memref<128xi32, #tpu.memory_space<vmem>>) semaphore(%run_scoped3A_245 : memref<!tpu.dma_semaphore, #tpu.memory_space<semaphore_mem>>) {add = true}
        %dma_wait3A_256 = arith.constant 0 : i32
        %dma_wait3A_257 = arith.constant 0 : i32
        %dma_wait3A_258 = tpu.memref_slice %arg13[%run_scoped3A, %dma_wait3A_256, %dma_wait3A_257] : memref<4x128x64xf32, #tpu.memory_space<vmem>> -> memref<1x128x64xf32, #tpu.memory_space<vmem>>
        %dma_wait3A_259 = tpu.memref_squeeze %dma_wait3A_258 : memref<1x128x64xf32, #tpu.memory_space<vmem>> -> memref<128x64xf32, #tpu.memory_space<vmem>>
        %dma_wait3A_260 = arith.constant 0 : i32
        %dma_wait3A_261 = tpu.memref_slice %arg12[%run_scoped3A_90, %dma_wait3A_260] : memref<8x128xi32, #tpu.memory_space<vmem>> -> memref<1x128xi32, #tpu.memory_space<vmem>>
        %dma_wait3A_262 = tpu.memref_squeeze %dma_wait3A_261 : memref<1x128xi32, #tpu.memory_space<vmem>> -> memref<128xi32, #tpu.memory_space<vmem>>
        %dma_wait3A_263 = arith.constant 0 : i32
        %dma_wait3A_264 = arith.constant 0 : i32
        %dma_wait3A_265 = tpu.memref_slice %arg10[%dma_wait3A_263, %dma_wait3A_264] : memref<10240x64xf32, #tpu.memory_space<vmem_shared>> -> memref<10240x64xf32, #tpu.memory_space<vmem_shared>>
        tpu.wait_indirect_dma semaphore(%run_scoped3A_245 : memref<!tpu.dma_semaphore, #tpu.memory_space<semaphore_mem>>) src(%dma_wait3A_259 : memref<128x64xf32, #tpu.memory_space<vmem>>) dst(%dma_wait3A_265 : memref<10240x64xf32, #tpu.memory_space<vmem_shared>>)
        tpu.yield
      }) : () -> ()
      %run_scoped3A_91 = arith.constant 0 : i32
      "tpu.region"() ({
        %run_scoped3A_245 = tpu.sem_alloc : memref<!tpu.dma_semaphore, #tpu.memory_space<semaphore_mem>>
        %dma_start3A_246 = arith.constant 0 : i32
        %dma_start3A_247 = tpu.memref_slice %arg12[%run_scoped3A_91, %dma_start3A_246] : memref<8x128xi32, #tpu.memory_space<vmem>> -> memref<1x128xi32, #tpu.memory_space<vmem>>
        %dma_start3A_248 = tpu.memref_squeeze %dma_start3A_247 : memref<1x128xi32, #tpu.memory_space<vmem>> -> memref<128xi32, #tpu.memory_space<vmem>>
        %dma_start3A_249 = arith.constant 0 : i32
        %dma_start3A_250 = arith.constant 0 : i32
        %dma_start3A_251 = tpu.memref_slice %arg18[%dma_start3A_249, %dma_start3A_250] : memref<10240x8xf32, #tpu.memory_space<vmem_shared>> -> memref<10240x8xf32, #tpu.memory_space<vmem_shared>>
        tpu.enqueue_indirect_dma source(%arg19 : memref<128x8xf32, #tpu.memory_space<vmem>>) target(%dma_start3A_251 : memref<10240x8xf32, #tpu.memory_space<vmem_shared>>) offsets(%dma_start3A_248 : memref<128xi32, #tpu.memory_space<vmem>>) semaphore(%run_scoped3A_245 : memref<!tpu.dma_semaphore, #tpu.memory_space<semaphore_mem>>) {add = true}
        %dma_wait3A_252 = arith.constant 0 : i32
        %dma_wait3A_253 = tpu.memref_slice %arg12[%run_scoped3A_91, %dma_wait3A_252] : memref<8x128xi32, #tpu.memory_space<vmem>> -> memref<1x128xi32, #tpu.memory_space<vmem>>
        %dma_wait3A_254 = tpu.memref_squeeze %dma_wait3A_253 : memref<1x128xi32, #tpu.memory_space<vmem>> -> memref<128xi32, #tpu.memory_space<vmem>>
        %dma_wait3A_255 = arith.constant 0 : i32
        %dma_wait3A_256 = arith.constant 0 : i32
        %dma_wait3A_257 = tpu.memref_slice %arg18[%dma_wait3A_255, %dma_wait3A_256] : memref<10240x8xf32, #tpu.memory_space<vmem_shared>> -> memref<10240x8xf32, #tpu.memory_space<vmem_shared>>
        tpu.wait_indirect_dma semaphore(%run_scoped3A_245 : memref<!tpu.dma_semaphore, #tpu.memory_space<semaphore_mem>>) src(%arg19 : memref<128x8xf32, #tpu.memory_space<vmem>>) dst(%dma_wait3A_257 : memref<10240x8xf32, #tpu.memory_space<vmem_shared>>)
        tpu.yield
      }) : () -> ()
      %dma_start3A_92 = arith.constant 4 : i32
      %dma_start3A_93 = arith.constant 0 : i32
      %dma_start3A_94 = arith.constant 0 : i32
      %dma_start3A_95 = arith.constant 0 : i32
      %dma_start3A_96 = tpu.memref_slice %arg13[%dma_start3A_93, %dma_start3A_94, %dma_start3A_95] : memref<4x128x64xf32, #tpu.memory_space<vmem>> -> memref<1x128x64xf32, #tpu.memory_space<vmem>>
      %dma_start3A_97 = tpu.memref_squeeze %dma_start3A_96 : memref<1x128x64xf32, #tpu.memory_space<vmem>> -> memref<128x64xf32, #tpu.memory_space<vmem>>
      %dma_start3A_98 = arith.constant 0 : i32
      %dma_start3A_99 = tpu.memref_slice %arg11[%dma_start3A_92, %dma_start3A_98] : memref<8x128xi32, #tpu.memory_space<vmem>> -> memref<1x128xi32, #tpu.memory_space<vmem>>
      %dma_start3A_100 = tpu.memref_squeeze %dma_start3A_99 : memref<1x128xi32, #tpu.memory_space<vmem>> -> memref<128xi32, #tpu.memory_space<vmem>>
      %dma_start3A_101 = arith.constant 0 : i32
      %dma_start3A_102 = arith.constant 0 : i32
      %dma_start3A_103 = tpu.memref_slice %arg2[%dma_start3A_101, %dma_start3A_102] : memref<10000x64xf32, #tpu.memory_space<hbm>> -> memref<10000x64xf32, #tpu.memory_space<hbm>>
      tpu.enqueue_indirect_dma source(%dma_start3A_103 : memref<10000x64xf32, #tpu.memory_space<hbm>>) target(%dma_start3A_97 : memref<128x64xf32, #tpu.memory_space<vmem>>) offsets(%dma_start3A_100 : memref<128xi32, #tpu.memory_space<vmem>>) semaphore(%arg14 : memref<!tpu.dma_semaphore, #tpu.memory_space<semaphore_mem>>)
      %dma_wait3A_104 = arith.constant 1 : i32
      %dma_wait3A_105 = arith.constant 1 : i32
      %dma_wait3A_106 = arith.constant 0 : i32
      %dma_wait3A_107 = arith.constant 0 : i32
      %dma_wait3A_108 = tpu.memref_slice %arg13[%dma_wait3A_105, %dma_wait3A_106, %dma_wait3A_107] : memref<4x128x64xf32, #tpu.memory_space<vmem>> -> memref<1x128x64xf32, #tpu.memory_space<vmem>>
      %dma_wait3A_109 = tpu.memref_squeeze %dma_wait3A_108 : memref<1x128x64xf32, #tpu.memory_space<vmem>> -> memref<128x64xf32, #tpu.memory_space<vmem>>
      %dma_wait3A_110 = arith.constant 0 : i32
      %dma_wait3A_111 = tpu.memref_slice %arg11[%dma_wait3A_104, %dma_wait3A_110] : memref<8x128xi32, #tpu.memory_space<vmem>> -> memref<1x128xi32, #tpu.memory_space<vmem>>
      %dma_wait3A_112 = tpu.memref_squeeze %dma_wait3A_111 : memref<1x128xi32, #tpu.memory_space<vmem>> -> memref<128xi32, #tpu.memory_space<vmem>>
      %dma_wait3A_113 = arith.constant 0 : i32
      %dma_wait3A_114 = arith.constant 0 : i32
      %dma_wait3A_115 = tpu.memref_slice %arg2[%dma_wait3A_113, %dma_wait3A_114] : memref<10000x64xf32, #tpu.memory_space<hbm>> -> memref<10000x64xf32, #tpu.memory_space<hbm>>
      tpu.wait_indirect_dma semaphore(%arg15 : memref<!tpu.dma_semaphore, #tpu.memory_space<semaphore_mem>>) src(%dma_wait3A_115 : memref<10000x64xf32, #tpu.memory_space<hbm>>) dst(%dma_wait3A_109 : memref<128x64xf32, #tpu.memory_space<vmem>>)
      %run_scoped3A_116 = arith.constant 1 : i32
      %run_scoped3A_117 = arith.constant 1 : i32
      "tpu.region"() ({
        %run_scoped3A_245 = tpu.sem_alloc : memref<!tpu.dma_semaphore, #tpu.memory_space<semaphore_mem>>
        %dma_start3A_246 = arith.constant 0 : i32
        %dma_start3A_247 = arith.constant 0 : i32
        %dma_start3A_248 = tpu.memref_slice %arg13[%run_scoped3A_116, %dma_start3A_246, %dma_start3A_247] : memref<4x128x64xf32, #tpu.memory_space<vmem>> -> memref<1x128x64xf32, #tpu.memory_space<vmem>>
        %dma_start3A_249 = tpu.memref_squeeze %dma_start3A_248 : memref<1x128x64xf32, #tpu.memory_space<vmem>> -> memref<128x64xf32, #tpu.memory_space<vmem>>
        %dma_start3A_250 = arith.constant 0 : i32
        %dma_start3A_251 = tpu.memref_slice %arg12[%run_scoped3A_117, %dma_start3A_250] : memref<8x128xi32, #tpu.memory_space<vmem>> -> memref<1x128xi32, #tpu.memory_space<vmem>>
        %dma_start3A_252 = tpu.memref_squeeze %dma_start3A_251 : memref<1x128xi32, #tpu.memory_space<vmem>> -> memref<128xi32, #tpu.memory_space<vmem>>
        %dma_start3A_253 = arith.constant 0 : i32
        %dma_start3A_254 = arith.constant 0 : i32
        %dma_start3A_255 = tpu.memref_slice %arg10[%dma_start3A_253, %dma_start3A_254] : memref<10240x64xf32, #tpu.memory_space<vmem_shared>> -> memref<10240x64xf32, #tpu.memory_space<vmem_shared>>
        tpu.enqueue_indirect_dma source(%dma_start3A_249 : memref<128x64xf32, #tpu.memory_space<vmem>>) target(%dma_start3A_255 : memref<10240x64xf32, #tpu.memory_space<vmem_shared>>) offsets(%dma_start3A_252 : memref<128xi32, #tpu.memory_space<vmem>>) semaphore(%run_scoped3A_245 : memref<!tpu.dma_semaphore, #tpu.memory_space<semaphore_mem>>) {add = true}
        %dma_wait3A_256 = arith.constant 0 : i32
        %dma_wait3A_257 = arith.constant 0 : i32
        %dma_wait3A_258 = tpu.memref_slice %arg13[%run_scoped3A_116, %dma_wait3A_256, %dma_wait3A_257] : memref<4x128x64xf32, #tpu.memory_space<vmem>> -> memref<1x128x64xf32, #tpu.memory_space<vmem>>
        %dma_wait3A_259 = tpu.memref_squeeze %dma_wait3A_258 : memref<1x128x64xf32, #tpu.memory_space<vmem>> -> memref<128x64xf32, #tpu.memory_space<vmem>>
        %dma_wait3A_260 = arith.constant 0 : i32
        %dma_wait3A_261 = tpu.memref_slice %arg12[%run_scoped3A_117, %dma_wait3A_260] : memref<8x128xi32, #tpu.memory_space<vmem>> -> memref<1x128xi32, #tpu.memory_space<vmem>>
        %dma_wait3A_262 = tpu.memref_squeeze %dma_wait3A_261 : memref<1x128xi32, #tpu.memory_space<vmem>> -> memref<128xi32, #tpu.memory_space<vmem>>
        %dma_wait3A_263 = arith.constant 0 : i32
        %dma_wait3A_264 = arith.constant 0 : i32
        %dma_wait3A_265 = tpu.memref_slice %arg10[%dma_wait3A_263, %dma_wait3A_264] : memref<10240x64xf32, #tpu.memory_space<vmem_shared>> -> memref<10240x64xf32, #tpu.memory_space<vmem_shared>>
        tpu.wait_indirect_dma semaphore(%run_scoped3A_245 : memref<!tpu.dma_semaphore, #tpu.memory_space<semaphore_mem>>) src(%dma_wait3A_259 : memref<128x64xf32, #tpu.memory_space<vmem>>) dst(%dma_wait3A_265 : memref<10240x64xf32, #tpu.memory_space<vmem_shared>>)
        tpu.yield
      }) : () -> ()
      %run_scoped3A_118 = arith.constant 1 : i32
      "tpu.region"() ({
        %run_scoped3A_245 = tpu.sem_alloc : memref<!tpu.dma_semaphore, #tpu.memory_space<semaphore_mem>>
        %dma_start3A_246 = arith.constant 0 : i32
        %dma_start3A_247 = tpu.memref_slice %arg12[%run_scoped3A_118, %dma_start3A_246] : memref<8x128xi32, #tpu.memory_space<vmem>> -> memref<1x128xi32, #tpu.memory_space<vmem>>
        %dma_start3A_248 = tpu.memref_squeeze %dma_start3A_247 : memref<1x128xi32, #tpu.memory_space<vmem>> -> memref<128xi32, #tpu.memory_space<vmem>>
        %dma_start3A_249 = arith.constant 0 : i32
        %dma_start3A_250 = arith.constant 0 : i32
        %dma_start3A_251 = tpu.memref_slice %arg18[%dma_start3A_249, %dma_start3A_250] : memref<10240x8xf32, #tpu.memory_space<vmem_shared>> -> memref<10240x8xf32, #tpu.memory_space<vmem_shared>>
        tpu.enqueue_indirect_dma source(%arg19 : memref<128x8xf32, #tpu.memory_space<vmem>>) target(%dma_start3A_251 : memref<10240x8xf32, #tpu.memory_space<vmem_shared>>) offsets(%dma_start3A_248 : memref<128xi32, #tpu.memory_space<vmem>>) semaphore(%run_scoped3A_245 : memref<!tpu.dma_semaphore, #tpu.memory_space<semaphore_mem>>) {add = true}
        %dma_wait3A_252 = arith.constant 0 : i32
        %dma_wait3A_253 = tpu.memref_slice %arg12[%run_scoped3A_118, %dma_wait3A_252] : memref<8x128xi32, #tpu.memory_space<vmem>> -> memref<1x128xi32, #tpu.memory_space<vmem>>
        %dma_wait3A_254 = tpu.memref_squeeze %dma_wait3A_253 : memref<1x128xi32, #tpu.memory_space<vmem>> -> memref<128xi32, #tpu.memory_space<vmem>>
        %dma_wait3A_255 = arith.constant 0 : i32
        %dma_wait3A_256 = arith.constant 0 : i32
        %dma_wait3A_257 = tpu.memref_slice %arg18[%dma_wait3A_255, %dma_wait3A_256] : memref<10240x8xf32, #tpu.memory_space<vmem_shared>> -> memref<10240x8xf32, #tpu.memory_space<vmem_shared>>
        tpu.wait_indirect_dma semaphore(%run_scoped3A_245 : memref<!tpu.dma_semaphore, #tpu.memory_space<semaphore_mem>>) src(%arg19 : memref<128x8xf32, #tpu.memory_space<vmem>>) dst(%dma_wait3A_257 : memref<10240x8xf32, #tpu.memory_space<vmem_shared>>)
        tpu.yield
      }) : () -> ()
      %dma_start3A_119 = arith.constant 5 : i32
      %dma_start3A_120 = arith.constant 1 : i32
      %dma_start3A_121 = arith.constant 0 : i32
      %dma_start3A_122 = arith.constant 0 : i32
      %dma_start3A_123 = tpu.memref_slice %arg13[%dma_start3A_120, %dma_start3A_121, %dma_start3A_122] : memref<4x128x64xf32, #tpu.memory_space<vmem>> -> memref<1x128x64xf32, #tpu.memory_space<vmem>>
      %dma_start3A_124 = tpu.memref_squeeze %dma_start3A_123 : memref<1x128x64xf32, #tpu.memory_space<vmem>> -> memref<128x64xf32, #tpu.memory_space<vmem>>
      %dma_start3A_125 = arith.constant 0 : i32
      %dma_start3A_126 = tpu.memref_slice %arg11[%dma_start3A_119, %dma_start3A_125] : memref<8x128xi32, #tpu.memory_space<vmem>> -> memref<1x128xi32, #tpu.memory_space<vmem>>
      %dma_start3A_127 = tpu.memref_squeeze %dma_start3A_126 : memref<1x128xi32, #tpu.memory_space<vmem>> -> memref<128xi32, #tpu.memory_space<vmem>>
      %dma_start3A_128 = arith.constant 0 : i32
      %dma_start3A_129 = arith.constant 0 : i32
      %dma_start3A_130 = tpu.memref_slice %arg2[%dma_start3A_128, %dma_start3A_129] : memref<10000x64xf32, #tpu.memory_space<hbm>> -> memref<10000x64xf32, #tpu.memory_space<hbm>>
      tpu.enqueue_indirect_dma source(%dma_start3A_130 : memref<10000x64xf32, #tpu.memory_space<hbm>>) target(%dma_start3A_124 : memref<128x64xf32, #tpu.memory_space<vmem>>) offsets(%dma_start3A_127 : memref<128xi32, #tpu.memory_space<vmem>>) semaphore(%arg15 : memref<!tpu.dma_semaphore, #tpu.memory_space<semaphore_mem>>)
      %dma_wait3A_131 = arith.constant 2 : i32
      %dma_wait3A_132 = arith.constant 2 : i32
      %dma_wait3A_133 = arith.constant 0 : i32
      %dma_wait3A_134 = arith.constant 0 : i32
      %dma_wait3A_135 = tpu.memref_slice %arg13[%dma_wait3A_132, %dma_wait3A_133, %dma_wait3A_134] : memref<4x128x64xf32, #tpu.memory_space<vmem>> -> memref<1x128x64xf32, #tpu.memory_space<vmem>>
      %dma_wait3A_136 = tpu.memref_squeeze %dma_wait3A_135 : memref<1x128x64xf32, #tpu.memory_space<vmem>> -> memref<128x64xf32, #tpu.memory_space<vmem>>
      %dma_wait3A_137 = arith.constant 0 : i32
      %dma_wait3A_138 = tpu.memref_slice %arg11[%dma_wait3A_131, %dma_wait3A_137] : memref<8x128xi32, #tpu.memory_space<vmem>> -> memref<1x128xi32, #tpu.memory_space<vmem>>
      %dma_wait3A_139 = tpu.memref_squeeze %dma_wait3A_138 : memref<1x128xi32, #tpu.memory_space<vmem>> -> memref<128xi32, #tpu.memory_space<vmem>>
      %dma_wait3A_140 = arith.constant 0 : i32
      %dma_wait3A_141 = arith.constant 0 : i32
      %dma_wait3A_142 = tpu.memref_slice %arg2[%dma_wait3A_140, %dma_wait3A_141] : memref<10000x64xf32, #tpu.memory_space<hbm>> -> memref<10000x64xf32, #tpu.memory_space<hbm>>
      tpu.wait_indirect_dma semaphore(%arg16 : memref<!tpu.dma_semaphore, #tpu.memory_space<semaphore_mem>>) src(%dma_wait3A_142 : memref<10000x64xf32, #tpu.memory_space<hbm>>) dst(%dma_wait3A_136 : memref<128x64xf32, #tpu.memory_space<vmem>>)
      %run_scoped3A_143 = arith.constant 2 : i32
      %run_scoped3A_144 = arith.constant 2 : i32
      "tpu.region"() ({
        %run_scoped3A_245 = tpu.sem_alloc : memref<!tpu.dma_semaphore, #tpu.memory_space<semaphore_mem>>
        %dma_start3A_246 = arith.constant 0 : i32
        %dma_start3A_247 = arith.constant 0 : i32
        %dma_start3A_248 = tpu.memref_slice %arg13[%run_scoped3A_143, %dma_start3A_246, %dma_start3A_247] : memref<4x128x64xf32, #tpu.memory_space<vmem>> -> memref<1x128x64xf32, #tpu.memory_space<vmem>>
        %dma_start3A_249 = tpu.memref_squeeze %dma_start3A_248 : memref<1x128x64xf32, #tpu.memory_space<vmem>> -> memref<128x64xf32, #tpu.memory_space<vmem>>
        %dma_start3A_250 = arith.constant 0 : i32
        %dma_start3A_251 = tpu.memref_slice %arg12[%run_scoped3A_144, %dma_start3A_250] : memref<8x128xi32, #tpu.memory_space<vmem>> -> memref<1x128xi32, #tpu.memory_space<vmem>>
        %dma_start3A_252 = tpu.memref_squeeze %dma_start3A_251 : memref<1x128xi32, #tpu.memory_space<vmem>> -> memref<128xi32, #tpu.memory_space<vmem>>
        %dma_start3A_253 = arith.constant 0 : i32
        %dma_start3A_254 = arith.constant 0 : i32
        %dma_start3A_255 = tpu.memref_slice %arg10[%dma_start3A_253, %dma_start3A_254] : memref<10240x64xf32, #tpu.memory_space<vmem_shared>> -> memref<10240x64xf32, #tpu.memory_space<vmem_shared>>
        tpu.enqueue_indirect_dma source(%dma_start3A_249 : memref<128x64xf32, #tpu.memory_space<vmem>>) target(%dma_start3A_255 : memref<10240x64xf32, #tpu.memory_space<vmem_shared>>) offsets(%dma_start3A_252 : memref<128xi32, #tpu.memory_space<vmem>>) semaphore(%run_scoped3A_245 : memref<!tpu.dma_semaphore, #tpu.memory_space<semaphore_mem>>) {add = true}
        %dma_wait3A_256 = arith.constant 0 : i32
        %dma_wait3A_257 = arith.constant 0 : i32
        %dma_wait3A_258 = tpu.memref_slice %arg13[%run_scoped3A_143, %dma_wait3A_256, %dma_wait3A_257] : memref<4x128x64xf32, #tpu.memory_space<vmem>> -> memref<1x128x64xf32, #tpu.memory_space<vmem>>
        %dma_wait3A_259 = tpu.memref_squeeze %dma_wait3A_258 : memref<1x128x64xf32, #tpu.memory_space<vmem>> -> memref<128x64xf32, #tpu.memory_space<vmem>>
        %dma_wait3A_260 = arith.constant 0 : i32
        %dma_wait3A_261 = tpu.memref_slice %arg12[%run_scoped3A_144, %dma_wait3A_260] : memref<8x128xi32, #tpu.memory_space<vmem>> -> memref<1x128xi32, #tpu.memory_space<vmem>>
        %dma_wait3A_262 = tpu.memref_squeeze %dma_wait3A_261 : memref<1x128xi32, #tpu.memory_space<vmem>> -> memref<128xi32, #tpu.memory_space<vmem>>
        %dma_wait3A_263 = arith.constant 0 : i32
        %dma_wait3A_264 = arith.constant 0 : i32
        %dma_wait3A_265 = tpu.memref_slice %arg10[%dma_wait3A_263, %dma_wait3A_264] : memref<10240x64xf32, #tpu.memory_space<vmem_shared>> -> memref<10240x64xf32, #tpu.memory_space<vmem_shared>>
        tpu.wait_indirect_dma semaphore(%run_scoped3A_245 : memref<!tpu.dma_semaphore, #tpu.memory_space<semaphore_mem>>) src(%dma_wait3A_259 : memref<128x64xf32, #tpu.memory_space<vmem>>) dst(%dma_wait3A_265 : memref<10240x64xf32, #tpu.memory_space<vmem_shared>>)
        tpu.yield
      }) : () -> ()
      %run_scoped3A_145 = arith.constant 2 : i32
      "tpu.region"() ({
        %run_scoped3A_245 = tpu.sem_alloc : memref<!tpu.dma_semaphore, #tpu.memory_space<semaphore_mem>>
        %dma_start3A_246 = arith.constant 0 : i32
        %dma_start3A_247 = tpu.memref_slice %arg12[%run_scoped3A_145, %dma_start3A_246] : memref<8x128xi32, #tpu.memory_space<vmem>> -> memref<1x128xi32, #tpu.memory_space<vmem>>
        %dma_start3A_248 = tpu.memref_squeeze %dma_start3A_247 : memref<1x128xi32, #tpu.memory_space<vmem>> -> memref<128xi32, #tpu.memory_space<vmem>>
        %dma_start3A_249 = arith.constant 0 : i32
        %dma_start3A_250 = arith.constant 0 : i32
        %dma_start3A_251 = tpu.memref_slice %arg18[%dma_start3A_249, %dma_start3A_250] : memref<10240x8xf32, #tpu.memory_space<vmem_shared>> -> memref<10240x8xf32, #tpu.memory_space<vmem_shared>>
        tpu.enqueue_indirect_dma source(%arg19 : memref<128x8xf32, #tpu.memory_space<vmem>>) target(%dma_start3A_251 : memref<10240x8xf32, #tpu.memory_space<vmem_shared>>) offsets(%dma_start3A_248 : memref<128xi32, #tpu.memory_space<vmem>>) semaphore(%run_scoped3A_245 : memref<!tpu.dma_semaphore, #tpu.memory_space<semaphore_mem>>) {add = true}
        %dma_wait3A_252 = arith.constant 0 : i32
        %dma_wait3A_253 = tpu.memref_slice %arg12[%run_scoped3A_145, %dma_wait3A_252] : memref<8x128xi32, #tpu.memory_space<vmem>> -> memref<1x128xi32, #tpu.memory_space<vmem>>
        %dma_wait3A_254 = tpu.memref_squeeze %dma_wait3A_253 : memref<1x128xi32, #tpu.memory_space<vmem>> -> memref<128xi32, #tpu.memory_space<vmem>>
        %dma_wait3A_255 = arith.constant 0 : i32
        %dma_wait3A_256 = arith.constant 0 : i32
        %dma_wait3A_257 = tpu.memref_slice %arg18[%dma_wait3A_255, %dma_wait3A_256] : memref<10240x8xf32, #tpu.memory_space<vmem_shared>> -> memref<10240x8xf32, #tpu.memory_space<vmem_shared>>
        tpu.wait_indirect_dma semaphore(%run_scoped3A_245 : memref<!tpu.dma_semaphore, #tpu.memory_space<semaphore_mem>>) src(%arg19 : memref<128x8xf32, #tpu.memory_space<vmem>>) dst(%dma_wait3A_257 : memref<10240x8xf32, #tpu.memory_space<vmem_shared>>)
        tpu.yield
      }) : () -> ()
      %dma_start3A_146 = arith.constant 6 : i32
      %dma_start3A_147 = arith.constant 2 : i32
      %dma_start3A_148 = arith.constant 0 : i32
      %dma_start3A_149 = arith.constant 0 : i32
      %dma_start3A_150 = tpu.memref_slice %arg13[%dma_start3A_147, %dma_start3A_148, %dma_start3A_149] : memref<4x128x64xf32, #tpu.memory_space<vmem>> -> memref<1x128x64xf32, #tpu.memory_space<vmem>>
      %dma_start3A_151 = tpu.memref_squeeze %dma_start3A_150 : memref<1x128x64xf32, #tpu.memory_space<vmem>> -> memref<128x64xf32, #tpu.memory_space<vmem>>
      %dma_start3A_152 = arith.constant 0 : i32
      %dma_start3A_153 = tpu.memref_slice %arg11[%dma_start3A_146, %dma_start3A_152] : memref<8x128xi32, #tpu.memory_space<vmem>> -> memref<1x128xi32, #tpu.memory_space<vmem>>
      %dma_start3A_154 = tpu.memref_squeeze %dma_start3A_153 : memref<1x128xi32, #tpu.memory_space<vmem>> -> memref<128xi32, #tpu.memory_space<vmem>>
      %dma_start3A_155 = arith.constant 0 : i32
      %dma_start3A_156 = arith.constant 0 : i32
      %dma_start3A_157 = tpu.memref_slice %arg2[%dma_start3A_155, %dma_start3A_156] : memref<10000x64xf32, #tpu.memory_space<hbm>> -> memref<10000x64xf32, #tpu.memory_space<hbm>>
      tpu.enqueue_indirect_dma source(%dma_start3A_157 : memref<10000x64xf32, #tpu.memory_space<hbm>>) target(%dma_start3A_151 : memref<128x64xf32, #tpu.memory_space<vmem>>) offsets(%dma_start3A_154 : memref<128xi32, #tpu.memory_space<vmem>>) semaphore(%arg16 : memref<!tpu.dma_semaphore, #tpu.memory_space<semaphore_mem>>)
      %dma_wait3A_158 = arith.constant 3 : i32
      %dma_wait3A_159 = arith.constant 3 : i32
      %dma_wait3A_160 = arith.constant 0 : i32
      %dma_wait3A_161 = arith.constant 0 : i32
      %dma_wait3A_162 = tpu.memref_slice %arg13[%dma_wait3A_159, %dma_wait3A_160, %dma_wait3A_161] : memref<4x128x64xf32, #tpu.memory_space<vmem>> -> memref<1x128x64xf32, #tpu.memory_space<vmem>>
      %dma_wait3A_163 = tpu.memref_squeeze %dma_wait3A_162 : memref<1x128x64xf32, #tpu.memory_space<vmem>> -> memref<128x64xf32, #tpu.memory_space<vmem>>
      %dma_wait3A_164 = arith.constant 0 : i32
      %dma_wait3A_165 = tpu.memref_slice %arg11[%dma_wait3A_158, %dma_wait3A_164] : memref<8x128xi32, #tpu.memory_space<vmem>> -> memref<1x128xi32, #tpu.memory_space<vmem>>
      %dma_wait3A_166 = tpu.memref_squeeze %dma_wait3A_165 : memref<1x128xi32, #tpu.memory_space<vmem>> -> memref<128xi32, #tpu.memory_space<vmem>>
      %dma_wait3A_167 = arith.constant 0 : i32
      %dma_wait3A_168 = arith.constant 0 : i32
      %dma_wait3A_169 = tpu.memref_slice %arg2[%dma_wait3A_167, %dma_wait3A_168] : memref<10000x64xf32, #tpu.memory_space<hbm>> -> memref<10000x64xf32, #tpu.memory_space<hbm>>
      tpu.wait_indirect_dma semaphore(%arg17 : memref<!tpu.dma_semaphore, #tpu.memory_space<semaphore_mem>>) src(%dma_wait3A_169 : memref<10000x64xf32, #tpu.memory_space<hbm>>) dst(%dma_wait3A_163 : memref<128x64xf32, #tpu.memory_space<vmem>>)
      %run_scoped3A_170 = arith.constant 3 : i32
      %run_scoped3A_171 = arith.constant 3 : i32
      "tpu.region"() ({
        %run_scoped3A_245 = tpu.sem_alloc : memref<!tpu.dma_semaphore, #tpu.memory_space<semaphore_mem>>
        %dma_start3A_246 = arith.constant 0 : i32
        %dma_start3A_247 = arith.constant 0 : i32
        %dma_start3A_248 = tpu.memref_slice %arg13[%run_scoped3A_170, %dma_start3A_246, %dma_start3A_247] : memref<4x128x64xf32, #tpu.memory_space<vmem>> -> memref<1x128x64xf32, #tpu.memory_space<vmem>>
        %dma_start3A_249 = tpu.memref_squeeze %dma_start3A_248 : memref<1x128x64xf32, #tpu.memory_space<vmem>> -> memref<128x64xf32, #tpu.memory_space<vmem>>
        %dma_start3A_250 = arith.constant 0 : i32
        %dma_start3A_251 = tpu.memref_slice %arg12[%run_scoped3A_171, %dma_start3A_250] : memref<8x128xi32, #tpu.memory_space<vmem>> -> memref<1x128xi32, #tpu.memory_space<vmem>>
        %dma_start3A_252 = tpu.memref_squeeze %dma_start3A_251 : memref<1x128xi32, #tpu.memory_space<vmem>> -> memref<128xi32, #tpu.memory_space<vmem>>
        %dma_start3A_253 = arith.constant 0 : i32
        %dma_start3A_254 = arith.constant 0 : i32
        %dma_start3A_255 = tpu.memref_slice %arg10[%dma_start3A_253, %dma_start3A_254] : memref<10240x64xf32, #tpu.memory_space<vmem_shared>> -> memref<10240x64xf32, #tpu.memory_space<vmem_shared>>
        tpu.enqueue_indirect_dma source(%dma_start3A_249 : memref<128x64xf32, #tpu.memory_space<vmem>>) target(%dma_start3A_255 : memref<10240x64xf32, #tpu.memory_space<vmem_shared>>) offsets(%dma_start3A_252 : memref<128xi32, #tpu.memory_space<vmem>>) semaphore(%run_scoped3A_245 : memref<!tpu.dma_semaphore, #tpu.memory_space<semaphore_mem>>) {add = true}
        %dma_wait3A_256 = arith.constant 0 : i32
        %dma_wait3A_257 = arith.constant 0 : i32
        %dma_wait3A_258 = tpu.memref_slice %arg13[%run_scoped3A_170, %dma_wait3A_256, %dma_wait3A_257] : memref<4x128x64xf32, #tpu.memory_space<vmem>> -> memref<1x128x64xf32, #tpu.memory_space<vmem>>
        %dma_wait3A_259 = tpu.memref_squeeze %dma_wait3A_258 : memref<1x128x64xf32, #tpu.memory_space<vmem>> -> memref<128x64xf32, #tpu.memory_space<vmem>>
        %dma_wait3A_260 = arith.constant 0 : i32
        %dma_wait3A_261 = tpu.memref_slice %arg12[%run_scoped3A_171, %dma_wait3A_260] : memref<8x128xi32, #tpu.memory_space<vmem>> -> memref<1x128xi32, #tpu.memory_space<vmem>>
        %dma_wait3A_262 = tpu.memref_squeeze %dma_wait3A_261 : memref<1x128xi32, #tpu.memory_space<vmem>> -> memref<128xi32, #tpu.memory_space<vmem>>
        %dma_wait3A_263 = arith.constant 0 : i32
        %dma_wait3A_264 = arith.constant 0 : i32
        %dma_wait3A_265 = tpu.memref_slice %arg10[%dma_wait3A_263, %dma_wait3A_264] : memref<10240x64xf32, #tpu.memory_space<vmem_shared>> -> memref<10240x64xf32, #tpu.memory_space<vmem_shared>>
        tpu.wait_indirect_dma semaphore(%run_scoped3A_245 : memref<!tpu.dma_semaphore, #tpu.memory_space<semaphore_mem>>) src(%dma_wait3A_259 : memref<128x64xf32, #tpu.memory_space<vmem>>) dst(%dma_wait3A_265 : memref<10240x64xf32, #tpu.memory_space<vmem_shared>>)
        tpu.yield
      }) : () -> ()
      %run_scoped3A_172 = arith.constant 3 : i32
      "tpu.region"() ({
        %run_scoped3A_245 = tpu.sem_alloc : memref<!tpu.dma_semaphore, #tpu.memory_space<semaphore_mem>>
        %dma_start3A_246 = arith.constant 0 : i32
        %dma_start3A_247 = tpu.memref_slice %arg12[%run_scoped3A_172, %dma_start3A_246] : memref<8x128xi32, #tpu.memory_space<vmem>> -> memref<1x128xi32, #tpu.memory_space<vmem>>
        %dma_start3A_248 = tpu.memref_squeeze %dma_start3A_247 : memref<1x128xi32, #tpu.memory_space<vmem>> -> memref<128xi32, #tpu.memory_space<vmem>>
        %dma_start3A_249 = arith.constant 0 : i32
        %dma_start3A_250 = arith.constant 0 : i32
        %dma_start3A_251 = tpu.memref_slice %arg18[%dma_start3A_249, %dma_start3A_250] : memref<10240x8xf32, #tpu.memory_space<vmem_shared>> -> memref<10240x8xf32, #tpu.memory_space<vmem_shared>>
        tpu.enqueue_indirect_dma source(%arg19 : memref<128x8xf32, #tpu.memory_space<vmem>>) target(%dma_start3A_251 : memref<10240x8xf32, #tpu.memory_space<vmem_shared>>) offsets(%dma_start3A_248 : memref<128xi32, #tpu.memory_space<vmem>>) semaphore(%run_scoped3A_245 : memref<!tpu.dma_semaphore, #tpu.memory_space<semaphore_mem>>) {add = true}
        %dma_wait3A_252 = arith.constant 0 : i32
        %dma_wait3A_253 = tpu.memref_slice %arg12[%run_scoped3A_172, %dma_wait3A_252] : memref<8x128xi32, #tpu.memory_space<vmem>> -> memref<1x128xi32, #tpu.memory_space<vmem>>
        %dma_wait3A_254 = tpu.memref_squeeze %dma_wait3A_253 : memref<1x128xi32, #tpu.memory_space<vmem>> -> memref<128xi32, #tpu.memory_space<vmem>>
        %dma_wait3A_255 = arith.constant 0 : i32
        %dma_wait3A_256 = arith.constant 0 : i32
        %dma_wait3A_257 = tpu.memref_slice %arg18[%dma_wait3A_255, %dma_wait3A_256] : memref<10240x8xf32, #tpu.memory_space<vmem_shared>> -> memref<10240x8xf32, #tpu.memory_space<vmem_shared>>
        tpu.wait_indirect_dma semaphore(%run_scoped3A_245 : memref<!tpu.dma_semaphore, #tpu.memory_space<semaphore_mem>>) src(%arg19 : memref<128x8xf32, #tpu.memory_space<vmem>>) dst(%dma_wait3A_257 : memref<10240x8xf32, #tpu.memory_space<vmem_shared>>)
        tpu.yield
      }) : () -> ()
      %dma_start3A_173 = arith.constant 7 : i32
      %dma_start3A_174 = arith.constant 3 : i32
      %dma_start3A_175 = arith.constant 0 : i32
      %dma_start3A_176 = arith.constant 0 : i32
      %dma_start3A_177 = tpu.memref_slice %arg13[%dma_start3A_174, %dma_start3A_175, %dma_start3A_176] : memref<4x128x64xf32, #tpu.memory_space<vmem>> -> memref<1x128x64xf32, #tpu.memory_space<vmem>>
      %dma_start3A_178 = tpu.memref_squeeze %dma_start3A_177 : memref<1x128x64xf32, #tpu.memory_space<vmem>> -> memref<128x64xf32, #tpu.memory_space<vmem>>
      %dma_start3A_179 = arith.constant 0 : i32
      %dma_start3A_180 = tpu.memref_slice %arg11[%dma_start3A_173, %dma_start3A_179] : memref<8x128xi32, #tpu.memory_space<vmem>> -> memref<1x128xi32, #tpu.memory_space<vmem>>
      %dma_start3A_181 = tpu.memref_squeeze %dma_start3A_180 : memref<1x128xi32, #tpu.memory_space<vmem>> -> memref<128xi32, #tpu.memory_space<vmem>>
      %dma_start3A_182 = arith.constant 0 : i32
      %dma_start3A_183 = arith.constant 0 : i32
      %dma_start3A_184 = tpu.memref_slice %arg2[%dma_start3A_182, %dma_start3A_183] : memref<10000x64xf32, #tpu.memory_space<hbm>> -> memref<10000x64xf32, #tpu.memory_space<hbm>>
      tpu.enqueue_indirect_dma source(%dma_start3A_184 : memref<10000x64xf32, #tpu.memory_space<hbm>>) target(%dma_start3A_178 : memref<128x64xf32, #tpu.memory_space<vmem>>) offsets(%dma_start3A_181 : memref<128xi32, #tpu.memory_space<vmem>>) semaphore(%arg17 : memref<!tpu.dma_semaphore, #tpu.memory_space<semaphore_mem>>)
      %dma_wait3A_185 = arith.constant 4 : i32
      %dma_wait3A_186 = arith.constant 0 : i32
      %dma_wait3A_187 = arith.constant 0 : i32
      %dma_wait3A_188 = arith.constant 0 : i32
      %dma_wait3A_189 = tpu.memref_slice %arg13[%dma_wait3A_186, %dma_wait3A_187, %dma_wait3A_188] : memref<4x128x64xf32, #tpu.memory_space<vmem>> -> memref<1x128x64xf32, #tpu.memory_space<vmem>>
      %dma_wait3A_190 = tpu.memref_squeeze %dma_wait3A_189 : memref<1x128x64xf32, #tpu.memory_space<vmem>> -> memref<128x64xf32, #tpu.memory_space<vmem>>
      %dma_wait3A_191 = arith.constant 0 : i32
      %dma_wait3A_192 = tpu.memref_slice %arg11[%dma_wait3A_185, %dma_wait3A_191] : memref<8x128xi32, #tpu.memory_space<vmem>> -> memref<1x128xi32, #tpu.memory_space<vmem>>
      %dma_wait3A_193 = tpu.memref_squeeze %dma_wait3A_192 : memref<1x128xi32, #tpu.memory_space<vmem>> -> memref<128xi32, #tpu.memory_space<vmem>>
      %dma_wait3A_194 = arith.constant 0 : i32
      %dma_wait3A_195 = arith.constant 0 : i32
      %dma_wait3A_196 = tpu.memref_slice %arg2[%dma_wait3A_194, %dma_wait3A_195] : memref<10000x64xf32, #tpu.memory_space<hbm>> -> memref<10000x64xf32, #tpu.memory_space<hbm>>
      tpu.wait_indirect_dma semaphore(%arg14 : memref<!tpu.dma_semaphore, #tpu.memory_space<semaphore_mem>>) src(%dma_wait3A_196 : memref<10000x64xf32, #tpu.memory_space<hbm>>) dst(%dma_wait3A_190 : memref<128x64xf32, #tpu.memory_space<vmem>>)
      %run_scoped3A_197 = arith.constant 0 : i32
      %run_scoped3A_198 = arith.constant 4 : i32
      "tpu.region"() ({
        %run_scoped3A_245 = tpu.sem_alloc : memref<!tpu.dma_semaphore, #tpu.memory_space<semaphore_mem>>
        %dma_start3A_246 = arith.constant 0 : i32
        %dma_start3A_247 = arith.constant 0 : i32
        %dma_start3A_248 = tpu.memref_slice %arg13[%run_scoped3A_197, %dma_start3A_246, %dma_start3A_247] : memref<4x128x64xf32, #tpu.memory_space<vmem>> -> memref<1x128x64xf32, #tpu.memory_space<vmem>>
        %dma_start3A_249 = tpu.memref_squeeze %dma_start3A_248 : memref<1x128x64xf32, #tpu.memory_space<vmem>> -> memref<128x64xf32, #tpu.memory_space<vmem>>
        %dma_start3A_250 = arith.constant 0 : i32
        %dma_start3A_251 = tpu.memref_slice %arg12[%run_scoped3A_198, %dma_start3A_250] : memref<8x128xi32, #tpu.memory_space<vmem>> -> memref<1x128xi32, #tpu.memory_space<vmem>>
        %dma_start3A_252 = tpu.memref_squeeze %dma_start3A_251 : memref<1x128xi32, #tpu.memory_space<vmem>> -> memref<128xi32, #tpu.memory_space<vmem>>
        %dma_start3A_253 = arith.constant 0 : i32
        %dma_start3A_254 = arith.constant 0 : i32
        %dma_start3A_255 = tpu.memref_slice %arg10[%dma_start3A_253, %dma_start3A_254] : memref<10240x64xf32, #tpu.memory_space<vmem_shared>> -> memref<10240x64xf32, #tpu.memory_space<vmem_shared>>
        tpu.enqueue_indirect_dma source(%dma_start3A_249 : memref<128x64xf32, #tpu.memory_space<vmem>>) target(%dma_start3A_255 : memref<10240x64xf32, #tpu.memory_space<vmem_shared>>) offsets(%dma_start3A_252 : memref<128xi32, #tpu.memory_space<vmem>>) semaphore(%run_scoped3A_245 : memref<!tpu.dma_semaphore, #tpu.memory_space<semaphore_mem>>) {add = true}
        %dma_wait3A_256 = arith.constant 0 : i32
        %dma_wait3A_257 = arith.constant 0 : i32
        %dma_wait3A_258 = tpu.memref_slice %arg13[%run_scoped3A_197, %dma_wait3A_256, %dma_wait3A_257] : memref<4x128x64xf32, #tpu.memory_space<vmem>> -> memref<1x128x64xf32, #tpu.memory_space<vmem>>
        %dma_wait3A_259 = tpu.memref_squeeze %dma_wait3A_258 : memref<1x128x64xf32, #tpu.memory_space<vmem>> -> memref<128x64xf32, #tpu.memory_space<vmem>>
        %dma_wait3A_260 = arith.constant 0 : i32
        %dma_wait3A_261 = tpu.memref_slice %arg12[%run_scoped3A_198, %dma_wait3A_260] : memref<8x128xi32, #tpu.memory_space<vmem>> -> memref<1x128xi32, #tpu.memory_space<vmem>>
        %dma_wait3A_262 = tpu.memref_squeeze %dma_wait3A_261 : memref<1x128xi32, #tpu.memory_space<vmem>> -> memref<128xi32, #tpu.memory_space<vmem>>
        %dma_wait3A_263 = arith.constant 0 : i32
        %dma_wait3A_264 = arith.constant 0 : i32
        %dma_wait3A_265 = tpu.memref_slice %arg10[%dma_wait3A_263, %dma_wait3A_264] : memref<10240x64xf32, #tpu.memory_space<vmem_shared>> -> memref<10240x64xf32, #tpu.memory_space<vmem_shared>>
        tpu.wait_indirect_dma semaphore(%run_scoped3A_245 : memref<!tpu.dma_semaphore, #tpu.memory_space<semaphore_mem>>) src(%dma_wait3A_259 : memref<128x64xf32, #tpu.memory_space<vmem>>) dst(%dma_wait3A_265 : memref<10240x64xf32, #tpu.memory_space<vmem_shared>>)
        tpu.yield
      }) : () -> ()
      %run_scoped3A_199 = arith.constant 4 : i32
      "tpu.region"() ({
        %run_scoped3A_245 = tpu.sem_alloc : memref<!tpu.dma_semaphore, #tpu.memory_space<semaphore_mem>>
        %dma_start3A_246 = arith.constant 0 : i32
        %dma_start3A_247 = tpu.memref_slice %arg12[%run_scoped3A_199, %dma_start3A_246] : memref<8x128xi32, #tpu.memory_space<vmem>> -> memref<1x128xi32, #tpu.memory_space<vmem>>
        %dma_start3A_248 = tpu.memref_squeeze %dma_start3A_247 : memref<1x128xi32, #tpu.memory_space<vmem>> -> memref<128xi32, #tpu.memory_space<vmem>>
        %dma_start3A_249 = arith.constant 0 : i32
        %dma_start3A_250 = arith.constant 0 : i32
        %dma_start3A_251 = tpu.memref_slice %arg18[%dma_start3A_249, %dma_start3A_250] : memref<10240x8xf32, #tpu.memory_space<vmem_shared>> -> memref<10240x8xf32, #tpu.memory_space<vmem_shared>>
        tpu.enqueue_indirect_dma source(%arg19 : memref<128x8xf32, #tpu.memory_space<vmem>>) target(%dma_start3A_251 : memref<10240x8xf32, #tpu.memory_space<vmem_shared>>) offsets(%dma_start3A_248 : memref<128xi32, #tpu.memory_space<vmem>>) semaphore(%run_scoped3A_245 : memref<!tpu.dma_semaphore, #tpu.memory_space<semaphore_mem>>) {add = true}
        %dma_wait3A_252 = arith.constant 0 : i32
        %dma_wait3A_253 = tpu.memref_slice %arg12[%run_scoped3A_199, %dma_wait3A_252] : memref<8x128xi32, #tpu.memory_space<vmem>> -> memref<1x128xi32, #tpu.memory_space<vmem>>
        %dma_wait3A_254 = tpu.memref_squeeze %dma_wait3A_253 : memref<1x128xi32, #tpu.memory_space<vmem>> -> memref<128xi32, #tpu.memory_space<vmem>>
        %dma_wait3A_255 = arith.constant 0 : i32
        %dma_wait3A_256 = arith.constant 0 : i32
        %dma_wait3A_257 = tpu.memref_slice %arg18[%dma_wait3A_255, %dma_wait3A_256] : memref<10240x8xf32, #tpu.memory_space<vmem_shared>> -> memref<10240x8xf32, #tpu.memory_space<vmem_shared>>
        tpu.wait_indirect_dma semaphore(%run_scoped3A_245 : memref<!tpu.dma_semaphore, #tpu.memory_space<semaphore_mem>>) src(%arg19 : memref<128x8xf32, #tpu.memory_space<vmem>>) dst(%dma_wait3A_257 : memref<10240x8xf32, #tpu.memory_space<vmem_shared>>)
        tpu.yield
      }) : () -> ()
      %dma_wait3A_200 = arith.constant 5 : i32
      %dma_wait3A_201 = arith.constant 1 : i32
      %dma_wait3A_202 = arith.constant 0 : i32
      %dma_wait3A_203 = arith.constant 0 : i32
      %dma_wait3A_204 = tpu.memref_slice %arg13[%dma_wait3A_201, %dma_wait3A_202, %dma_wait3A_203] : memref<4x128x64xf32, #tpu.memory_space<vmem>> -> memref<1x128x64xf32, #tpu.memory_space<vmem>>
      %dma_wait3A_205 = tpu.memref_squeeze %dma_wait3A_204 : memref<1x128x64xf32, #tpu.memory_space<vmem>> -> memref<128x64xf32, #tpu.memory_space<vmem>>
      %dma_wait3A_206 = arith.constant 0 : i32
      %dma_wait3A_207 = tpu.memref_slice %arg11[%dma_wait3A_200, %dma_wait3A_206] : memref<8x128xi32, #tpu.memory_space<vmem>> -> memref<1x128xi32, #tpu.memory_space<vmem>>
      %dma_wait3A_208 = tpu.memref_squeeze %dma_wait3A_207 : memref<1x128xi32, #tpu.memory_space<vmem>> -> memref<128xi32, #tpu.memory_space<vmem>>
      %dma_wait3A_209 = arith.constant 0 : i32
      %dma_wait3A_210 = arith.constant 0 : i32
      %dma_wait3A_211 = tpu.memref_slice %arg2[%dma_wait3A_209, %dma_wait3A_210] : memref<10000x64xf32, #tpu.memory_space<hbm>> -> memref<10000x64xf32, #tpu.memory_space<hbm>>
      tpu.wait_indirect_dma semaphore(%arg15 : memref<!tpu.dma_semaphore, #tpu.memory_space<semaphore_mem>>) src(%dma_wait3A_211 : memref<10000x64xf32, #tpu.memory_space<hbm>>) dst(%dma_wait3A_205 : memref<128x64xf32, #tpu.memory_space<vmem>>)
      %run_scoped3A_212 = arith.constant 1 : i32
      %run_scoped3A_213 = arith.constant 5 : i32
      "tpu.region"() ({
        %run_scoped3A_245 = tpu.sem_alloc : memref<!tpu.dma_semaphore, #tpu.memory_space<semaphore_mem>>
        %dma_start3A_246 = arith.constant 0 : i32
        %dma_start3A_247 = arith.constant 0 : i32
        %dma_start3A_248 = tpu.memref_slice %arg13[%run_scoped3A_212, %dma_start3A_246, %dma_start3A_247] : memref<4x128x64xf32, #tpu.memory_space<vmem>> -> memref<1x128x64xf32, #tpu.memory_space<vmem>>
        %dma_start3A_249 = tpu.memref_squeeze %dma_start3A_248 : memref<1x128x64xf32, #tpu.memory_space<vmem>> -> memref<128x64xf32, #tpu.memory_space<vmem>>
        %dma_start3A_250 = arith.constant 0 : i32
        %dma_start3A_251 = tpu.memref_slice %arg12[%run_scoped3A_213, %dma_start3A_250] : memref<8x128xi32, #tpu.memory_space<vmem>> -> memref<1x128xi32, #tpu.memory_space<vmem>>
        %dma_start3A_252 = tpu.memref_squeeze %dma_start3A_251 : memref<1x128xi32, #tpu.memory_space<vmem>> -> memref<128xi32, #tpu.memory_space<vmem>>
        %dma_start3A_253 = arith.constant 0 : i32
        %dma_start3A_254 = arith.constant 0 : i32
        %dma_start3A_255 = tpu.memref_slice %arg10[%dma_start3A_253, %dma_start3A_254] : memref<10240x64xf32, #tpu.memory_space<vmem_shared>> -> memref<10240x64xf32, #tpu.memory_space<vmem_shared>>
        tpu.enqueue_indirect_dma source(%dma_start3A_249 : memref<128x64xf32, #tpu.memory_space<vmem>>) target(%dma_start3A_255 : memref<10240x64xf32, #tpu.memory_space<vmem_shared>>) offsets(%dma_start3A_252 : memref<128xi32, #tpu.memory_space<vmem>>) semaphore(%run_scoped3A_245 : memref<!tpu.dma_semaphore, #tpu.memory_space<semaphore_mem>>) {add = true}
        %dma_wait3A_256 = arith.constant 0 : i32
        %dma_wait3A_257 = arith.constant 0 : i32
        %dma_wait3A_258 = tpu.memref_slice %arg13[%run_scoped3A_212, %dma_wait3A_256, %dma_wait3A_257] : memref<4x128x64xf32, #tpu.memory_space<vmem>> -> memref<1x128x64xf32, #tpu.memory_space<vmem>>
        %dma_wait3A_259 = tpu.memref_squeeze %dma_wait3A_258 : memref<1x128x64xf32, #tpu.memory_space<vmem>> -> memref<128x64xf32, #tpu.memory_space<vmem>>
        %dma_wait3A_260 = arith.constant 0 : i32
        %dma_wait3A_261 = tpu.memref_slice %arg12[%run_scoped3A_213, %dma_wait3A_260] : memref<8x128xi32, #tpu.memory_space<vmem>> -> memref<1x128xi32, #tpu.memory_space<vmem>>
        %dma_wait3A_262 = tpu.memref_squeeze %dma_wait3A_261 : memref<1x128xi32, #tpu.memory_space<vmem>> -> memref<128xi32, #tpu.memory_space<vmem>>
        %dma_wait3A_263 = arith.constant 0 : i32
        %dma_wait3A_264 = arith.constant 0 : i32
        %dma_wait3A_265 = tpu.memref_slice %arg10[%dma_wait3A_263, %dma_wait3A_264] : memref<10240x64xf32, #tpu.memory_space<vmem_shared>> -> memref<10240x64xf32, #tpu.memory_space<vmem_shared>>
        tpu.wait_indirect_dma semaphore(%run_scoped3A_245 : memref<!tpu.dma_semaphore, #tpu.memory_space<semaphore_mem>>) src(%dma_wait3A_259 : memref<128x64xf32, #tpu.memory_space<vmem>>) dst(%dma_wait3A_265 : memref<10240x64xf32, #tpu.memory_space<vmem_shared>>)
        tpu.yield
      }) : () -> ()
      %run_scoped3A_214 = arith.constant 5 : i32
      "tpu.region"() ({
        %run_scoped3A_245 = tpu.sem_alloc : memref<!tpu.dma_semaphore, #tpu.memory_space<semaphore_mem>>
        %dma_start3A_246 = arith.constant 0 : i32
        %dma_start3A_247 = tpu.memref_slice %arg12[%run_scoped3A_214, %dma_start3A_246] : memref<8x128xi32, #tpu.memory_space<vmem>> -> memref<1x128xi32, #tpu.memory_space<vmem>>
        %dma_start3A_248 = tpu.memref_squeeze %dma_start3A_247 : memref<1x128xi32, #tpu.memory_space<vmem>> -> memref<128xi32, #tpu.memory_space<vmem>>
        %dma_start3A_249 = arith.constant 0 : i32
        %dma_start3A_250 = arith.constant 0 : i32
        %dma_start3A_251 = tpu.memref_slice %arg18[%dma_start3A_249, %dma_start3A_250] : memref<10240x8xf32, #tpu.memory_space<vmem_shared>> -> memref<10240x8xf32, #tpu.memory_space<vmem_shared>>
        tpu.enqueue_indirect_dma source(%arg19 : memref<128x8xf32, #tpu.memory_space<vmem>>) target(%dma_start3A_251 : memref<10240x8xf32, #tpu.memory_space<vmem_shared>>) offsets(%dma_start3A_248 : memref<128xi32, #tpu.memory_space<vmem>>) semaphore(%run_scoped3A_245 : memref<!tpu.dma_semaphore, #tpu.memory_space<semaphore_mem>>) {add = true}
        %dma_wait3A_252 = arith.constant 0 : i32
        %dma_wait3A_253 = tpu.memref_slice %arg12[%run_scoped3A_214, %dma_wait3A_252] : memref<8x128xi32, #tpu.memory_space<vmem>> -> memref<1x128xi32, #tpu.memory_space<vmem>>
        %dma_wait3A_254 = tpu.memref_squeeze %dma_wait3A_253 : memref<1x128xi32, #tpu.memory_space<vmem>> -> memref<128xi32, #tpu.memory_space<vmem>>
        %dma_wait3A_255 = arith.constant 0 : i32
        %dma_wait3A_256 = arith.constant 0 : i32
        %dma_wait3A_257 = tpu.memref_slice %arg18[%dma_wait3A_255, %dma_wait3A_256] : memref<10240x8xf32, #tpu.memory_space<vmem_shared>> -> memref<10240x8xf32, #tpu.memory_space<vmem_shared>>
        tpu.wait_indirect_dma semaphore(%run_scoped3A_245 : memref<!tpu.dma_semaphore, #tpu.memory_space<semaphore_mem>>) src(%arg19 : memref<128x8xf32, #tpu.memory_space<vmem>>) dst(%dma_wait3A_257 : memref<10240x8xf32, #tpu.memory_space<vmem_shared>>)
        tpu.yield
      }) : () -> ()
      %dma_wait3A_215 = arith.constant 6 : i32
      %dma_wait3A_216 = arith.constant 2 : i32
      %dma_wait3A_217 = arith.constant 0 : i32
      %dma_wait3A_218 = arith.constant 0 : i32
      %dma_wait3A_219 = tpu.memref_slice %arg13[%dma_wait3A_216, %dma_wait3A_217, %dma_wait3A_218] : memref<4x128x64xf32, #tpu.memory_space<vmem>> -> memref<1x128x64xf32, #tpu.memory_space<vmem>>
      %dma_wait3A_220 = tpu.memref_squeeze %dma_wait3A_219 : memref<1x128x64xf32, #tpu.memory_space<vmem>> -> memref<128x64xf32, #tpu.memory_space<vmem>>
      %dma_wait3A_221 = arith.constant 0 : i32
      %dma_wait3A_222 = tpu.memref_slice %arg11[%dma_wait3A_215, %dma_wait3A_221] : memref<8x128xi32, #tpu.memory_space<vmem>> -> memref<1x128xi32, #tpu.memory_space<vmem>>
      %dma_wait3A_223 = tpu.memref_squeeze %dma_wait3A_222 : memref<1x128xi32, #tpu.memory_space<vmem>> -> memref<128xi32, #tpu.memory_space<vmem>>
      %dma_wait3A_224 = arith.constant 0 : i32
      %dma_wait3A_225 = arith.constant 0 : i32
      %dma_wait3A_226 = tpu.memref_slice %arg2[%dma_wait3A_224, %dma_wait3A_225] : memref<10000x64xf32, #tpu.memory_space<hbm>> -> memref<10000x64xf32, #tpu.memory_space<hbm>>
      tpu.wait_indirect_dma semaphore(%arg16 : memref<!tpu.dma_semaphore, #tpu.memory_space<semaphore_mem>>) src(%dma_wait3A_226 : memref<10000x64xf32, #tpu.memory_space<hbm>>) dst(%dma_wait3A_220 : memref<128x64xf32, #tpu.memory_space<vmem>>)
      %run_scoped3A_227 = arith.constant 2 : i32
      %run_scoped3A_228 = arith.constant 6 : i32
      "tpu.region"() ({
        %run_scoped3A_245 = tpu.sem_alloc : memref<!tpu.dma_semaphore, #tpu.memory_space<semaphore_mem>>
        %dma_start3A_246 = arith.constant 0 : i32
        %dma_start3A_247 = arith.constant 0 : i32
        %dma_start3A_248 = tpu.memref_slice %arg13[%run_scoped3A_227, %dma_start3A_246, %dma_start3A_247] : memref<4x128x64xf32, #tpu.memory_space<vmem>> -> memref<1x128x64xf32, #tpu.memory_space<vmem>>
        %dma_start3A_249 = tpu.memref_squeeze %dma_start3A_248 : memref<1x128x64xf32, #tpu.memory_space<vmem>> -> memref<128x64xf32, #tpu.memory_space<vmem>>
        %dma_start3A_250 = arith.constant 0 : i32
        %dma_start3A_251 = tpu.memref_slice %arg12[%run_scoped3A_228, %dma_start3A_250] : memref<8x128xi32, #tpu.memory_space<vmem>> -> memref<1x128xi32, #tpu.memory_space<vmem>>
        %dma_start3A_252 = tpu.memref_squeeze %dma_start3A_251 : memref<1x128xi32, #tpu.memory_space<vmem>> -> memref<128xi32, #tpu.memory_space<vmem>>
        %dma_start3A_253 = arith.constant 0 : i32
        %dma_start3A_254 = arith.constant 0 : i32
        %dma_start3A_255 = tpu.memref_slice %arg10[%dma_start3A_253, %dma_start3A_254] : memref<10240x64xf32, #tpu.memory_space<vmem_shared>> -> memref<10240x64xf32, #tpu.memory_space<vmem_shared>>
        tpu.enqueue_indirect_dma source(%dma_start3A_249 : memref<128x64xf32, #tpu.memory_space<vmem>>) target(%dma_start3A_255 : memref<10240x64xf32, #tpu.memory_space<vmem_shared>>) offsets(%dma_start3A_252 : memref<128xi32, #tpu.memory_space<vmem>>) semaphore(%run_scoped3A_245 : memref<!tpu.dma_semaphore, #tpu.memory_space<semaphore_mem>>) {add = true}
        %dma_wait3A_256 = arith.constant 0 : i32
        %dma_wait3A_257 = arith.constant 0 : i32
        %dma_wait3A_258 = tpu.memref_slice %arg13[%run_scoped3A_227, %dma_wait3A_256, %dma_wait3A_257] : memref<4x128x64xf32, #tpu.memory_space<vmem>> -> memref<1x128x64xf32, #tpu.memory_space<vmem>>
        %dma_wait3A_259 = tpu.memref_squeeze %dma_wait3A_258 : memref<1x128x64xf32, #tpu.memory_space<vmem>> -> memref<128x64xf32, #tpu.memory_space<vmem>>
        %dma_wait3A_260 = arith.constant 0 : i32
        %dma_wait3A_261 = tpu.memref_slice %arg12[%run_scoped3A_228, %dma_wait3A_260] : memref<8x128xi32, #tpu.memory_space<vmem>> -> memref<1x128xi32, #tpu.memory_space<vmem>>
        %dma_wait3A_262 = tpu.memref_squeeze %dma_wait3A_261 : memref<1x128xi32, #tpu.memory_space<vmem>> -> memref<128xi32, #tpu.memory_space<vmem>>
        %dma_wait3A_263 = arith.constant 0 : i32
        %dma_wait3A_264 = arith.constant 0 : i32
        %dma_wait3A_265 = tpu.memref_slice %arg10[%dma_wait3A_263, %dma_wait3A_264] : memref<10240x64xf32, #tpu.memory_space<vmem_shared>> -> memref<10240x64xf32, #tpu.memory_space<vmem_shared>>
        tpu.wait_indirect_dma semaphore(%run_scoped3A_245 : memref<!tpu.dma_semaphore, #tpu.memory_space<semaphore_mem>>) src(%dma_wait3A_259 : memref<128x64xf32, #tpu.memory_space<vmem>>) dst(%dma_wait3A_265 : memref<10240x64xf32, #tpu.memory_space<vmem_shared>>)
        tpu.yield
      }) : () -> ()
      %run_scoped3A_229 = arith.constant 6 : i32
      "tpu.region"() ({
        %run_scoped3A_245 = tpu.sem_alloc : memref<!tpu.dma_semaphore, #tpu.memory_space<semaphore_mem>>
        %dma_start3A_246 = arith.constant 0 : i32
        %dma_start3A_247 = tpu.memref_slice %arg12[%run_scoped3A_229, %dma_start3A_246] : memref<8x128xi32, #tpu.memory_space<vmem>> -> memref<1x128xi32, #tpu.memory_space<vmem>>
        %dma_start3A_248 = tpu.memref_squeeze %dma_start3A_247 : memref<1x128xi32, #tpu.memory_space<vmem>> -> memref<128xi32, #tpu.memory_space<vmem>>
        %dma_start3A_249 = arith.constant 0 : i32
        %dma_start3A_250 = arith.constant 0 : i32
        %dma_start3A_251 = tpu.memref_slice %arg18[%dma_start3A_249, %dma_start3A_250] : memref<10240x8xf32, #tpu.memory_space<vmem_shared>> -> memref<10240x8xf32, #tpu.memory_space<vmem_shared>>
        tpu.enqueue_indirect_dma source(%arg19 : memref<128x8xf32, #tpu.memory_space<vmem>>) target(%dma_start3A_251 : memref<10240x8xf32, #tpu.memory_space<vmem_shared>>) offsets(%dma_start3A_248 : memref<128xi32, #tpu.memory_space<vmem>>) semaphore(%run_scoped3A_245 : memref<!tpu.dma_semaphore, #tpu.memory_space<semaphore_mem>>) {add = true}
        %dma_wait3A_252 = arith.constant 0 : i32
        %dma_wait3A_253 = tpu.memref_slice %arg12[%run_scoped3A_229, %dma_wait3A_252] : memref<8x128xi32, #tpu.memory_space<vmem>> -> memref<1x128xi32, #tpu.memory_space<vmem>>
        %dma_wait3A_254 = tpu.memref_squeeze %dma_wait3A_253 : memref<1x128xi32, #tpu.memory_space<vmem>> -> memref<128xi32, #tpu.memory_space<vmem>>
        %dma_wait3A_255 = arith.constant 0 : i32
        %dma_wait3A_256 = arith.constant 0 : i32
        %dma_wait3A_257 = tpu.memref_slice %arg18[%dma_wait3A_255, %dma_wait3A_256] : memref<10240x8xf32, #tpu.memory_space<vmem_shared>> -> memref<10240x8xf32, #tpu.memory_space<vmem_shared>>
        tpu.wait_indirect_dma semaphore(%run_scoped3A_245 : memref<!tpu.dma_semaphore, #tpu.memory_space<semaphore_mem>>) src(%arg19 : memref<128x8xf32, #tpu.memory_space<vmem>>) dst(%dma_wait3A_257 : memref<10240x8xf32, #tpu.memory_space<vmem_shared>>)
        tpu.yield
      }) : () -> ()
      %dma_wait3A_230 = arith.constant 7 : i32
      %dma_wait3A_231 = arith.constant 3 : i32
      %dma_wait3A_232 = arith.constant 0 : i32
      %dma_wait3A_233 = arith.constant 0 : i32
      %dma_wait3A_234 = tpu.memref_slice %arg13[%dma_wait3A_231, %dma_wait3A_232, %dma_wait3A_233] : memref<4x128x64xf32, #tpu.memory_space<vmem>> -> memref<1x128x64xf32, #tpu.memory_space<vmem>>
      %dma_wait3A_235 = tpu.memref_squeeze %dma_wait3A_234 : memref<1x128x64xf32, #tpu.memory_space<vmem>> -> memref<128x64xf32, #tpu.memory_space<vmem>>
      %dma_wait3A_236 = arith.constant 0 : i32
      %dma_wait3A_237 = tpu.memref_slice %arg11[%dma_wait3A_230, %dma_wait3A_236] : memref<8x128xi32, #tpu.memory_space<vmem>> -> memref<1x128xi32, #tpu.memory_space<vmem>>
      %dma_wait3A_238 = tpu.memref_squeeze %dma_wait3A_237 : memref<1x128xi32, #tpu.memory_space<vmem>> -> memref<128xi32, #tpu.memory_space<vmem>>
      %dma_wait3A_239 = arith.constant 0 : i32
      %dma_wait3A_240 = arith.constant 0 : i32
      %dma_wait3A_241 = tpu.memref_slice %arg2[%dma_wait3A_239, %dma_wait3A_240] : memref<10000x64xf32, #tpu.memory_space<hbm>> -> memref<10000x64xf32, #tpu.memory_space<hbm>>
      tpu.wait_indirect_dma semaphore(%arg17 : memref<!tpu.dma_semaphore, #tpu.memory_space<semaphore_mem>>) src(%dma_wait3A_241 : memref<10000x64xf32, #tpu.memory_space<hbm>>) dst(%dma_wait3A_235 : memref<128x64xf32, #tpu.memory_space<vmem>>)
      %run_scoped3A_242 = arith.constant 3 : i32
      %run_scoped3A_243 = arith.constant 7 : i32
      "tpu.region"() ({
        %run_scoped3A_245 = tpu.sem_alloc : memref<!tpu.dma_semaphore, #tpu.memory_space<semaphore_mem>>
        %dma_start3A_246 = arith.constant 0 : i32
        %dma_start3A_247 = arith.constant 0 : i32
        %dma_start3A_248 = tpu.memref_slice %arg13[%run_scoped3A_242, %dma_start3A_246, %dma_start3A_247] : memref<4x128x64xf32, #tpu.memory_space<vmem>> -> memref<1x128x64xf32, #tpu.memory_space<vmem>>
        %dma_start3A_249 = tpu.memref_squeeze %dma_start3A_248 : memref<1x128x64xf32, #tpu.memory_space<vmem>> -> memref<128x64xf32, #tpu.memory_space<vmem>>
        %dma_start3A_250 = arith.constant 0 : i32
        %dma_start3A_251 = tpu.memref_slice %arg12[%run_scoped3A_243, %dma_start3A_250] : memref<8x128xi32, #tpu.memory_space<vmem>> -> memref<1x128xi32, #tpu.memory_space<vmem>>
        %dma_start3A_252 = tpu.memref_squeeze %dma_start3A_251 : memref<1x128xi32, #tpu.memory_space<vmem>> -> memref<128xi32, #tpu.memory_space<vmem>>
        %dma_start3A_253 = arith.constant 0 : i32
        %dma_start3A_254 = arith.constant 0 : i32
        %dma_start3A_255 = tpu.memref_slice %arg10[%dma_start3A_253, %dma_start3A_254] : memref<10240x64xf32, #tpu.memory_space<vmem_shared>> -> memref<10240x64xf32, #tpu.memory_space<vmem_shared>>
        tpu.enqueue_indirect_dma source(%dma_start3A_249 : memref<128x64xf32, #tpu.memory_space<vmem>>) target(%dma_start3A_255 : memref<10240x64xf32, #tpu.memory_space<vmem_shared>>) offsets(%dma_start3A_252 : memref<128xi32, #tpu.memory_space<vmem>>) semaphore(%run_scoped3A_245 : memref<!tpu.dma_semaphore, #tpu.memory_space<semaphore_mem>>) {add = true}
        %dma_wait3A_256 = arith.constant 0 : i32
        %dma_wait3A_257 = arith.constant 0 : i32
        %dma_wait3A_258 = tpu.memref_slice %arg13[%run_scoped3A_242, %dma_wait3A_256, %dma_wait3A_257] : memref<4x128x64xf32, #tpu.memory_space<vmem>> -> memref<1x128x64xf32, #tpu.memory_space<vmem>>
        %dma_wait3A_259 = tpu.memref_squeeze %dma_wait3A_258 : memref<1x128x64xf32, #tpu.memory_space<vmem>> -> memref<128x64xf32, #tpu.memory_space<vmem>>
        %dma_wait3A_260 = arith.constant 0 : i32
        %dma_wait3A_261 = tpu.memref_slice %arg12[%run_scoped3A_243, %dma_wait3A_260] : memref<8x128xi32, #tpu.memory_space<vmem>> -> memref<1x128xi32, #tpu.memory_space<vmem>>
        %dma_wait3A_262 = tpu.memref_squeeze %dma_wait3A_261 : memref<1x128xi32, #tpu.memory_space<vmem>> -> memref<128xi32, #tpu.memory_space<vmem>>
        %dma_wait3A_263 = arith.constant 0 : i32
        %dma_wait3A_264 = arith.constant 0 : i32
        %dma_wait3A_265 = tpu.memref_slice %arg10[%dma_wait3A_263, %dma_wait3A_264] : memref<10240x64xf32, #tpu.memory_space<vmem_shared>> -> memref<10240x64xf32, #tpu.memory_space<vmem_shared>>
        tpu.wait_indirect_dma semaphore(%run_scoped3A_245 : memref<!tpu.dma_semaphore, #tpu.memory_space<semaphore_mem>>) src(%dma_wait3A_259 : memref<128x64xf32, #tpu.memory_space<vmem>>) dst(%dma_wait3A_265 : memref<10240x64xf32, #tpu.memory_space<vmem_shared>>)
        tpu.yield
      }) : () -> ()
      %run_scoped3A_244 = arith.constant 7 : i32
      "tpu.region"() ({
        %run_scoped3A_245 = tpu.sem_alloc : memref<!tpu.dma_semaphore, #tpu.memory_space<semaphore_mem>>
        %dma_start3A_246 = arith.constant 0 : i32
        %dma_start3A_247 = tpu.memref_slice %arg12[%run_scoped3A_244, %dma_start3A_246] : memref<8x128xi32, #tpu.memory_space<vmem>> -> memref<1x128xi32, #tpu.memory_space<vmem>>
        %dma_start3A_248 = tpu.memref_squeeze %dma_start3A_247 : memref<1x128xi32, #tpu.memory_space<vmem>> -> memref<128xi32, #tpu.memory_space<vmem>>
        %dma_start3A_249 = arith.constant 0 : i32
        %dma_start3A_250 = arith.constant 0 : i32
        %dma_start3A_251 = tpu.memref_slice %arg18[%dma_start3A_249, %dma_start3A_250] : memref<10240x8xf32, #tpu.memory_space<vmem_shared>> -> memref<10240x8xf32, #tpu.memory_space<vmem_shared>>
        tpu.enqueue_indirect_dma source(%arg19 : memref<128x8xf32, #tpu.memory_space<vmem>>) target(%dma_start3A_251 : memref<10240x8xf32, #tpu.memory_space<vmem_shared>>) offsets(%dma_start3A_248 : memref<128xi32, #tpu.memory_space<vmem>>) semaphore(%run_scoped3A_245 : memref<!tpu.dma_semaphore, #tpu.memory_space<semaphore_mem>>) {add = true}
        %dma_wait3A_252 = arith.constant 0 : i32
        %dma_wait3A_253 = tpu.memref_slice %arg12[%run_scoped3A_244, %dma_wait3A_252] : memref<8x128xi32, #tpu.memory_space<vmem>> -> memref<1x128xi32, #tpu.memory_space<vmem>>
        %dma_wait3A_254 = tpu.memref_squeeze %dma_wait3A_253 : memref<1x128xi32, #tpu.memory_space<vmem>> -> memref<128xi32, #tpu.memory_space<vmem>>
        %dma_wait3A_255 = arith.constant 0 : i32
        %dma_wait3A_256 = arith.constant 0 : i32
        %dma_wait3A_257 = tpu.memref_slice %arg18[%dma_wait3A_255, %dma_wait3A_256] : memref<10240x8xf32, #tpu.memory_space<vmem_shared>> -> memref<10240x8xf32, #tpu.memory_space<vmem_shared>>
        tpu.wait_indirect_dma semaphore(%run_scoped3A_245 : memref<!tpu.dma_semaphore, #tpu.memory_space<semaphore_mem>>) src(%arg19 : memref<128x8xf32, #tpu.memory_space<vmem>>) dst(%dma_wait3A_257 : memref<10240x8xf32, #tpu.memory_space<vmem_shared>>)
        tpu.yield
      }) : () -> ()
    }
    %scan3A_12 = arith.constant 10 : i32
    %barrier3A_13 = arith.constant 0 : index
    tpu.barrier barrier_id(%barrier3A_13)
    %mul3A_14 = arith.constant 640 : i32
    %mul3A_15 = arith.muli %arg1, %mul3A_14 : i32
    %mul3A_16 = arith.constant 640 : i32
    %mul3A_17 = arith.muli %arg1, %mul3A_16 : i32
    "tpu.region"() ({
      %run_scoped3A = tpu.sem_alloc : memref<!tpu.dma_semaphore, #tpu.memory_space<semaphore_mem>>
      %dma_start3A = arith.constant 0 : i32
      %dma_start3A_22 = tpu.memref_slice %arg8[%arg0, %mul3A_17, %dma_start3A] : memref<2x10240x64xf32, #tpu.memory_space<hbm>> -> memref<1x640x64xf32, #tpu.memory_space<hbm>>
      %dma_start3A_23 = tpu.memref_squeeze %dma_start3A_22 : memref<1x640x64xf32, #tpu.memory_space<hbm>> -> memref<640x64xf32, #tpu.memory_space<hbm>>
      %dma_start3A_24 = arith.constant 0 : i32
      %dma_start3A_25 = tpu.memref_slice %arg10[%mul3A_15, %dma_start3A_24] : memref<10240x64xf32, #tpu.memory_space<vmem_shared>> -> memref<640x64xf32, #tpu.memory_space<vmem_shared>>
      tpu.enqueue_dma source(%dma_start3A_25 : memref<640x64xf32, #tpu.memory_space<vmem_shared>>) target(%dma_start3A_23 : memref<640x64xf32, #tpu.memory_space<hbm>>) target_semaphore(%run_scoped3A : memref<!tpu.dma_semaphore, #tpu.memory_space<semaphore_mem>>)
      %dma_wait3A = arith.constant 0 : i32
      %dma_wait3A_26 = tpu.memref_slice %arg8[%arg0, %mul3A_17, %dma_wait3A] : memref<2x10240x64xf32, #tpu.memory_space<hbm>> -> memref<1x640x64xf32, #tpu.memory_space<hbm>>
      %dma_wait3A_27 = tpu.memref_squeeze %dma_wait3A_26 : memref<1x640x64xf32, #tpu.memory_space<hbm>> -> memref<640x64xf32, #tpu.memory_space<hbm>>
      %dma_wait3A_28 = arith.constant 0 : i32
      %dma_wait3A_29 = tpu.memref_slice %arg10[%mul3A_15, %dma_wait3A_28] : memref<10240x64xf32, #tpu.memory_space<vmem_shared>> -> memref<640x64xf32, #tpu.memory_space<vmem_shared>>
      tpu.wait_dma2 semaphore(%run_scoped3A : memref<!tpu.dma_semaphore, #tpu.memory_space<semaphore_mem>>) src(%dma_wait3A_29 : memref<640x64xf32, #tpu.memory_space<vmem_shared>>) dst(%dma_wait3A_27 : memref<640x64xf32, #tpu.memory_space<hbm>>)
      tpu.yield
    }) : () -> ()
    %mul3A_18 = arith.constant 640 : i32
    %mul3A_19 = arith.muli %arg1, %mul3A_18 : i32
    %mul3A_20 = arith.constant 640 : i32
    %mul3A_21 = arith.muli %arg1, %mul3A_20 : i32
    "tpu.region"() ({
      %run_scoped3A = tpu.sem_alloc : memref<!tpu.dma_semaphore, #tpu.memory_space<semaphore_mem>>
      %dma_start3A = arith.constant 0 : i32
      %dma_start3A_22 = tpu.memref_slice %arg9[%arg0, %mul3A_21, %dma_start3A] : memref<2x10240x8xf32, #tpu.memory_space<hbm>> -> memref<1x640x8xf32, #tpu.memory_space<hbm>>
      %dma_start3A_23 = tpu.memref_squeeze %dma_start3A_22 : memref<1x640x8xf32, #tpu.memory_space<hbm>> -> memref<640x8xf32, #tpu.memory_space<hbm>>
      %dma_start3A_24 = arith.constant 0 : i32
      %dma_start3A_25 = tpu.memref_slice %arg18[%mul3A_19, %dma_start3A_24] : memref<10240x8xf32, #tpu.memory_space<vmem_shared>> -> memref<640x8xf32, #tpu.memory_space<vmem_shared>>
      tpu.enqueue_dma source(%dma_start3A_25 : memref<640x8xf32, #tpu.memory_space<vmem_shared>>) target(%dma_start3A_23 : memref<640x8xf32, #tpu.memory_space<hbm>>) target_semaphore(%run_scoped3A : memref<!tpu.dma_semaphore, #tpu.memory_space<semaphore_mem>>)
      %dma_wait3A = arith.constant 0 : i32
      %dma_wait3A_26 = tpu.memref_slice %arg9[%arg0, %mul3A_21, %dma_wait3A] : memref<2x10240x8xf32, #tpu.memory_space<hbm>> -> memref<1x640x8xf32, #tpu.memory_space<hbm>>
      %dma_wait3A_27 = tpu.memref_squeeze %dma_wait3A_26 : memref<1x640x8xf32, #tpu.memory_space<hbm>> -> memref<640x8xf32, #tpu.memory_space<hbm>>
      %dma_wait3A_28 = arith.constant 0 : i32
      %dma_wait3A_29 = tpu.memref_slice %arg18[%mul3A_19, %dma_wait3A_28] : memref<10240x8xf32, #tpu.memory_space<vmem_shared>> -> memref<640x8xf32, #tpu.memory_space<vmem_shared>>
      tpu.wait_dma2 semaphore(%run_scoped3A : memref<!tpu.dma_semaphore, #tpu.memory_space<semaphore_mem>>) src(%dma_wait3A_29 : memref<640x8xf32, #tpu.memory_space<vmem_shared>>) dst(%dma_wait3A_27 : memref<640x8xf32, #tpu.memory_space<hbm>>)
      tpu.yield
    }) : () -> ()
    return
  }
}

module attributes {stable_mosaic.version = 14 : i64} {
  func.func @body(%arg0: i32, %arg1: memref<2000x128xf32, #tpu.memory_space<vmem>>, %arg2: memref<128x128xf32, #tpu.memory_space<vmem>>, %arg3: memref<1x128xf32, #tpu.memory_space<vmem>>, %arg4: memref<2000x64xf32, #tpu.memory_space<vmem>>, %arg5: memref<2000x64xf32, #tpu.memory_space<vmem>>) attributes {dimension_semantics = [#tpu.dimension_semantics<arbitrary>], iteration_bounds = array<i64: 5>, scalar_prefetch = 0 : i64, scratch_operands = 0 : i64, tpu.core_type = #tpu.core_type<tc>, window_params = [{transform_indices = @transform_0, window_bounds = array<i64: 2000, 128>}, {pipeline_mode = #tpu.pipeline_mode<synchronous>, transform_indices = @transform_1, window_bounds = array<i64: 128, 128>}, {pipeline_mode = #tpu.pipeline_mode<synchronous>, transform_indices = @transform_2, window_bounds = array<i64: 1, 128>}, {transform_indices = @transform_3, window_bounds = array<i64: 2000, 64>}, {transform_indices = @transform_4, window_bounds = array<i64: 2000, 64>}]} {
    %get3A = arith.constant 0 : index
    %get3A_0 = arith.constant 0 : index
    %get3A_1 = vector.load %arg1[%get3A, %get3A_0] : memref<2000x128xf32, #tpu.memory_space<vmem>>, vector<2000x128xf32>
    %get3A_2 = arith.constant 0 : index
    %get3A_3 = arith.constant 0 : index
    %get3A_4 = vector.load %arg2[%get3A_2, %get3A_3] : memref<128x128xf32, #tpu.memory_space<vmem>>, vector<128x128xf32>
    %dot_general3A = arith.constant dense<0.000000e+00> : vector<2000x128xf32>
    %dot_general3A_5 = tpu.matmul %get3A_1, %get3A_4, %dot_general3A {dimension_numbers = #tpu.dot_dimension_numbers<[1], [0], [0], [1], [0, 0, 1, 1], [], []>, transpose_lhs_hint = false} : vector<2000x128xf32>, vector<128x128xf32>, vector<2000x128xf32> -> vector<2000x128xf32>
    %get3A_6 = arith.constant 0 : index
    %get3A_7 = arith.constant 0 : index
    %get3A_8 = vector.load %arg3[%get3A_6, %get3A_7] : memref<1x128xf32, #tpu.memory_space<vmem>>, vector<1x128xf32>
    %add3A = vector.broadcast %get3A_8 : vector<1x128xf32> to vector<2000x128xf32>
    %add3A_9 = arith.addf %dot_general3A_5, %add3A : vector<2000x128xf32>
    %max3A = arith.constant 0.000000e+00 : f32
    %max3A_10 = vector.broadcast %max3A : f32 to vector<2000x128xf32>
    %max3A_11 = arith.maximumf %add3A_9, %max3A_10 : vector<2000x128xf32>
    %slice3A = vector.extract_strided_slice %max3A_11 {offsets = [0, 0], sizes = [2000, 64], strides = [1, 1]} : vector<2000x128xf32> to vector<2000x64xf32>
    %swap3A = arith.constant 0 : index
    %swap3A_12 = arith.constant 0 : index
    %swap3A_13 = vector.load %arg4[%swap3A, %swap3A_12] : memref<2000x64xf32, #tpu.memory_space<vmem>>, vector<2000x64xf32>
    tpu.vector_store %arg4[%swap3A, %swap3A_12], %slice3A {strides = array<i32>} : memref<2000x64xf32, #tpu.memory_space<vmem>>, vector<2000x64xf32>,
    %slice3A_14 = vector.extract_strided_slice %max3A_11 {offsets = [0, 64], sizes = [2000, 64], strides = [1, 1]} : vector<2000x128xf32> to vector<2000x64xf32>
    %swap3A_15 = arith.constant 0 : index
    %swap3A_16 = arith.constant 0 : index
    %swap3A_17 = vector.load %arg5[%swap3A_15, %swap3A_16] : memref<2000x64xf32, #tpu.memory_space<vmem>>, vector<2000x64xf32>
    tpu.vector_store %arg5[%swap3A_15, %swap3A_16], %slice3A_14 {strides = array<i32>} : memref<2000x64xf32, #tpu.memory_space<vmem>>, vector<2000x64xf32>,
    return
  }
  func.func @transform_0(%arg0: i32) -> (i32, i32) {
    %c0_i32 = arith.constant 0 : i32
    %c0_i32_0 = arith.constant 0 : i32
    return %arg0, %c0_i32 : i32, i32
  }
  func.func @transform_1(%arg0: i32) -> (i32, i32) {
    %c0_i32 = arith.constant 0 : i32
    %c0_i32_0 = arith.constant 0 : i32
    %c0_i32_1 = arith.constant 0 : i32
    return %c0_i32, %c0_i32_0 : i32, i32
  }
  func.func @transform_2(%arg0: i32) -> (i32, i32) {
    %c0_i32 = arith.constant 0 : i32
    %c0_i32_0 = arith.constant 0 : i32
    %c0_i32_1 = arith.constant 0 : i32
    return %c0_i32, %c0_i32_0 : i32, i32
  }
  func.func @transform_3(%arg0: i32) -> (i32, i32) {
    %c0_i32 = arith.constant 0 : i32
    %c0_i32_0 = arith.constant 0 : i32
    return %arg0, %c0_i32 : i32, i32
  }
  func.func @transform_4(%arg0: i32) -> (i32, i32) {
    %c0_i32 = arith.constant 0 : i32
    %c0_i32_0 = arith.constant 0 : i32
    return %arg0, %c0_i32 : i32, i32
  }
}

module attributes {stable_mosaic.version = 14 : i64} {
  func.func @body(%arg0: i32, %arg1: memref<2000x64xf32, #tpu.memory_space<vmem>>, %arg2: memref<2000x64xf32, #tpu.memory_space<vmem>>, %arg3: memref<2000x64xf32, #tpu.memory_space<vmem>>, %arg4: memref<2000x64xf32, #tpu.memory_space<vmem>>, %arg5: memref<2000x8xf32, #tpu.memory_space<vmem>>, %arg6: memref<2000x8xf32, #tpu.memory_space<vmem>>, %arg7: memref<2000x64xf32, #tpu.memory_space<vmem>>, %arg8: memref<2000x64xf32, #tpu.memory_space<vmem>>, %arg9: memref<128x128xf32, #tpu.memory_space<vmem>>, %arg10: memref<1x128xf32, #tpu.memory_space<vmem>>, %arg11: memref<128x128xf32, #tpu.memory_space<vmem>>, %arg12: memref<128x16xf32, #tpu.memory_space<vmem>>, %arg13: memref<128x16xf32, #tpu.memory_space<vmem>>, %arg14: memref<2000x16xf32, #tpu.memory_space<vmem>>, %arg15: memref<2000x16xf32, #tpu.memory_space<vmem>>) attributes {dimension_semantics = [#tpu.dimension_semantics<arbitrary>], iteration_bounds = array<i64: 5>, scalar_prefetch = 0 : i64, scratch_operands = 0 : i64, tpu.core_type = #tpu.core_type<tc>, window_params = [{transform_indices = @transform_0, window_bounds = array<i64: 2000, 64>}, {transform_indices = @transform_1, window_bounds = array<i64: 2000, 64>}, {transform_indices = @transform_2, window_bounds = array<i64: 2000, 64>}, {transform_indices = @transform_3, window_bounds = array<i64: 2000, 64>}, {transform_indices = @transform_4, window_bounds = array<i64: 2000, 8>}, {transform_indices = @transform_5, window_bounds = array<i64: 2000, 8>}, {transform_indices = @transform_6, window_bounds = array<i64: 2000, 64>}, {transform_indices = @transform_7, window_bounds = array<i64: 2000, 64>}, {pipeline_mode = #tpu.pipeline_mode<synchronous>, transform_indices = @transform_8, window_bounds = array<i64: 128, 128>}, {pipeline_mode = #tpu.pipeline_mode<synchronous>, transform_indices = @transform_9, window_bounds = array<i64: 1, 128>}, {pipeline_mode = #tpu.pipeline_mode<synchronous>, transform_indices = @transform_10, window_bounds = array<i64: 128, 128>}, {pipeline_mode = #tpu.pipeline_mode<synchronous>, transform_indices = @transform_11, window_bounds = array<i64: 128, 16>}, {pipeline_mode = #tpu.pipeline_mode<synchronous>, transform_indices = @transform_12, window_bounds = array<i64: 128, 16>}, {transform_indices = @transform_13, window_bounds = array<i64: 2000, 16>}, {transform_indices = @transform_14, window_bounds = array<i64: 2000, 16>}]} {
    %get3A = arith.constant 0 : index
    %get3A_0 = arith.constant 0 : index
    %get3A_1 = vector.load %arg5[%get3A, %get3A_0] : memref<2000x8xf32, #tpu.memory_space<vmem>>, vector<2000x8xf32>
    %get3A_2 = arith.constant 0 : index
    %get3A_3 = arith.constant 0 : index
    %get3A_4 = vector.load %arg6[%get3A_2, %get3A_3] : memref<2000x8xf32, #tpu.memory_space<vmem>>, vector<2000x8xf32>
    %add3A = arith.addf %get3A_1, %get3A_4 : vector<2000x8xf32>
    %slice3A = vector.extract_strided_slice %add3A {offsets = [0, 0], sizes = [2000, 1], strides = [1, 1]} : vector<2000x8xf32> to vector<2000x1xf32>
    %max3A = arith.constant 1.000000e+00 : f32
    %max3A_5 = vector.broadcast %max3A : f32 to vector<2000x1xf32>
    %max3A_6 = arith.maximumf %slice3A, %max3A_5 : vector<2000x1xf32>
    %div3A = arith.constant 1.000000e+00 : f32
    %div3A_7 = vector.broadcast %div3A : f32 to vector<2000x1xf32>
    %div3A_8 = arith.divf %div3A_7, %max3A_6 : vector<2000x1xf32>
    %get3A_9 = arith.constant 0 : index
    %get3A_10 = arith.constant 0 : index
    %get3A_11 = vector.load %arg1[%get3A_9, %get3A_10] : memref<2000x64xf32, #tpu.memory_space<vmem>>, vector<2000x64xf32>
    %get3A_12 = arith.constant 0 : index
    %get3A_13 = arith.constant 0 : index
    %get3A_14 = vector.load %arg2[%get3A_12, %get3A_13] : memref<2000x64xf32, #tpu.memory_space<vmem>>, vector<2000x64xf32>
    %add3A_15 = arith.addf %get3A_11, %get3A_14 : vector<2000x64xf32>
    %get3A_16 = arith.constant 0 : index
    %get3A_17 = arith.constant 0 : index
    %get3A_18 = vector.load %arg3[%get3A_16, %get3A_17] : memref<2000x64xf32, #tpu.memory_space<vmem>>, vector<2000x64xf32>
    %get3A_19 = arith.constant 0 : index
    %get3A_20 = arith.constant 0 : index
    %get3A_21 = vector.load %arg4[%get3A_19, %get3A_20] : memref<2000x64xf32, #tpu.memory_space<vmem>>, vector<2000x64xf32>
    %add3A_22 = arith.addf %get3A_18, %get3A_21 : vector<2000x64xf32>
    %concatenate3A = tpu.concatenate %add3A_15, %add3A_22 in 1 : vector<2000x64xf32>, vector<2000x64xf32> -> vector<2000x128xf32>
    %mul3A = vector.broadcast %div3A_8 : vector<2000x1xf32> to vector<2000x128xf32>
    %mul3A_23 = arith.mulf %concatenate3A, %mul3A : vector<2000x128xf32>
    %get3A_24 = arith.constant 0 : index
    %get3A_25 = arith.constant 0 : index
    %get3A_26 = vector.load %arg7[%get3A_24, %get3A_25] : memref<2000x64xf32, #tpu.memory_space<vmem>>, vector<2000x64xf32>
    %get3A_27 = arith.constant 0 : index
    %get3A_28 = arith.constant 0 : index
    %get3A_29 = vector.load %arg8[%get3A_27, %get3A_28] : memref<2000x64xf32, #tpu.memory_space<vmem>>, vector<2000x64xf32>
    %concatenate3A_30 = tpu.concatenate %get3A_26, %get3A_29 in 1 : vector<2000x64xf32>, vector<2000x64xf32> -> vector<2000x128xf32>
    %get3A_31 = arith.constant 0 : index
    %get3A_32 = arith.constant 0 : index
    %get3A_33 = vector.load %arg9[%get3A_31, %get3A_32] : memref<128x128xf32, #tpu.memory_space<vmem>>, vector<128x128xf32>
    %dot_general3A = arith.constant dense<0.000000e+00> : vector<2000x128xf32>
    %dot_general3A_34 = tpu.matmul %mul3A_23, %get3A_33, %dot_general3A {dimension_numbers = #tpu.dot_dimension_numbers<[1], [0], [0], [1], [0, 0, 1, 1], [], []>, transpose_lhs_hint = false} : vector<2000x128xf32>, vector<128x128xf32>, vector<2000x128xf32> -> vector<2000x128xf32>
    %get3A_35 = arith.constant 0 : index
    %get3A_36 = arith.constant 0 : index
    %get3A_37 = vector.load %arg10[%get3A_35, %get3A_36] : memref<1x128xf32, #tpu.memory_space<vmem>>, vector<1x128xf32>
    %add3A_38 = vector.broadcast %get3A_37 : vector<1x128xf32> to vector<2000x128xf32>
    %add3A_39 = arith.addf %dot_general3A_34, %add3A_38 : vector<2000x128xf32>
    %get3A_40 = arith.constant 0 : index
    %get3A_41 = arith.constant 0 : index
    %get3A_42 = vector.load %arg11[%get3A_40, %get3A_41] : memref<128x128xf32, #tpu.memory_space<vmem>>, vector<128x128xf32>
    %dot_general3A_43 = arith.constant dense<0.000000e+00> : vector<2000x128xf32>
    %dot_general3A_44 = tpu.matmul %concatenate3A_30, %get3A_42, %dot_general3A_43 {dimension_numbers = #tpu.dot_dimension_numbers<[1], [0], [0], [1], [0, 0, 1, 1], [], []>, transpose_lhs_hint = false} : vector<2000x128xf32>, vector<128x128xf32>, vector<2000x128xf32> -> vector<2000x128xf32>
    %add3A_45 = arith.addf %add3A_39, %dot_general3A_44 : vector<2000x128xf32>
    %max3A_46 = arith.constant 0.000000e+00 : f32
    %max3A_47 = vector.broadcast %max3A_46 : f32 to vector<2000x128xf32>
    %max3A_48 = arith.maximumf %add3A_45, %max3A_47 : vector<2000x128xf32>
    %get3A_49 = arith.constant 0 : index
    %get3A_50 = arith.constant 0 : index
    %get3A_51 = vector.load %arg12[%get3A_49, %get3A_50] : memref<128x16xf32, #tpu.memory_space<vmem>>, vector<128x16xf32>
    %dot_general3A_52 = arith.constant dense<0.000000e+00> : vector<2000x16xf32>
    %dot_general3A_53 = tpu.matmul %max3A_48, %get3A_51, %dot_general3A_52 {dimension_numbers = #tpu.dot_dimension_numbers<[1], [0], [0], [1], [0, 0, 1, 1], [], []>, transpose_lhs_hint = false} : vector<2000x128xf32>, vector<128x16xf32>, vector<2000x16xf32> -> vector<2000x16xf32>
    %swap3A = arith.constant 0 : index
    %swap3A_54 = arith.constant 0 : index
    %swap3A_55 = vector.load %arg14[%swap3A, %swap3A_54] : memref<2000x16xf32, #tpu.memory_space<vmem>>, vector<2000x16xf32>
    tpu.vector_store %arg14[%swap3A, %swap3A_54], %dot_general3A_53 {strides = array<i32>} : memref<2000x16xf32, #tpu.memory_space<vmem>>, vector<2000x16xf32>,
    %get3A_56 = arith.constant 0 : index
    %get3A_57 = arith.constant 0 : index
    %get3A_58 = vector.load %arg13[%get3A_56, %get3A_57] : memref<128x16xf32, #tpu.memory_space<vmem>>, vector<128x16xf32>
    %dot_general3A_59 = arith.constant dense<0.000000e+00> : vector<2000x16xf32>
    %dot_general3A_60 = tpu.matmul %max3A_48, %get3A_58, %dot_general3A_59 {dimension_numbers = #tpu.dot_dimension_numbers<[1], [0], [0], [1], [0, 0, 1, 1], [], []>, transpose_lhs_hint = false} : vector<2000x128xf32>, vector<128x16xf32>, vector<2000x16xf32> -> vector<2000x16xf32>
    %swap3A_61 = arith.constant 0 : index
    %swap3A_62 = arith.constant 0 : index
    %swap3A_63 = vector.load %arg15[%swap3A_61, %swap3A_62] : memref<2000x16xf32, #tpu.memory_space<vmem>>, vector<2000x16xf32>
    tpu.vector_store %arg15[%swap3A_61, %swap3A_62], %dot_general3A_60 {strides = array<i32>} : memref<2000x16xf32, #tpu.memory_space<vmem>>, vector<2000x16xf32>,
    return
  }
  func.func @transform_0(%arg0: i32) -> (i32, i32) {
    %c0_i32 = arith.constant 0 : i32
    %c0_i32_0 = arith.constant 0 : i32
    return %arg0, %c0_i32 : i32, i32
  }
  func.func @transform_1(%arg0: i32) -> (i32, i32) {
    %c0_i32 = arith.constant 0 : i32
    %c0_i32_0 = arith.constant 0 : i32
    return %arg0, %c0_i32 : i32, i32
  }
  func.func @transform_2(%arg0: i32) -> (i32, i32) {
    %c0_i32 = arith.constant 0 : i32
    %c0_i32_0 = arith.constant 0 : i32
    return %arg0, %c0_i32 : i32, i32
  }
  func.func @transform_3(%arg0: i32) -> (i32, i32) {
    %c0_i32 = arith.constant 0 : i32
    %c0_i32_0 = arith.constant 0 : i32
    return %arg0, %c0_i32 : i32, i32
  }
  func.func @transform_4(%arg0: i32) -> (i32, i32) {
    %c0_i32 = arith.constant 0 : i32
    %c0_i32_0 = arith.constant 0 : i32
    return %arg0, %c0_i32 : i32, i32
  }
  func.func @transform_5(%arg0: i32) -> (i32, i32) {
    %c0_i32 = arith.constant 0 : i32
    %c0_i32_0 = arith.constant 0 : i32
    return %arg0, %c0_i32 : i32, i32
  }
  func.func @transform_6(%arg0: i32) -> (i32, i32) {
    %c0_i32 = arith.constant 0 : i32
    %c0_i32_0 = arith.constant 0 : i32
    return %arg0, %c0_i32 : i32, i32
  }
  func.func @transform_7(%arg0: i32) -> (i32, i32) {
    %c0_i32 = arith.constant 0 : i32
    %c0_i32_0 = arith.constant 0 : i32
    return %arg0, %c0_i32 : i32, i32
  }
  func.func @transform_8(%arg0: i32) -> (i32, i32) {
    %c0_i32 = arith.constant 0 : i32
    %c0_i32_0 = arith.constant 0 : i32
    %c0_i32_1 = arith.constant 0 : i32
    return %c0_i32, %c0_i32_0 : i32, i32
  }
  func.func @transform_9(%arg0: i32) -> (i32, i32) {
    %c0_i32 = arith.constant 0 : i32
    %c0_i32_0 = arith.constant 0 : i32
    %c0_i32_1 = arith.constant 0 : i32
    return %c0_i32, %c0_i32_0 : i32, i32
  }
  func.func @transform_10(%arg0: i32) -> (i32, i32) {
    %c0_i32 = arith.constant 0 : i32
    %c0_i32_0 = arith.constant 0 : i32
    %c0_i32_1 = arith.constant 0 : i32
    return %c0_i32, %c0_i32_0 : i32, i32
  }
  func.func @transform_11(%arg0: i32) -> (i32, i32) {
    %c0_i32 = arith.constant 0 : i32
    %c0_i32_0 = arith.constant 0 : i32
    %c0_i32_1 = arith.constant 0 : i32
    return %c0_i32, %c0_i32_0 : i32, i32
  }
  func.func @transform_12(%arg0: i32) -> (i32, i32) {
    %c0_i32 = arith.constant 0 : i32
    %c0_i32_0 = arith.constant 0 : i32
    %c0_i32_1 = arith.constant 0 : i32
    return %c0_i32, %c0_i32_0 : i32, i32
  }
  func.func @transform_13(%arg0: i32) -> (i32, i32) {
    %c0_i32 = arith.constant 0 : i32
    %c0_i32_0 = arith.constant 0 : i32
    return %arg0, %c0_i32 : i32, i32
  }
  func.func @transform_14(%arg0: i32) -> (i32, i32) {
    %c0_i32 = arith.constant 0 : i32
    %c0_i32_0 = arith.constant 0 : i32
    return %arg0, %c0_i32 : i32, i32
  }
}

module attributes {stable_mosaic.version = 14 : i64} {
  func.func @body(%arg0: i32, %arg1: memref<2000x16xf32, #tpu.memory_space<vmem>>, %arg2: memref<2000x16xf32, #tpu.memory_space<vmem>>, %arg3: memref<2000x8xf32, #tpu.memory_space<vmem>>, %arg4: memref<2000x8xf32, #tpu.memory_space<vmem>>, %arg5: memref<2000x16xf32, #tpu.memory_space<vmem>>, %arg6: memref<1x16xf32, #tpu.memory_space<vmem>>, %arg7: memref<2000x4xf32, #tpu.memory_space<vmem>>) attributes {dimension_semantics = [#tpu.dimension_semantics<arbitrary>], iteration_bounds = array<i64: 5>, scalar_prefetch = 0 : i64, scratch_operands = 0 : i64, tpu.core_type = #tpu.core_type<tc>, window_params = [{transform_indices = @transform_0, window_bounds = array<i64: 2000, 16>}, {transform_indices = @transform_1, window_bounds = array<i64: 2000, 16>}, {transform_indices = @transform_2, window_bounds = array<i64: 2000, 8>}, {transform_indices = @transform_3, window_bounds = array<i64: 2000, 8>}, {transform_indices = @transform_4, window_bounds = array<i64: 2000, 16>}, {pipeline_mode = #tpu.pipeline_mode<synchronous>, transform_indices = @transform_5, window_bounds = array<i64: 1, 16>}, {transform_indices = @transform_6, window_bounds = array<i64: 2000, 4>}]} {
    %get3A = arith.constant 0 : index
    %get3A_0 = arith.constant 0 : index
    %get3A_1 = vector.load %arg3[%get3A, %get3A_0] : memref<2000x8xf32, #tpu.memory_space<vmem>>, vector<2000x8xf32>
    %get3A_2 = arith.constant 0 : index
    %get3A_3 = arith.constant 0 : index
    %get3A_4 = vector.load %arg4[%get3A_2, %get3A_3] : memref<2000x8xf32, #tpu.memory_space<vmem>>, vector<2000x8xf32>
    %add3A = arith.addf %get3A_1, %get3A_4 : vector<2000x8xf32>
    %slice3A = vector.extract_strided_slice %add3A {offsets = [0, 0], sizes = [2000, 1], strides = [1, 1]} : vector<2000x8xf32> to vector<2000x1xf32>
    %max3A = arith.constant 1.000000e+00 : f32
    %max3A_5 = vector.broadcast %max3A : f32 to vector<2000x1xf32>
    %max3A_6 = arith.maximumf %slice3A, %max3A_5 : vector<2000x1xf32>
    %div3A = arith.constant 1.000000e+00 : f32
    %div3A_7 = vector.broadcast %div3A : f32 to vector<2000x1xf32>
    %div3A_8 = arith.divf %div3A_7, %max3A_6 : vector<2000x1xf32>
    %get3A_9 = arith.constant 0 : index
    %get3A_10 = arith.constant 0 : index
    %get3A_11 = vector.load %arg1[%get3A_9, %get3A_10] : memref<2000x16xf32, #tpu.memory_space<vmem>>, vector<2000x16xf32>
    %get3A_12 = arith.constant 0 : index
    %get3A_13 = arith.constant 0 : index
    %get3A_14 = vector.load %arg2[%get3A_12, %get3A_13] : memref<2000x16xf32, #tpu.memory_space<vmem>>, vector<2000x16xf32>
    %add3A_15 = arith.addf %get3A_11, %get3A_14 : vector<2000x16xf32>
    %mul3A = vector.broadcast %div3A_8 : vector<2000x1xf32> to vector<2000x16xf32>
    %mul3A_16 = arith.mulf %add3A_15, %mul3A : vector<2000x16xf32>
    %get3A_17 = arith.constant 0 : index
    %get3A_18 = arith.constant 0 : index
    %get3A_19 = vector.load %arg5[%get3A_17, %get3A_18] : memref<2000x16xf32, #tpu.memory_space<vmem>>, vector<2000x16xf32>
    %add3A_20 = arith.addf %mul3A_16, %get3A_19 : vector<2000x16xf32>
    %get3A_21 = arith.constant 0 : index
    %get3A_22 = arith.constant 0 : index
    %get3A_23 = vector.load %arg6[%get3A_21, %get3A_22] : memref<1x16xf32, #tpu.memory_space<vmem>>, vector<1x16xf32>
    %add3A_24 = vector.broadcast %get3A_23 : vector<1x16xf32> to vector<2000x16xf32>
    %add3A_25 = arith.addf %add3A_20, %add3A_24 : vector<2000x16xf32>
    %slice3A_26 = vector.extract_strided_slice %add3A_25 {offsets = [0, 0], sizes = [2000, 4], strides = [1, 1]} : vector<2000x16xf32> to vector<2000x4xf32>
    %swap3A = arith.constant 0 : index
    %swap3A_27 = arith.constant 0 : index
    %swap3A_28 = vector.load %arg7[%swap3A, %swap3A_27] : memref<2000x4xf32, #tpu.memory_space<vmem>>, vector<2000x4xf32>
    tpu.vector_store %arg7[%swap3A, %swap3A_27], %slice3A_26 {strides = array<i32>} : memref<2000x4xf32, #tpu.memory_space<vmem>>, vector<2000x4xf32>,
    return
  }
  func.func @transform_0(%arg0: i32) -> (i32, i32) {
    %c0_i32 = arith.constant 0 : i32
    %c0_i32_0 = arith.constant 0 : i32
    return %arg0, %c0_i32 : i32, i32
  }
  func.func @transform_1(%arg0: i32) -> (i32, i32) {
    %c0_i32 = arith.constant 0 : i32
    %c0_i32_0 = arith.constant 0 : i32
    return %arg0, %c0_i32 : i32, i32
  }
  func.func @transform_2(%arg0: i32) -> (i32, i32) {
    %c0_i32 = arith.constant 0 : i32
    %c0_i32_0 = arith.constant 0 : i32
    return %arg0, %c0_i32 : i32, i32
  }
  func.func @transform_3(%arg0: i32) -> (i32, i32) {
    %c0_i32 = arith.constant 0 : i32
    %c0_i32_0 = arith.constant 0 : i32
    return %arg0, %c0_i32 : i32, i32
  }
  func.func @transform_4(%arg0: i32) -> (i32, i32) {
    %c0_i32 = arith.constant 0 : i32
    %c0_i32_0 = arith.constant 0 : i32
    return %arg0, %c0_i32 : i32, i32
  }
  func.func @transform_5(%arg0: i32) -> (i32, i32) {
    %c0_i32 = arith.constant 0 : i32
    %c0_i32_0 = arith.constant 0 : i32
    %c0_i32_1 = arith.constant 0 : i32
    return %c0_i32, %c0_i32_0 : i32, i32
  }
  func.func @transform_6(%arg0: i32) -> (i32, i32) {
    %c0_i32 = arith.constant 0 : i32
    %c0_i32_0 = arith.constant 0 : i32
    return %arg0, %c0_i32 : i32, i32
  }
}

</mosaic_0001>

<sc_bundles>
// kernel: kernel.11.cloned.1.call-start
scs
__scs_entry_jumppad:
0x0: {  	(pc) =	sbr.rel $0x88, $3  }
0x1: {  	(tag) =	ssettag $0x0;
	lr =	simm.s32 $0x1  }
0x2: {  	[smem:$0x3F97] =	sst lr;
	_ =	strace $0xD0000000  }
0x3: {  	_ = 	snop  }
0x4: {  	_ = 	snop  }
0x5: {  	_ = 	snop  }
0x6: {  	_ = 	snop  }
0x7: {  	_ = 	snop  }
__scs_overlays_trampoline_lowered:
0x8: {  	[smem:$0x3FA6] =	sst s0  }
0x9: {  	[smem:$0x3FA7] =	sst s1  }
0xa: {  	[smem:$0x3FA8] =	sst s2  }
0xb: {  	[smem:$0x3FA9] =	sst s3  }
0xc: {  	[smem:$0x3FAA] =	sst s4  }
0xd: {  	[smem:$0x3FAB] =	sst s5  }
0xe: {  	[smem:$0x3FAC] =	sst s6  }
0xf: {  	[smem:$0x3FAD] =	sst s7  }
0x10: {  	[smem:$0x3FAE] =	sst s8  }
0x11: {  	[smem:$0x3FAF] =	sst s9;
	s0 =	simm.s32 @!p0 $0x0  }
0x12: {  	s1 =	sld [smem:$0x3F95];
	s0 =	simm.s32 @p0 $0x1  }
0x13: {  	[smem:$0x3FB0] =	sst s0;
	s0 =	simm.s32 @!p1 $0x0  }
0x14: {  	s2 =	sld [smem:$0x3F94];
	s0 =	simm.s32 @p1 $0x1  }
0x15: {  	[smem:$0x3FB1] =	sst s0;
	s0 =	simm.s32 @!p2 $0x0  }
0x16: {  	s3 =	sld [smem:$0x3FDB];
	s0 =	simm.s32 @p2 $0x1  }
0x17: {  	s4 =	simm.s32 $0x1BF5;
	[smem:$0x3FB3] =	sst s0  }
0x18: {  	s0 =	sld [smem:$0x3F96];
	_ =	swait.ge [sflag:s4], $0x0  }
0x19: {  	s7 =	sld [smem:$0x3F97]  }
0x1a: {  	s8 =	sadd.s32 $0xFFFFE003, lr  }
0x1b: {  	s9 =	sadd.s32 $0xFFFFFEF7, lr;
	s5 =	simm.s32 $0xFFFFFFFF;
	p2 =	slt.u32 s8, $0xFFFFF086  }
0x1c: {  	p1 =	slt.u32 s9, $0xF7A;
	s5 =	simm.s32 @!p2 $0x0  }
0x1d: {  	s5 =	simm.s32 @p1 $0x1;
	p0 =	seq.s32 s7, s2  }
0x1e: {  	s7 =	smul.u32 @!p0 $0xF7A, s2;
	p2 =	seq.s32 @!p0 s5, $0x0  }
0x1f: {  	s9 =	smul.u32 $0xF7A, s1;
	s8 =	simm.s32 @!p0 $0x1BF5;
	p2 =	por !p2, p0  }
0x20: {  	[sflag:s8] =	ssyncset.s32 @!p0 $0xFFFFF086;
	s6 =	sadd.s32 @!p0 s3, s7;
	s7 =	simm.s32 @!p0 $0x108  }
0x21: {  	s3 =	sadd.s32 s3, s9;
	s6 =	sadd.s32 @!p0 $0x88, s6;
	s7 =	simm.s32 @p2 $0x1082  }
0x22: {  	[simem:s7], [sflag:s8] =	dma.local @!p0 [hbm:s6], $0xF7A  }
0x23: {  	s9 =	sor.u32 $0xD0000000, s2;
	s6 =	simm.s32 $0x108;
	_ =	swait.ge @!p0 [sflag:s8], $0x0  }
0x24: {  	s3 =	sadd.s32 $0x88, s3;
	s6 =	simm.s32 @!p1 $0x1082;
	[sflag:s4] =	ssyncset.s32 $0xFFFFF086  }
0x25: {  	[simem:s6], [sflag:s4] =	dma.local [hbm:s3], $0xF7A  }
0x26: {  	[smem:$0x3F97] =	sst s1;
	(tag) =	ssettag s2;
	_ =	strace s9  }
0x27: {  	s1 =	sld [smem:$0x3FA7]  }
0x28: {  	s2 =	sld [smem:$0x3FA8]  }
0x29: {  	s4 =	sld [smem:$0x3FAA]  }
0x2a: {  	p0 =	seq.s32 s5, $0x0;
	s5 =	sld [smem:$0x3FAB]  }
0x2b: {  	s6 =	sld [smem:$0x3FAC]  }
0x2c: {  	s7 =	sld [smem:$0x3FAD]  }
0x2d: {  	s3 =	simm.s32 $0x108;
	s8 =	sld [smem:$0x3FAE]  }
0x2e: {  	s3 =	simm.s32 @!p0 $0x1082;
	s9 =	sld [smem:$0x3FAF]  }
0x2f: {  	lr =	sadd.s32 s0, s3;
	s0 =	sld [smem:$0x3FA6]  }
0x30: {  	s3 =	sld [smem:$0x3FA9]  }
0x31: {  	[smem:$0x3FB2] =	sst s10  }
0x32: {  	s10 =	sld [smem:$0x3FB0];
	_ =	sdelay $0x3  }
0x33: {  	p0 =	seq.s32 s10, $0x1;
	s10 =	sld [smem:$0x3FB2];
	_ =	sdelay $0x3  }
0x34: {  	[smem:$0x3FB2] =	sst s10  }
0x35: {  	s10 =	sld [smem:$0x3FB1];
	_ =	sdelay $0x3  }
0x36: {  	p1 =	seq.s32 s10, $0x1;
	s10 =	sld [smem:$0x3FB2];
	_ =	sdelay $0x3  }
0x37: {  	[smem:$0x3FB2] =	sst s10  }
0x38: {  	s10 =	sld [smem:$0x3FB3]  }
0x39: {  	_ = 	snop;
	(pc) =	sbr.ind lr, $3  }
0x3a: {  	_ = 	snop  }
0x3b: {  	_ = 	snop  }
0x3c: {  	p2 =	seq.s32 s10, $0x1;
	s10 =	sld [smem:$0x3FB2]  }
0x3d: {  	_ =	shalt  }
0x3e: {  	_ =	shalt  }
0x3f: {  	_ =	shalt  }
0x40: {  	_ =	shalt  }
0x41: {  	_ =	shalt  }
0x42: {  	_ =	shalt  }
0x43: {  	_ =	shalt  }
0x44: {  	_ =	shalt  }
0x45: {  	_ =	shalt  }
0x46: {  	_ =	shalt  }
0x47: {  	_ =	shalt  }
0x48: {  	_ =	shalt  }
0x49: {  	_ =	shalt  }
0x4a: {  	_ =	shalt  }
0x4b: {  	_ =	shalt  }
0x4c: {  	_ =	shalt  }
0x4d: {  	_ =	shalt  }
0x4e: {  	_ =	shalt  }
0x4f: {  	_ =	shalt  }
0x50: {  	_ =	shalt  }
0x51: {  	_ =	shalt  }
0x52: {  	_ =	shalt  }
0x53: {  	_ =	shalt  }
0x54: {  	_ =	shalt  }
0x55: {  	_ =	shalt  }
0x56: {  	_ =	shalt  }
0x57: {  	_ =	shalt  }
0x58: {  	_ =	shalt  }
0x59: {  	_ =	shalt  }
0x5a: {  	_ =	shalt  }
0x5b: {  	_ =	shalt  }
0x5c: {  	_ =	shalt  }
0x5d: {  	_ =	shalt  }
0x5e: {  	_ =	shalt  }
0x5f: {  	_ =	shalt  }
0x60: {  	_ =	shalt  }
0x61: {  	_ =	shalt  }
0x62: {  	_ =	shalt  }
0x63: {  	_ =	shalt  }
0x64: {  	_ =	shalt  }
0x65: {  	_ =	shalt  }
0x66: {  	_ =	shalt  }
0x67: {  	_ =	shalt  }
0x68: {  	_ =	shalt  }
0x69: {  	_ =	shalt  }
0x6a: {  	_ =	shalt  }
0x6b: {  	_ =	shalt  }
0x6c: {  	_ =	shalt  }
0x6d: {  	_ =	shalt  }
0x6e: {  	_ =	shalt  }
0x6f: {  	_ =	shalt  }
0x70: {  	_ =	shalt  }
0x71: {  	_ =	shalt  }
0x72: {  	_ =	shalt  }
0x73: {  	_ =	shalt  }
0x74: {  	_ =	shalt  }
0x75: {  	_ =	shalt  }
0x76: {  	_ =	shalt  }
0x77: {  	_ =	shalt  }
0x78: {  	_ =	shalt  }
0x79: {  	_ =	shalt  }
0x7a: {  	_ =	shalt  }
0x7b: {  	_ =	shalt  }
0x7c: {  	_ =	shalt  }
0x7d: {  	_ =	shalt  }
0x7e: {  	_ =	shalt  }
0x7f: {  	_ =	shalt  }
0x80: {  	_ =	shalt  }
0x81: {  	_ =	shalt  }
0x82: {  	_ =	shalt  }
0x83: {  	_ =	shalt  }
0x84: {  	_ =	shalt  }
0x85: {  	_ =	shalt  }
0x86: {  	_ =	shalt  }
0x87: {  	_ =	shalt  }
.Lfunc_end0:
.L_simem_size_0:
called_computation.1_lowered:
.L_overlay_start_0:
0x88: {  	s2 =	sld [smem:$0x3FD9]  }
0x89: {  	s3 =	sld [smem:$0x3FFE];
	_ =	sdelay $0x1  }
0x8a: {  	s1 =	srdreg.scid  }
0x8b: {  	s0 =	sand.u32 $0x1, s1  }
0x8c: {  	s17 =	sshll.u32 s0, $0xA;
	s2 =	sadd.s32 s3, s2  }
0x8d: {  	s2 =	sadd.s32 s2, s17  }
0x8e: {  	[smem:$0x3FBE] =	sst s2  }
0x8f: {  	_ = 	snop  }
0x90: {  	(tm) =	ssettm $0x1  }
0x91: {  	s18 =	sld [smem:$0x3FFB];
	_ =	sdelay $0x3  }
0x92: {  	_ =	strace s18  }
0x93: {  	s2 =	sld [smem:$0x3FFC];
	_ =	sdelay $0x3  }
0x94: {  	_ =	strace s2  }
0x95: {  	s2 =	sld [smem:$0x3FFD];
	_ =	sdelay $0x3  }
0x96: {  	_ =	strace s2  }
0x97: {  	_ =	strace $0x8FFFFFFF  }
0x98: {  	s19 =	sld [smem:$0x3FDB];
	_ =	sdelay $0x1  }
0x99: {  	s20 =	simm.s32 $_scs_section_size  }
0x9a: {  	s4 =	simm.s32 $_size__tile_overlayer_lowered;
	s5 =	simm.s32 $_tile_overlayer_lowered  }
0x9b: {  	s6 =	simm.s32 $0x1BFF;
	s21 =	sshll.u32 s5, $0x1;
	s3 =	sadd.s32 s20, s19  }
0x9c: {  	s22 =	simm.s32 $0x0;
	s4 =	sshll.u32 s4, $0x1;
	s5 =	sadd.s32 s21, s3  }
0x9d: {  	[timem:s22], [sflag:s6] =	dma.local [hbm:s5], s4  }
0x9e: {  	_ =	swait.ge [sflag:s6], s4  }
0x9f: {  	s4 =	ssub.s32 $0x0, s4;
	[sflag:s6] =	ssyncset.done $0x0  }
0xa0: {  	[sflag:s6] =	ssyncadd.s32 s4;
	_ =	sdelay $0x1  }
0xa1: {  	s23 =	simm.s32 $0x1B8B  }
0xa2: {  	_ =	swait.ge [sflag:s23], $0x1  }
0xa3: {  	[sflag:s23] =	ssyncset.done $0x0  }
0xa4: {  	[sflag:s23] =	ssyncadd.s32 $0xFFFFFFFF  }
0xa5: {  	s4 =	sld [smem:$0x0]  }
0xa6: {  	s5 =	sand.u32 $0xFFFFFFFE, s1  }
0xa7: {  	p0 =	sne.s32 s1, s5  }
0xa8: {  	s5 =	sshll.u32 @p0 s5, $0xE  }
0xa9: {  	s5 =	sadd.s32 @p0 $0x11B8D, s5;
	s6 =	sshll.u32 @p0 s4, $0x11  }
0xaa: {  	s5 =	sor.u32 @p0 s6, s5  }
0xab: {  	[sflag:s5] =	ssyncadd.remote.s32 @p0 $0x1;
	_ =	sdelay $0x1  }
0xac: {  	s5 =	simm.s32 @p0 $0x1B8D  }
0xad: {  	_ =	swait.eq @p0 [sflag:s5], $0x1  }
0xae: {  	[sflag:s5] =	ssyncadd.s32 @p0 $0xFFFFFFFF  }
0xaf: {  	s6 =	sshll.u32 @!p0 s1, $0xE  }
0xb0: {  	s6 =	sor.u32 @!p0 $0x4000, s6;
	s5 =	simm.s32 @!p0 $0x1B8D  }
0xb1: {  	s4 =	sshll.u32 @!p0 s4, $0x11;
	s6 =	sadd.s32 @!p0 $0x11B8D, s6;
	_ =	swait.eq @!p0 [sflag:s5], $0x1  }
0xb2: {  	s4 =	sor.u32 @!p0 s4, s6;
	[sflag:s5] =	ssyncadd.s32 @!p0 $0xFFFFFFFF  }
0xb3: {  	s25 =	simm.s32 $0x1B8E;
	s24 =	sld [smem:$0x3FFE];
	[sflag:s4] =	ssyncadd.remote.s32 @!p0 $0x1  }
0xb4: {  	s26 =	simm.s32 $execute0_lowered;
	[smem:$0x3FD2] =	sst s25  }
0xb5: {  	s5 =	sshll.u32 s26, $0x1;
	_ =	strace $0x80000049;
	[dreg:$0x1] =	wrdreg $0xFFFFFFFF  }
0xb6: {  	s28 =	simm.s32 $_size_execute0_lowered;
	s3 =	sadd.s32 s3, s5;
	[dreg:$0x0] =	wrdreg $0x0  }
0xb7: {  	s5 =	sshll.u32 s28, $0x1;
	[dreg:$0x2] =	wrdreg s3  }
0xb8: {  	[dreg:$0x3] =	wrdreg s5  }
0xb9: {  	[dreg:$0x4] =	wrdreg $0xC0  }
0xba: {  	_ =	task [dreg:s22], $0x5FFFF  }
0xbb: {  	[dreg:$0x1] =	wrdreg $0xFFFFFFFF  }
0xbc: {  	[dreg:$0x0] =	wrdreg $0x60  }
0xbd: {  	[dreg:$0x2] =	wrdreg s24  }
0xbe: {  	[dreg:$0x3] =	wrdreg $0x0  }
0xbf: {  	[dreg:$0x4] =	wrdreg $0xA  }
0xc0: {  	_ =	task.clear_ibuf [dreg:s22], $0x5FFFF;
	_ =	strace $0x90000049  }
0xc1: {  	s29 =	simm.s32 $0xA;
	_ =	strace $0x8000004B  }
0xc2: {  	_ =	swait.ge [sflag:s29], $0x1  }
0xc3: {  	[sflag:s29] =	ssyncadd.s32 $0xFFFFFFFF  }
0xc4: {  	_ =	strace $0x9000004B  }
0xc5: {  	_ =	sfence  }
0xc6: {  	s30 =	sld [smem:$0x0];
	_ =	sdelay $0x2  }
0xc7: {  	s31 =	sshll.u32 s1, $0xD;
	s1 =	sshrl.u32 s1, $0x2  }
0xc8: {  	s4 =	sand.u32 $0x4000, s31;
	s1 =	sadd.s32 s1, s30  }
0xc9: {  	s0 =	sor.u32 s4, s0;
	s1 =	sshll.u32 s1, $0x11  }
0xca: {  	s0 =	sor.u32 s1, s0  }
0xcb: {  	s0 =	sadd.s32 $0x8F2B, s0  }
0xcc: {  	[sflag:s0] =	ssyncadd.remote.s32 $0x1  }
0xcd: {  	_ =	sfence.sel $0xFFFF  }
0xce: {  	[dreg:$0x0] =	wrdreg $0xFFFFFFFF;
	(pc) =	sbr.abs _section_cstart, $3  }
0xcf: {  	[dreg:$0x1] =	wrdreg $0xFFFFFFFF  }
0xd0: {  	_ =	task.clear_ibuf [dreg:s22], $0x2FFFF;
	_ =	strace $0x9FFFFFFF  }
0xd1: {  	(tm) =	ssettm $0x7FFFFFFF  }
tec
execute0_lowered:
.L_overlay_start_1:
0x0: {  	(tag) =	ssettag $0x1  }
0x1: {  	s0 =	srdreg.scid  }
0x2: {  	s1 =	rddreg [dreg:$0x0];
	s10 =	stileid.u32  }
0x3: {  	s2 =	rddreg [dreg:$0x1];
	s3 =	simm.s32 $0x0;
	s11 =	simm.s32 $0xA000  }
0x4: {  	s12 =	simm.s32 $0xA400;
	s13 =	simm.s32 $0x80;
	s25 =	simm.s32 $0xA080  }
0x5: {  	s14 =	simm.s32 $0xA800;
	s26 =	simm.s32 $0xA100;
	s15 =	simm.s32 $0xC800  }
0x6: {  	s16 =	simm.s32 $0xE800;
	s17 =	simm.s32 $0xA180;
	s18 =	simm.s32 $0x10800  }
0x7: {  	s19 =	simm.s32 $0x1;
	s28 =	simm.s32 $0x4;
	s29 =	simm.s32 $0xA580  }
0x8: {  	s30 =	simm.s32 $0xA380;
	s31 =	simm.s32 $0xA600;
	s5 =	smul.u32 $0x2800, s10  }
0x9: {  	s0 =	sand.u32 $0x1, s0;
	s20 =	smul.u32 $0xA000, s10;
	[smem:$0x7FF] =	sst s3  }
0xa: {  	s22 =	sshll.u32 s10, $0x6;
	s10 =	simm.s32 $0x5;
	s4 =	smul.u32 $0x28000, s0  }
0xb: {  	s7 =	smul.u32 $0xA0000, s0;
	_ =	strace $0x8000004A;
	[dreg:$0x5] =	wrdreg s25  }
0xc: {  	s0 =	ssub.s32 $0x2, s0;
	[dreg:$0x6] =	wrdreg s26;
	s25 =	simm.s32 $0xA500  }
0xd: {  	s26 =	simm.s32 $0xA300;
	s21 =	sshrl.u32 s20, $0x3;
	s9 =	sshrl.u32 s0, $0x1  }
0xe: {  	s4 =	sadd.s32 s5, s4;
	s7 =	sadd.s32 s20, s7;
	s0 =	ssub.s32 s0, s9  }
0xf: {  	s5 =	sadd.s32 s20, s2;
	s9 =	sor.u32 $0x1C05, s22;
	s20 =	simm.s32 $0xA200  }
0x10: {  	s22 =	simm.s32 $0xA480;
	s6 =	sshrl.u32 s4, $0x3;
	s4 =	sadd.s32 $0x6D200, s1  }
0x11: {  	s7 =	sshrl.u32 s7, $0x3;
	s0 =	smax.u32 s0, $0x1;
	[dreg:$0x8] =	wrdreg s9  }
0x12: {  	s8 =	sadd.s32 s6, s1;
	s6 =	sadd.s32 s21, s1;
	s1 =	sadd.s32 s7, s1  }
0x13: {  	[dreg:$0xa] =	wrdreg s0;
	s21 =	simm.s32 $0x2;
	s6 =	sadd.s32 $0x29A00, s6  }
0x14: {  	s0 =	simm.s32 $0xA700;
	s23 =	sadd.s32 $0x15A00, s8;
	[dreg:$0x7] =	wrdreg s6  }
0x15: {  	s7 =	simm.s32 $0x0;
	s1 =	sadd.s32 $0x80C00, s1;
	[dreg:$0x3] =	wrdreg s23  }
0x16: {  	s24 =	sadd.s32 $0x1FA00, s8;
	s8 =	sshrl.u32 s5, $0x3;
	[dreg:$0x9] =	wrdreg s1  }
0x17: {  	s5 =	simm.s32 $0xA780;
	[dreg:$0x4] =	wrdreg s24;
	s23 =	simm.s32 $0xA280  }
0x18: {  	s24 =	simm.s32 $0x3;
	s1 =	simm.s32 $0xA680;
	[dreg:$0xb] =	wrdreg s8  }
.LBB2_1:
0x19: {  	s6 =	rddreg [dreg:$0x7]  }
0x1a: {  	[spmem:s8], [sflag:s9] =	dma.local [hbm:s6], $0x1400  }
0x1b: {  	_ =	swait.ge [sflag:s10], $0x1400  }
0x1c: {  	[sflag:s10] =	ssyncset.done $0x0  }
0x1d: {  	[sflag:s10] =	ssyncadd.s32 $0xFFFFEC00  }
0x1e: {  	[bflag:$0x0] =	sbarrier.arrive $0xFFFF  }
0x1f: {  	s6 =	rddreg [dreg:$0x4]  }
0x20: {  	s8 =	sadd.s32 $0x0, s6  }
0x21: {  	[tilespmem:s11], [sflag:$0x5] =	stream.linear.gather [hbm4b:s8+s3], $0x400, $0x38;
	[tilespmem:$0x12800] =	vst v63  }
0x22: {  	_ =	swait.ge [sflag:s10], $0x400  }
0x23: {  	s9 =	rddreg [dreg:$0x3];
	[sflag:s10] =	ssyncset.done $0x0  }
0x24: {  	[sflag:s10] =	ssyncadd.s32 $0xFFFFFC00;
	s8 =	sadd.s32 $0x0, s9  }
0x25: {  	[tilespmem:s12], [sflag:$0x5] =	stream.linear.gather [hbm4b:s8+s3], $0x400, $0x38;
	[tilespmem:$0x12800] =	vst v63  }
0x26: {  	_ =	swait.ge [sflag:s10], $0x400  }
0x27: {  	[sflag:s10] =	ssyncset.done $0x0  }
0x28: {  	[sflag:s10] =	ssyncadd.s32 $0xFFFFFC00  }
0x29: {  	[tilespmem:s14], [sflag:$0x1] =	stream.indirect.gather [hbm4b:s4+s13], $0x40, s11, s13, $0xb8;
	[tilespmem:$0x12800] =	vst v63  }
0x2a: {  	s6 =	rddreg [dreg:$0x5]  }
0x2b: {  	[tilespmem:s15], [sflag:$0x2] =	stream.indirect.gather [hbm4b:s4+s13], $0x40, s6, s13, $0xb8;
	[tilespmem:$0x12800] =	vst v63  }
0x2c: {  	s9 =	rddreg [dreg:$0x6]  }
0x2d: {  	[tilespmem:s16], [sflag:$0x3] =	stream.indirect.gather [hbm4b:s4+s13], $0x40, s9, s13, $0xb8;
	[tilespmem:$0x12800] =	vst v63  }
0x2e: {  	_ = 	snop  }
0x2f: {  	[tilespmem:s18], [sflag:$0x4] =	stream.indirect.gather [hbm4b:s4+s13], $0x40, s17, s13, $0xb8;
	[tilespmem:$0x12800] =	vst v63  }
0x30: {  	_ =	swait.ge [sflag:s19], $0x2000  }
0x31: {  	[sflag:s19] =	ssyncset.done $0x0  }
0x32: {  	[sflag:s19] =	ssyncadd.s32 $0xFFFFE000  }
0x33: {  	[spmem:s2] =	stream.indirect.scatter.add.f32 [tilespmem:s14], [sflag:$0x5], $0x40, s12, s13, $0xb8;
	[tilespmem:$0x12800] =	vst v63  }
0x34: {  	_ =	swait.ge [sflag:s10], $0x2000  }
0x35: {  	[sflag:s10] =	ssyncset.done $0x0  }
0x36: {  	[sflag:s10] =	ssyncadd.s32 $0xFFFFE000  }
0x37: {  	[tilespmem:s14], [sflag:$0x1] =	stream.indirect.gather [hbm4b:s4+s13], $0x40, s20, s13, $0xb8;
	[tilespmem:$0x12800] =	vst v63  }
0x38: {  	_ =	swait.ge [sflag:s21], $0x2000  }
0x39: {  	[sflag:s21] =	ssyncset.done $0x0  }
0x3a: {  	[sflag:s21] =	ssyncadd.s32 $0xFFFFE000  }
0x3b: {  	[spmem:s2] =	stream.indirect.scatter.add.f32 [tilespmem:s15], [sflag:$0x5], $0x40, s22, s13, $0xb8;
	[tilespmem:$0x12800] =	vst v63  }
0x3c: {  	_ =	swait.ge [sflag:s10], $0x2000  }
0x3d: {  	[sflag:s10] =	ssyncset.done $0x0  }
0x3e: {  	[sflag:s10] =	ssyncadd.s32 $0xFFFFE000  }
0x3f: {  	[tilespmem:s15], [sflag:$0x2] =	stream.indirect.gather [hbm4b:s4+s13], $0x40, s23, s13, $0xb8;
	[tilespmem:$0x12800] =	vst v63  }
0x40: {  	_ =	swait.ge [sflag:s24], $0x2000  }
0x41: {  	[sflag:s24] =	ssyncset.done $0x0  }
0x42: {  	[sflag:s24] =	ssyncadd.s32 $0xFFFFE000  }
0x43: {  	[spmem:s2] =	stream.indirect.scatter.add.f32 [tilespmem:s16], [sflag:$0x5], $0x40, s25, s13, $0xb8;
	[tilespmem:$0x12800] =	vst v63  }
0x44: {  	_ =	swait.ge [sflag:s10], $0x2000  }
0x45: {  	[sflag:s10] =	ssyncset.done $0x0  }
0x46: {  	[sflag:s10] =	ssyncadd.s32 $0xFFFFE000  }
0x47: {  	[tilespmem:s16], [sflag:$0x3] =	stream.indirect.gather [hbm4b:s4+s13], $0x40, s26, s13, $0xb8;
	[tilespmem:$0x12800] =	vst v63  }
0x48: {  	_ =	swait.ge [sflag:s28], $0x2000  }
0x49: {  	[sflag:s28] =	ssyncset.done $0x0  }
0x4a: {  	[sflag:s28] =	ssyncadd.s32 $0xFFFFE000  }
0x4b: {  	[spmem:s2] =	stream.indirect.scatter.add.f32 [tilespmem:s18], [sflag:$0x5], $0x40, s29, s13, $0xb8;
	[tilespmem:$0x12800] =	vst v63  }
0x4c: {  	_ =	swait.ge [sflag:s10], $0x2000  }
0x4d: {  	[sflag:s10] =	ssyncset.done $0x0  }
0x4e: {  	[sflag:s10] =	ssyncadd.s32 $0xFFFFE000  }
0x4f: {  	[tilespmem:s18], [sflag:$0x4] =	stream.indirect.gather [hbm4b:s4+s13], $0x40, s30, s13, $0xb8;
	[tilespmem:$0x12800] =	vst v63  }
0x50: {  	_ =	swait.ge [sflag:s19], $0x2000  }
0x51: {  	[sflag:s19] =	ssyncset.done $0x0  }
0x52: {  	[sflag:s19] =	ssyncadd.s32 $0xFFFFE000  }
0x53: {  	[spmem:s2] =	stream.indirect.scatter.add.f32 [tilespmem:s14], [sflag:$0x5], $0x40, s31, s13, $0xb8;
	[tilespmem:$0x12800] =	vst v63  }
0x54: {  	_ =	swait.ge [sflag:s10], $0x2000  }
0x55: {  	[sflag:s10] =	ssyncset.done $0x0  }
0x56: {  	[sflag:s10] =	ssyncadd.s32 $0xFFFFE000  }
0x57: {  	_ =	swait.ge [sflag:s21], $0x2000  }
0x58: {  	[sflag:s21] =	ssyncset.done $0x0  }
0x59: {  	[sflag:s21] =	ssyncadd.s32 $0xFFFFE000  }
0x5a: {  	[spmem:s2] =	stream.indirect.scatter.add.f32 [tilespmem:s15], [sflag:$0x5], $0x40, s1, s13, $0xb8;
	[tilespmem:$0x12800] =	vst v63  }
0x5b: {  	_ =	swait.ge [sflag:s10], $0x2000  }
0x5c: {  	[sflag:s10] =	ssyncset.done $0x0  }
0x5d: {  	[sflag:s10] =	ssyncadd.s32 $0xFFFFE000  }
0x5e: {  	_ =	swait.ge [sflag:s24], $0x2000  }
0x5f: {  	[sflag:s24] =	ssyncset.done $0x0  }
0x60: {  	[sflag:s24] =	ssyncadd.s32 $0xFFFFE000  }
0x61: {  	[spmem:s2] =	stream.indirect.scatter.add.f32 [tilespmem:s16], [sflag:$0x5], $0x40, s0, s13, $0xb8;
	[tilespmem:$0x12800] =	vst v63  }
0x62: {  	_ =	swait.ge [sflag:s10], $0x2000  }
0x63: {  	[sflag:s10] =	ssyncset.done $0x0  }
0x64: {  	[sflag:s10] =	ssyncadd.s32 $0xFFFFE000  }
0x65: {  	_ =	swait.ge [sflag:s28], $0x2000  }
0x66: {  	[sflag:s28] =	ssyncset.done $0x0  }
0x67: {  	[sflag:s28] =	ssyncadd.s32 $0xFFFFE000  }
0x68: {  	[spmem:s2] =	stream.indirect.scatter.add.f32 [tilespmem:s18], [sflag:$0x5], $0x40, s5, s13, $0xb8;
	[tilespmem:$0x12800] =	vst v63  }
0x69: {  	s8 =	simm.s32 $0x80;
	_ =	swait.ge [sflag:s10], $0x2000  }
.LBB2_2:
0x6a: {  	s6 =	rddreg [dreg:$0x4];
	s9 =	smov.u32 s8;
	[sflag:s10] =	ssyncset.done $0x0  }
0x6b: {  	s6 =	sadd.s32 s9, s6;
	[sflag:s10] =	ssyncadd.s32 $0xFFFFE000  }
0x6c: {  	[tilespmem:s11], [sflag:$0x5] =	stream.linear.gather [hbm4b:s6+s3], $0x400, $0x38;
	[tilespmem:$0x12800] =	vst v63  }
0x6d: {  	_ =	swait.ge [sflag:s10], $0x400  }
0x6e: {  	s6 =	rddreg [dreg:$0x3];
	[sflag:s10] =	ssyncset.done $0x0  }
0x6f: {  	[sflag:s10] =	ssyncadd.s32 $0xFFFFFC00;
	s6 =	sadd.s32 s9, s6  }
0x70: {  	[tilespmem:s12], [sflag:$0x5] =	stream.linear.gather [hbm4b:s6+s3], $0x400, $0x38;
	[tilespmem:$0x12800] =	vst v63  }
0x71: {  	_ =	swait.ge [sflag:s10], $0x400  }
0x72: {  	[sflag:s10] =	ssyncset.done $0x0  }
0x73: {  	[sflag:s10] =	ssyncadd.s32 $0xFFFFFC00  }
0x74: {  	[tilespmem:s14], [sflag:$0x1] =	stream.indirect.gather [hbm4b:s4+s13], $0x40, s11, s13, $0xb8;
	[tilespmem:$0x12800] =	vst v63  }
0x75: {  	s6 =	rddreg [dreg:$0x5]  }
0x76: {  	[tilespmem:s15], [sflag:$0x2] =	stream.indirect.gather [hbm4b:s4+s13], $0x40, s6, s13, $0xb8;
	[tilespmem:$0x12800] =	vst v63  }
0x77: {  	s9 =	rddreg [dreg:$0x6]  }
0x78: {  	[tilespmem:s16], [sflag:$0x3] =	stream.indirect.gather [hbm4b:s4+s13], $0x40, s9, s13, $0xb8;
	[tilespmem:$0x12800] =	vst v63  }
0x79: {  	_ = 	snop  }
0x7a: {  	[tilespmem:s18], [sflag:$0x4] =	stream.indirect.gather [hbm4b:s4+s13], $0x40, s17, s13, $0xb8;
	[tilespmem:$0x12800] =	vst v63  }
0x7b: {  	_ =	swait.ge [sflag:s19], $0x2000  }
0x7c: {  	[sflag:s19] =	ssyncset.done $0x0  }
0x7d: {  	[sflag:s19] =	ssyncadd.s32 $0xFFFFE000  }
0x7e: {  	[spmem:s2] =	stream.indirect.scatter.add.f32 [tilespmem:s14], [sflag:$0x5], $0x40, s12, s13, $0xb8;
	[tilespmem:$0x12800] =	vst v63  }
0x7f: {  	_ =	swait.ge [sflag:s10], $0x2000  }
0x80: {  	[sflag:s10] =	ssyncset.done $0x0  }
0x81: {  	[sflag:s10] =	ssyncadd.s32 $0xFFFFE000  }
0x82: {  	[tilespmem:s14], [sflag:$0x1] =	stream.indirect.gather [hbm4b:s4+s13], $0x40, s20, s13, $0xb8;
	[tilespmem:$0x12800] =	vst v63  }
0x83: {  	_ =	swait.ge [sflag:s21], $0x2000  }
0x84: {  	[sflag:s21] =	ssyncset.done $0x0  }
0x85: {  	[sflag:s21] =	ssyncadd.s32 $0xFFFFE000  }
0x86: {  	[spmem:s2] =	stream.indirect.scatter.add.f32 [tilespmem:s15], [sflag:$0x5], $0x40, s22, s13, $0xb8;
	[tilespmem:$0x12800] =	vst v63  }
0x87: {  	_ =	swait.ge [sflag:s10], $0x2000  }
0x88: {  	[sflag:s10] =	ssyncset.done $0x0  }
0x89: {  	[sflag:s10] =	ssyncadd.s32 $0xFFFFE000  }
0x8a: {  	[tilespmem:s15], [sflag:$0x2] =	stream.indirect.gather [hbm4b:s4+s13], $0x40, s23, s13, $0xb8;
	[tilespmem:$0x12800] =	vst v63  }
0x8b: {  	_ =	swait.ge [sflag:s24], $0x2000  }
0x8c: {  	[sflag:s24] =	ssyncset.done $0x0  }
0x8d: {  	[sflag:s24] =	ssyncadd.s32 $0xFFFFE000  }
0x8e: {  	[spmem:s2] =	stream.indirect.scatter.add.f32 [tilespmem:s16], [sflag:$0x5], $0x40, s25, s13, $0xb8;
	[tilespmem:$0x12800] =	vst v63  }
0x8f: {  	_ =	swait.ge [sflag:s10], $0x2000  }
0x90: {  	[sflag:s10] =	ssyncset.done $0x0  }
0x91: {  	[sflag:s10] =	ssyncadd.s32 $0xFFFFE000  }
0x92: {  	[tilespmem:s16], [sflag:$0x3] =	stream.indirect.gather [hbm4b:s4+s13], $0x40, s26, s13, $0xb8;
	[tilespmem:$0x12800] =	vst v63  }
0x93: {  	_ =	swait.ge [sflag:s28], $0x2000  }
0x94: {  	[sflag:s28] =	ssyncset.done $0x0  }
0x95: {  	[sflag:s28] =	ssyncadd.s32 $0xFFFFE000  }
0x96: {  	[spmem:s2] =	stream.indirect.scatter.add.f32 [tilespmem:s18], [sflag:$0x5], $0x40, s29, s13, $0xb8;
	[tilespmem:$0x12800] =	vst v63  }
0x97: {  	_ =	swait.ge [sflag:s10], $0x2000  }
0x98: {  	[sflag:s10] =	ssyncset.done $0x0  }
0x99: {  	[sflag:s10] =	ssyncadd.s32 $0xFFFFE000  }
0x9a: {  	[tilespmem:s18], [sflag:$0x4] =	stream.indirect.gather [hbm4b:s4+s13], $0x40, s30, s13, $0xb8;
	[tilespmem:$0x12800] =	vst v63  }
0x9b: {  	_ =	swait.ge [sflag:s19], $0x2000  }
0x9c: {  	[sflag:s19] =	ssyncset.done $0x0  }
0x9d: {  	[sflag:s19] =	ssyncadd.s32 $0xFFFFE000  }
0x9e: {  	[spmem:s2] =	stream.indirect.scatter.add.f32 [tilespmem:s14], [sflag:$0x5], $0x40, s31, s13, $0xb8;
	[tilespmem:$0x12800] =	vst v63  }
0x9f: {  	_ =	swait.ge [sflag:s10], $0x2000  }
0xa0: {  	[sflag:s10] =	ssyncset.done $0x0  }
0xa1: {  	[sflag:s10] =	ssyncadd.s32 $0xFFFFE000  }
0xa2: {  	_ =	swait.ge [sflag:s21], $0x2000  }
0xa3: {  	[sflag:s21] =	ssyncset.done $0x0  }
0xa4: {  	[sflag:s21] =	ssyncadd.s32 $0xFFFFE000  }
0xa5: {  	[spmem:s2] =	stream.indirect.scatter.add.f32 [tilespmem:s15], [sflag:$0x5], $0x40, s1, s13, $0xb8;
	[tilespmem:$0x12800] =	vst v63  }
0xa6: {  	_ =	swait.ge [sflag:s10], $0x2000  }
0xa7: {  	[sflag:s10] =	ssyncset.done $0x0  }
0xa8: {  	[sflag:s10] =	ssyncadd.s32 $0xFFFFE000  }
0xa9: {  	_ =	swait.ge [sflag:s24], $0x2000  }
0xaa: {  	[sflag:s24] =	ssyncset.done $0x0  }
0xab: {  	[sflag:s24] =	ssyncadd.s32 $0xFFFFE000  }
0xac: {  	[spmem:s2] =	stream.indirect.scatter.add.f32 [tilespmem:s16], [sflag:$0x5], $0x40, s0, s13, $0xb8;
	[tilespmem:$0x12800] =	vst v63  }
0xad: {  	_ =	swait.ge [sflag:s10], $0x2000  }
0xae: {  	[sflag:s10] =	ssyncset.done $0x0  }
0xaf: {  	p0 =	sne.s32 s8, $0x480;
	[sflag:s10] =	ssyncadd.s32 $0xFFFFE000  }
.Ltmp0:
0xb0: {  	_ =	swait.ge [sflag:s28], $0x2000;
	(pc) =	sbr.rel @p0 .LBB2_2-.Ltmp0, $4  }
0xb1: {  	[sflag:s28] =	ssyncset.done $0x0  }
0xb2: {  	[sflag:s28] =	ssyncadd.s32 $0xFFFFE000  }
0xb3: {  	[spmem:s2] =	stream.indirect.scatter.add.f32 [tilespmem:s18], [sflag:$0x5], $0x40, s5, s13, $0xb8;
	[tilespmem:$0x12800] =	vst v63  }
0xb4: {  	s8 =	sadd.s32 $0x80, s8;
	_ =	swait.ge [sflag:s10], $0x2000  }
0xb5: {  	[sflag:s10] =	ssyncset.done $0x0  }
0xb6: {  	[sflag:s10] =	ssyncadd.s32 $0xFFFFE000  }
0xb7: {  	[bflag:$0x0] =	sbarrier.arrive $0xFFFF  }
0xb8: {  	s9 =	rddreg [dreg:$0x8]  }
0xb9: {  	s6 =	rddreg [dreg:$0x9]  }
0xba: {  	s8 =	rddreg [dreg:$0xb]  }
0xbb: {  	[hbm:s6], [sflag:s9] =	dma.local [spmem:s8], $0x1400  }
0xbc: {  	_ =	swait.ge [sflag:s10], $0x1400  }
0xbd: {  	s7 =	sadd.s32 $0x1, s7;
	s6 =	rddreg [dreg:$0xa]  }
0xbe: {  	p0 =	sne.s32 s7, s6  }
.Ltmp1:
0xbf: {  	_ = 	snop;
	(pc) =	sbr.rel @p0 .LBB2_1-.Ltmp1, $3  }
0xc0: {  	_ =	sdelay $0x1  }
0xc1: {  	[sflag:s10] =	ssyncset.done $0x0  }
0xc2: {  	[sflag:s10] =	ssyncadd.s32 $0xFFFFEC00  }
0xc3: {  	_ =	sfence.sel $0x180000  }
0xc4: {  	[bflag:$0x0] =	sbarrier.arrive $0xFFFF  }
0xc5: {  	_ =	strace $0x9000004A  }
0xc6: {  	s0 =	stileid.u32;
	[bflag:$0x2] =	sbarrier.arrive $0xFFFF  }
0xc7: {  	p0 =	sne.s32 s0, $0x0;
	s0 =	rddreg [dreg:$0x2]  }
0xc8: {  	s0 =	sadd.s32 @!p0 $0x100000, s0  }
0xc9: {  	[sflag:s0] =	ssyncadd.tile.s32 @!p0 $0x1;
	_ =	shalt  }
.Lfunc_end2:
_tile_overlayer_lowered:
.L_overlay_start_2:
0xca: {  	(tag) =	ssettag $0x2  }
0xcb: {  	s0 =	rddreg [dreg:$0x0];
	s2 =	stileid.u32  }
0xcc: {  	s1 =	rddreg [dreg:$0x1];
	p0 =	sne.s32 s2, $0x0  }
0xcd: {  	s3 =	rddreg [dreg:$0x2];
	[bflag:$0x3] =	sbarrier.arrive $0xFFFF;
	s2 =	simm.s32 @!p0 $0x1C05  }
0xce: {  	[timem:s3], [sflag:s2] =	dma.local @!p0 [hbm:s0], s1  }
0xcf: {  	s0 =	simm.s32 @!p0 $0x5  }
0xd0: {  	_ =	swait.ge @!p0 [sflag:s0], s1  }
0xd1: {  	s1 =	ssub.s32 @!p0 $0x0, s1;
	[sflag:s0] =	ssyncset.done @!p0 $0x0  }
0xd2: {  	[sflag:s0] =	ssyncadd.s32 @!p0 s1  }
0xd3: {  	[bflag:$0x3] =	sbarrier.arrive $0xFFFF  }
0xd4: {  	_ =	shalt  }

// kernel: kernel.14.cloned.1.call-start
scs
__scs_entry_jumppad:
0x0: {  	(pc) =	sbr.rel $0x88, $3  }
0x1: {  	(tag) =	ssettag $0x0;
	lr =	simm.s32 $0x1  }
0x2: {  	[smem:$0x3F97] =	sst lr;
	_ =	strace $0xD0000000  }
0x3: {  	_ = 	snop  }
0x4: {  	_ = 	snop  }
0x5: {  	_ = 	snop  }
0x6: {  	_ = 	snop  }
0x7: {  	_ = 	snop  }
__scs_overlays_trampoline_lowered:
0x8: {  	[smem:$0x3FA6] =	sst s0  }
0x9: {  	[smem:$0x3FA7] =	sst s1  }
0xa: {  	[smem:$0x3FA8] =	sst s2  }
0xb: {  	[smem:$0x3FA9] =	sst s3  }
0xc: {  	[smem:$0x3FAA] =	sst s4  }
0xd: {  	[smem:$0x3FAB] =	sst s5  }
0xe: {  	[smem:$0x3FAC] =	sst s6  }
0xf: {  	[smem:$0x3FAD] =	sst s7  }
0x10: {  	[smem:$0x3FAE] =	sst s8  }
0x11: {  	[smem:$0x3FAF] =	sst s9;
	s0 =	simm.s32 @!p0 $0x0  }
0x12: {  	s1 =	sld [smem:$0x3F95];
	s0 =	simm.s32 @p0 $0x1  }
0x13: {  	[smem:$0x3FB0] =	sst s0;
	s0 =	simm.s32 @!p1 $0x0  }
0x14: {  	s2 =	sld [smem:$0x3F94];
	s0 =	simm.s32 @p1 $0x1  }
0x15: {  	[smem:$0x3FB1] =	sst s0;
	s0 =	simm.s32 @!p2 $0x0  }
0x16: {  	s3 =	sld [smem:$0x3FDB];
	s0 =	simm.s32 @p2 $0x1  }
0x17: {  	s4 =	simm.s32 $0x1BF5;
	[smem:$0x3FB3] =	sst s0  }
0x18: {  	s0 =	sld [smem:$0x3F96];
	_ =	swait.ge [sflag:s4], $0x0  }
0x19: {  	s7 =	sld [smem:$0x3F97]  }
0x1a: {  	s8 =	sadd.s32 $0xFFFFE003, lr  }
0x1b: {  	s9 =	sadd.s32 $0xFFFFFEF7, lr;
	s5 =	simm.s32 $0xFFFFFFFF;
	p2 =	slt.u32 s8, $0xFFFFF086  }
0x1c: {  	p1 =	slt.u32 s9, $0xF7A;
	s5 =	simm.s32 @!p2 $0x0  }
0x1d: {  	s5 =	simm.s32 @p1 $0x1;
	p0 =	seq.s32 s7, s2  }
0x1e: {  	s7 =	smul.u32 @!p0 $0xF7A, s2;
	p2 =	seq.s32 @!p0 s5, $0x0  }
0x1f: {  	s9 =	smul.u32 $0xF7A, s1;
	s8 =	simm.s32 @!p0 $0x1BF5;
	p2 =	por !p2, p0  }
0x20: {  	[sflag:s8] =	ssyncset.s32 @!p0 $0xFFFFF086;
	s6 =	sadd.s32 @!p0 s3, s7;
	s7 =	simm.s32 @!p0 $0x108  }
0x21: {  	s3 =	sadd.s32 s3, s9;
	s6 =	sadd.s32 @!p0 $0x88, s6;
	s7 =	simm.s32 @p2 $0x1082  }
0x22: {  	[simem:s7], [sflag:s8] =	dma.local @!p0 [hbm:s6], $0xF7A  }
0x23: {  	s9 =	sor.u32 $0xD0000000, s2;
	s6 =	simm.s32 $0x108;
	_ =	swait.ge @!p0 [sflag:s8], $0x0  }
0x24: {  	s3 =	sadd.s32 $0x88, s3;
	s6 =	simm.s32 @!p1 $0x1082;
	[sflag:s4] =	ssyncset.s32 $0xFFFFF086  }
0x25: {  	[simem:s6], [sflag:s4] =	dma.local [hbm:s3], $0xF7A  }
0x26: {  	[smem:$0x3F97] =	sst s1;
	(tag) =	ssettag s2;
	_ =	strace s9  }
0x27: {  	s1 =	sld [smem:$0x3FA7]  }
0x28: {  	s2 =	sld [smem:$0x3FA8]  }
0x29: {  	s4 =	sld [smem:$0x3FAA]  }
0x2a: {  	p0 =	seq.s32 s5, $0x0;
	s5 =	sld [smem:$0x3FAB]  }
0x2b: {  	s6 =	sld [smem:$0x3FAC]  }
0x2c: {  	s7 =	sld [smem:$0x3FAD]  }
0x2d: {  	s3 =	simm.s32 $0x108;
	s8 =	sld [smem:$0x3FAE]  }
0x2e: {  	s3 =	simm.s32 @!p0 $0x1082;
	s9 =	sld [smem:$0x3FAF]  }
0x2f: {  	lr =	sadd.s32 s0, s3;
	s0 =	sld [smem:$0x3FA6]  }
0x30: {  	s3 =	sld [smem:$0x3FA9]  }
0x31: {  	[smem:$0x3FB2] =	sst s10  }
0x32: {  	s10 =	sld [smem:$0x3FB0];
	_ =	sdelay $0x3  }
0x33: {  	p0 =	seq.s32 s10, $0x1;
	s10 =	sld [smem:$0x3FB2];
	_ =	sdelay $0x3  }
0x34: {  	[smem:$0x3FB2] =	sst s10  }
0x35: {  	s10 =	sld [smem:$0x3FB1];
	_ =	sdelay $0x3  }
0x36: {  	p1 =	seq.s32 s10, $0x1;
	s10 =	sld [smem:$0x3FB2];
	_ =	sdelay $0x3  }
0x37: {  	[smem:$0x3FB2] =	sst s10  }
0x38: {  	s10 =	sld [smem:$0x3FB3]  }
0x39: {  	_ = 	snop;
	(pc) =	sbr.ind lr, $3  }
0x3a: {  	_ = 	snop  }
0x3b: {  	_ = 	snop  }
0x3c: {  	p2 =	seq.s32 s10, $0x1;
	s10 =	sld [smem:$0x3FB2]  }
0x3d: {  	_ =	shalt  }
0x3e: {  	_ =	shalt  }
0x3f: {  	_ =	shalt  }
0x40: {  	_ =	shalt  }
0x41: {  	_ =	shalt  }
0x42: {  	_ =	shalt  }
0x43: {  	_ =	shalt  }
0x44: {  	_ =	shalt  }
0x45: {  	_ =	shalt  }
0x46: {  	_ =	shalt  }
0x47: {  	_ =	shalt  }
0x48: {  	_ =	shalt  }
0x49: {  	_ =	shalt  }
0x4a: {  	_ =	shalt  }
0x4b: {  	_ =	shalt  }
0x4c: {  	_ =	shalt  }
0x4d: {  	_ =	shalt  }
0x4e: {  	_ =	shalt  }
0x4f: {  	_ =	shalt  }
0x50: {  	_ =	shalt  }
0x51: {  	_ =	shalt  }
0x52: {  	_ =	shalt  }
0x53: {  	_ =	shalt  }
0x54: {  	_ =	shalt  }
0x55: {  	_ =	shalt  }
0x56: {  	_ =	shalt  }
0x57: {  	_ =	shalt  }
0x58: {  	_ =	shalt  }
0x59: {  	_ =	shalt  }
0x5a: {  	_ =	shalt  }
0x5b: {  	_ =	shalt  }
0x5c: {  	_ =	shalt  }
0x5d: {  	_ =	shalt  }
0x5e: {  	_ =	shalt  }
0x5f: {  	_ =	shalt  }
0x60: {  	_ =	shalt  }
0x61: {  	_ =	shalt  }
0x62: {  	_ =	shalt  }
0x63: {  	_ =	shalt  }
0x64: {  	_ =	shalt  }
0x65: {  	_ =	shalt  }
0x66: {  	_ =	shalt  }
0x67: {  	_ =	shalt  }
0x68: {  	_ =	shalt  }
0x69: {  	_ =	shalt  }
0x6a: {  	_ =	shalt  }
0x6b: {  	_ =	shalt  }
0x6c: {  	_ =	shalt  }
0x6d: {  	_ =	shalt  }
0x6e: {  	_ =	shalt  }
0x6f: {  	_ =	shalt  }
0x70: {  	_ =	shalt  }
0x71: {  	_ =	shalt  }
0x72: {  	_ =	shalt  }
0x73: {  	_ =	shalt  }
0x74: {  	_ =	shalt  }
0x75: {  	_ =	shalt  }
0x76: {  	_ =	shalt  }
0x77: {  	_ =	shalt  }
0x78: {  	_ =	shalt  }
0x79: {  	_ =	shalt  }
0x7a: {  	_ =	shalt  }
0x7b: {  	_ =	shalt  }
0x7c: {  	_ =	shalt  }
0x7d: {  	_ =	shalt  }
0x7e: {  	_ =	shalt  }
0x7f: {  	_ =	shalt  }
0x80: {  	_ =	shalt  }
0x81: {  	_ =	shalt  }
0x82: {  	_ =	shalt  }
0x83: {  	_ =	shalt  }
0x84: {  	_ =	shalt  }
0x85: {  	_ =	shalt  }
0x86: {  	_ =	shalt  }
0x87: {  	_ =	shalt  }
.Lfunc_end0:
.L_simem_size_0:
called_computation.2_lowered:
.L_overlay_start_0:
0x88: {  	s2 =	sld [smem:$0x3FD9]  }
0x89: {  	s3 =	sld [smem:$0x3FFE];
	_ =	sdelay $0x1  }
0x8a: {  	s1 =	srdreg.scid  }
0x8b: {  	s0 =	sand.u32 $0x1, s1  }
0x8c: {  	s16 =	sshll.u32 s0, $0xA;
	s2 =	sadd.s32 s3, s2  }
0x8d: {  	s2 =	sadd.s32 s2, s16  }
0x8e: {  	[smem:$0x3FBE] =	sst s2  }
0x8f: {  	_ = 	snop  }
0x90: {  	(tm) =	ssettm $0x1  }
0x91: {  	s17 =	sld [smem:$0x3FFB];
	_ =	sdelay $0x3  }
0x92: {  	_ =	strace s17  }
0x93: {  	s2 =	sld [smem:$0x3FFC];
	_ =	sdelay $0x3  }
0x94: {  	_ =	strace s2  }
0x95: {  	s2 =	sld [smem:$0x3FFD];
	_ =	sdelay $0x3  }
0x96: {  	_ =	strace s2  }
0x97: {  	_ =	strace $0x8FFFFFFF  }
0x98: {  	s18 =	sld [smem:$0x3FDB];
	_ =	sdelay $0x1  }
0x99: {  	s19 =	simm.s32 $_scs_section_size  }
0x9a: {  	s4 =	simm.s32 $_size__tile_overlayer_lowered;
	s5 =	simm.s32 $_tile_overlayer_lowered  }
0x9b: {  	s22 =	simm.s32 $0x1BFF;
	s21 =	sshll.u32 s5, $0x1;
	s2 =	sadd.s32 s19, s18  }
0x9c: {  	s6 =	simm.s32 $0x0;
	s20 =	sshll.u32 s4, $0x1;
	s4 =	sadd.s32 s21, s2  }
0x9d: {  	[timem:s6], [sflag:s22] =	dma.local [hbm:s4], s20  }
0x9e: {  	_ =	swait.ge [sflag:s22], s20  }
0x9f: {  	s3 =	ssub.s32 $0x0, s20;
	[sflag:s22] =	ssyncset.done $0x0  }
0xa0: {  	[sflag:s22] =	ssyncadd.s32 s3;
	_ =	sdelay $0x1  }
0xa1: {  	s23 =	simm.s32 $0x1B8B  }
0xa2: {  	_ =	swait.ge [sflag:s23], $0x1  }
0xa3: {  	[sflag:s23] =	ssyncset.done $0x0  }
0xa4: {  	s25 =	simm.s32 $0x1B8E;
	s24 =	sld [smem:$0x3FFE];
	[sflag:s23] =	ssyncadd.s32 $0xFFFFFFFF  }
0xa5: {  	s26 =	simm.s32 $execute0_lowered;
	[smem:$0x3FD2] =	sst s25  }
0xa6: {  	s4 =	sshll.u32 s26, $0x1;
	_ =	strace $0x8000004C;
	[dreg:$0x1] =	wrdreg $0xFFFFFFFF  }
0xa7: {  	s28 =	simm.s32 $_size_execute0_lowered;
	s2 =	sadd.s32 s2, s4;
	[dreg:$0x0] =	wrdreg $0x0  }
0xa8: {  	s4 =	sshll.u32 s28, $0x1;
	[dreg:$0x2] =	wrdreg s2  }
0xa9: {  	[dreg:$0x3] =	wrdreg s4  }
0xaa: {  	[dreg:$0x4] =	wrdreg $0xC0  }
0xab: {  	_ =	task [dreg:s6], $0x5FFFF  }
0xac: {  	[dreg:$0x1] =	wrdreg $0xFFFFFFFF  }
0xad: {  	[dreg:$0x0] =	wrdreg $0x60  }
0xae: {  	[dreg:$0x2] =	wrdreg s24  }
0xaf: {  	[dreg:$0x3] =	wrdreg $0x0  }
0xb0: {  	[dreg:$0x4] =	wrdreg $0x9  }
0xb1: {  	_ =	task.clear_ibuf [dreg:s6], $0x5FFFF;
	_ =	strace $0x9000004C  }
0xb2: {  	s29 =	simm.s32 $0x9;
	_ =	strace $0x8000004E  }
0xb3: {  	_ =	swait.ge [sflag:s29], $0x1  }
0xb4: {  	[sflag:s29] =	ssyncadd.s32 $0xFFFFFFFF  }
0xb5: {  	_ =	strace $0x9000004E  }
0xb6: {  	_ =	sfence  }
0xb7: {  	s30 =	sld [smem:$0x0];
	_ =	sdelay $0x2  }
0xb8: {  	s31 =	sshll.u32 s1, $0xD;
	s1 =	sshrl.u32 s1, $0x2  }
0xb9: {  	s3 =	sand.u32 $0x4000, s31;
	s1 =	sadd.s32 s1, s30  }
0xba: {  	s0 =	sor.u32 s3, s0;
	s1 =	sshll.u32 s1, $0x11  }
0xbb: {  	s0 =	sor.u32 s1, s0  }
0xbc: {  	s0 =	sadd.s32 $0x8F2B, s0  }
0xbd: {  	[sflag:s0] =	ssyncadd.remote.s32 $0x1  }
0xbe: {  	_ =	sfence.sel $0xFFFF  }
0xbf: {  	[dreg:$0x0] =	wrdreg $0xFFFFFFFF;
	(pc) =	sbr.abs _section_cstart, $3  }
0xc0: {  	[dreg:$0x1] =	wrdreg $0xFFFFFFFF  }
0xc1: {  	_ =	task.clear_ibuf [dreg:s6], $0x2FFFF;
	_ =	strace $0x9FFFFFFF  }
0xc2: {  	(tm) =	ssettm $0x7FFFFFFF  }
0xc3: {  	_ =	shalt  }
tec
execute0_lowered:
.L_overlay_start_1:
0x0: {  	(tag) =	ssettag $0x1  }
0x1: {  	s0 =	rddreg [dreg:$0x0];
	s1 =	srdreg.scid  }
0x2: {  	s9 =	stileid.u32;
	s2 =	rddreg [dreg:$0x1]  }
0x3: {  	s3 =	simm.s32 $0x0;
	s10 =	simm.s32 $0x5;
	s11 =	simm.s32 $0x2800  }
0x4: {  	s12 =	simm.s32 $0x2C00;
	s13 =	simm.s32 $0x80;
	s25 =	simm.s32 $0x2880  }
0x5: {  	s14 =	simm.s32 $0x3000;
	s26 =	simm.s32 $0x2900;
	s15 =	simm.s32 $0x3800  }
0x6: {  	s16 =	simm.s32 $0x4000;
	s17 =	simm.s32 $0x2980;
	s18 =	simm.s32 $0x4800  }
0x7: {  	s19 =	simm.s32 $0x1;
	s28 =	simm.s32 $0x4;
	s29 =	simm.s32 $0x2D80  }
0x8: {  	s30 =	simm.s32 $0x2B80;
	s31 =	simm.s32 $0x2E00;
	s1 =	sand.u32 $0x1, s1  }
0x9: {  	s5 =	smul.u32 $0x2800, s9;
	[smem:$0x7FF] =	sst s3;
	s21 =	sshll.u32 s9, $0x6  }
0xa: {  	s4 =	smul.u32 $0x28000, s1;
	_ =	strace $0x8000004D;
	[dreg:$0x5] =	wrdreg s25  }
0xb: {  	s1 =	ssub.s32 $0x2, s1;
	s9 =	sor.u32 $0x1C05, s21;
	[dreg:$0x6] =	wrdreg s26  }
0xc: {  	s21 =	simm.s32 $0x2;
	s25 =	simm.s32 $0x2D00;
	s20 =	sshrl.u32 s5, $0x3  }
0xd: {  	s8 =	sshrl.u32 s1, $0x1;
	[dreg:$0x8] =	wrdreg s9;
	s6 =	sadd.s32 s5, s4  }
0xe: {  	s4 =	sadd.s32 $0xA1A00, s0;
	s1 =	ssub.s32 s1, s8;
	s5 =	sadd.s32 s5, s2  }
0xf: {  	s6 =	sshrl.u32 s6, $0x3;
	s1 =	smax.u32 s1, $0x1;
	s8 =	sshrl.u32 s5, $0x3  }
0x10: {  	s7 =	sadd.s32 s6, s0;
	s0 =	sadd.s32 s20, s0;
	[dreg:$0xa] =	wrdreg s1  }
0x11: {  	s26 =	simm.s32 $0x2B00;
	[dreg:$0xb] =	wrdreg s8;
	s0 =	sadd.s32 $0x2000, s0  }
0x12: {  	s5 =	simm.s32 $0x2F80;
	s22 =	sadd.s32 $0x15A00, s7;
	[dreg:$0x7] =	wrdreg s0  }
0x13: {  	s20 =	simm.s32 $0x2A00;
	s24 =	sadd.s32 $0x7000, s7;
	[dreg:$0x3] =	wrdreg s22  }
0x14: {  	s1 =	simm.s32 $0x2E80;
	s23 =	sadd.s32 $0x1FA00, s7;
	[dreg:$0x9] =	wrdreg s24  }
0x15: {  	s7 =	simm.s32 $0x0;
	[dreg:$0x4] =	wrdreg s23;
	s22 =	simm.s32 $0x2C80  }
0x16: {  	s23 =	simm.s32 $0x2A80;
	s24 =	simm.s32 $0x3;
	s0 =	simm.s32 $0x2F00  }
.LBB2_1:
0x17: {  	s6 =	rddreg [dreg:$0x7]  }
0x18: {  	[spmem:s8], [sflag:s9] =	dma.local [hbm:s6], $0x500  }
0x19: {  	_ =	swait.ge [sflag:s10], $0x500  }
0x1a: {  	[sflag:s10] =	ssyncset.done $0x0  }
0x1b: {  	[sflag:s10] =	ssyncadd.s32 $0xFFFFFB00  }
0x1c: {  	[bflag:$0x0] =	sbarrier.arrive $0xFFFF  }
0x1d: {  	s6 =	rddreg [dreg:$0x4]  }
0x1e: {  	s8 =	sadd.s32 $0x0, s6  }
0x1f: {  	[tilespmem:s11], [sflag:$0x5] =	stream.linear.gather [hbm4b:s8+s3], $0x400, $0x38;
	[tilespmem:$0x5000] =	vst v63  }
0x20: {  	_ =	swait.ge [sflag:s10], $0x400  }
0x21: {  	s9 =	rddreg [dreg:$0x3];
	[sflag:s10] =	ssyncset.done $0x0  }
0x22: {  	[sflag:s10] =	ssyncadd.s32 $0xFFFFFC00;
	s8 =	sadd.s32 $0x0, s9  }
0x23: {  	[tilespmem:s12], [sflag:$0x5] =	stream.linear.gather [hbm4b:s8+s3], $0x400, $0x38;
	[tilespmem:$0x5000] =	vst v63  }
0x24: {  	_ =	swait.ge [sflag:s10], $0x400  }
0x25: {  	[sflag:s10] =	ssyncset.done $0x0  }
0x26: {  	[sflag:s10] =	ssyncadd.s32 $0xFFFFFC00  }
0x27: {  	[tilespmem:s14], [sflag:$0x1] =	stream.indirect.gather [hbm4b:s4+s13], $0x10, s11, s13, $0xb8;
	[tilespmem:$0x5000] =	vst v63  }
0x28: {  	s6 =	rddreg [dreg:$0x5]  }
0x29: {  	[tilespmem:s15], [sflag:$0x2] =	stream.indirect.gather [hbm4b:s4+s13], $0x10, s6, s13, $0xb8;
	[tilespmem:$0x5000] =	vst v63  }
0x2a: {  	s9 =	rddreg [dreg:$0x6]  }
0x2b: {  	[tilespmem:s16], [sflag:$0x3] =	stream.indirect.gather [hbm4b:s4+s13], $0x10, s9, s13, $0xb8;
	[tilespmem:$0x5000] =	vst v63  }
0x2c: {  	_ = 	snop  }
0x2d: {  	[tilespmem:s18], [sflag:$0x4] =	stream.indirect.gather [hbm4b:s4+s13], $0x10, s17, s13, $0xb8;
	[tilespmem:$0x5000] =	vst v63  }
0x2e: {  	_ =	swait.ge [sflag:s19], $0x800  }
0x2f: {  	[sflag:s19] =	ssyncset.done $0x0  }
0x30: {  	[sflag:s19] =	ssyncadd.s32 $0xFFFFF800  }
0x31: {  	[spmem:s2] =	stream.indirect.scatter.add.f32 [tilespmem:s14], [sflag:$0x5], $0x10, s12, s13, $0xb8;
	[tilespmem:$0x5000] =	vst v63  }
0x32: {  	_ =	swait.ge [sflag:s10], $0x800  }
0x33: {  	[sflag:s10] =	ssyncset.done $0x0  }
0x34: {  	[sflag:s10] =	ssyncadd.s32 $0xFFFFF800  }
0x35: {  	[tilespmem:s14], [sflag:$0x1] =	stream.indirect.gather [hbm4b:s4+s13], $0x10, s20, s13, $0xb8;
	[tilespmem:$0x5000] =	vst v63  }
0x36: {  	_ =	swait.ge [sflag:s21], $0x800  }
0x37: {  	[sflag:s21] =	ssyncset.done $0x0  }
0x38: {  	[sflag:s21] =	ssyncadd.s32 $0xFFFFF800  }
0x39: {  	[spmem:s2] =	stream.indirect.scatter.add.f32 [tilespmem:s15], [sflag:$0x5], $0x10, s22, s13, $0xb8;
	[tilespmem:$0x5000] =	vst v63  }
0x3a: {  	_ =	swait.ge [sflag:s10], $0x800  }
0x3b: {  	[sflag:s10] =	ssyncset.done $0x0  }
0x3c: {  	[sflag:s10] =	ssyncadd.s32 $0xFFFFF800  }
0x3d: {  	[tilespmem:s15], [sflag:$0x2] =	stream.indirect.gather [hbm4b:s4+s13], $0x10, s23, s13, $0xb8;
	[tilespmem:$0x5000] =	vst v63  }
0x3e: {  	_ =	swait.ge [sflag:s24], $0x800  }
0x3f: {  	[sflag:s24] =	ssyncset.done $0x0  }
0x40: {  	[sflag:s24] =	ssyncadd.s32 $0xFFFFF800  }
0x41: {  	[spmem:s2] =	stream.indirect.scatter.add.f32 [tilespmem:s16], [sflag:$0x5], $0x10, s25, s13, $0xb8;
	[tilespmem:$0x5000] =	vst v63  }
0x42: {  	_ =	swait.ge [sflag:s10], $0x800  }
0x43: {  	[sflag:s10] =	ssyncset.done $0x0  }
0x44: {  	[sflag:s10] =	ssyncadd.s32 $0xFFFFF800  }
0x45: {  	[tilespmem:s16], [sflag:$0x3] =	stream.indirect.gather [hbm4b:s4+s13], $0x10, s26, s13, $0xb8;
	[tilespmem:$0x5000] =	vst v63  }
0x46: {  	_ =	swait.ge [sflag:s28], $0x800  }
0x47: {  	[sflag:s28] =	ssyncset.done $0x0  }
0x48: {  	[sflag:s28] =	ssyncadd.s32 $0xFFFFF800  }
0x49: {  	[spmem:s2] =	stream.indirect.scatter.add.f32 [tilespmem:s18], [sflag:$0x5], $0x10, s29, s13, $0xb8;
	[tilespmem:$0x5000] =	vst v63  }
0x4a: {  	_ =	swait.ge [sflag:s10], $0x800  }
0x4b: {  	[sflag:s10] =	ssyncset.done $0x0  }
0x4c: {  	[sflag:s10] =	ssyncadd.s32 $0xFFFFF800  }
0x4d: {  	[tilespmem:s18], [sflag:$0x4] =	stream.indirect.gather [hbm4b:s4+s13], $0x10, s30, s13, $0xb8;
	[tilespmem:$0x5000] =	vst v63  }
0x4e: {  	_ =	swait.ge [sflag:s19], $0x800  }
0x4f: {  	[sflag:s19] =	ssyncset.done $0x0  }
0x50: {  	[sflag:s19] =	ssyncadd.s32 $0xFFFFF800  }
0x51: {  	[spmem:s2] =	stream.indirect.scatter.add.f32 [tilespmem:s14], [sflag:$0x5], $0x10, s31, s13, $0xb8;
	[tilespmem:$0x5000] =	vst v63  }
0x52: {  	_ =	swait.ge [sflag:s10], $0x800  }
0x53: {  	[sflag:s10] =	ssyncset.done $0x0  }
0x54: {  	[sflag:s10] =	ssyncadd.s32 $0xFFFFF800  }
0x55: {  	_ =	swait.ge [sflag:s21], $0x800  }
0x56: {  	[sflag:s21] =	ssyncset.done $0x0  }
0x57: {  	[sflag:s21] =	ssyncadd.s32 $0xFFFFF800  }
0x58: {  	[spmem:s2] =	stream.indirect.scatter.add.f32 [tilespmem:s15], [sflag:$0x5], $0x10, s1, s13, $0xb8;
	[tilespmem:$0x5000] =	vst v63  }
0x59: {  	_ =	swait.ge [sflag:s10], $0x800  }
0x5a: {  	[sflag:s10] =	ssyncset.done $0x0  }
0x5b: {  	[sflag:s10] =	ssyncadd.s32 $0xFFFFF800  }
0x5c: {  	_ =	swait.ge [sflag:s24], $0x800  }
0x5d: {  	[sflag:s24] =	ssyncset.done $0x0  }
0x5e: {  	[sflag:s24] =	ssyncadd.s32 $0xFFFFF800  }
0x5f: {  	[spmem:s2] =	stream.indirect.scatter.add.f32 [tilespmem:s16], [sflag:$0x5], $0x10, s0, s13, $0xb8;
	[tilespmem:$0x5000] =	vst v63  }
0x60: {  	_ =	swait.ge [sflag:s10], $0x800  }
0x61: {  	[sflag:s10] =	ssyncset.done $0x0  }
0x62: {  	[sflag:s10] =	ssyncadd.s32 $0xFFFFF800  }
0x63: {  	_ =	swait.ge [sflag:s28], $0x800  }
0x64: {  	[sflag:s28] =	ssyncset.done $0x0  }
0x65: {  	[sflag:s28] =	ssyncadd.s32 $0xFFFFF800  }
0x66: {  	[spmem:s2] =	stream.indirect.scatter.add.f32 [tilespmem:s18], [sflag:$0x5], $0x10, s5, s13, $0xb8;
	[tilespmem:$0x5000] =	vst v63  }
0x67: {  	s8 =	simm.s32 $0x80;
	_ =	swait.ge [sflag:s10], $0x800  }
.LBB2_2:
0x68: {  	s6 =	rddreg [dreg:$0x4];
	s9 =	smov.u32 s8;
	[sflag:s10] =	ssyncset.done $0x0  }
0x69: {  	s6 =	sadd.s32 s9, s6;
	[sflag:s10] =	ssyncadd.s32 $0xFFFFF800  }
0x6a: {  	[tilespmem:s11], [sflag:$0x5] =	stream.linear.gather [hbm4b:s6+s3], $0x400, $0x38;
	[tilespmem:$0x5000] =	vst v63  }
0x6b: {  	_ =	swait.ge [sflag:s10], $0x400  }
0x6c: {  	s6 =	rddreg [dreg:$0x3];
	[sflag:s10] =	ssyncset.done $0x0  }
0x6d: {  	[sflag:s10] =	ssyncadd.s32 $0xFFFFFC00;
	s6 =	sadd.s32 s9, s6  }
0x6e: {  	[tilespmem:s12], [sflag:$0x5] =	stream.linear.gather [hbm4b:s6+s3], $0x400, $0x38;
	[tilespmem:$0x5000] =	vst v63  }
0x6f: {  	_ =	swait.ge [sflag:s10], $0x400  }
0x70: {  	[sflag:s10] =	ssyncset.done $0x0  }
0x71: {  	[sflag:s10] =	ssyncadd.s32 $0xFFFFFC00  }
0x72: {  	[tilespmem:s14], [sflag:$0x1] =	stream.indirect.gather [hbm4b:s4+s13], $0x10, s11, s13, $0xb8;
	[tilespmem:$0x5000] =	vst v63  }
0x73: {  	s6 =	rddreg [dreg:$0x5]  }
0x74: {  	[tilespmem:s15], [sflag:$0x2] =	stream.indirect.gather [hbm4b:s4+s13], $0x10, s6, s13, $0xb8;
	[tilespmem:$0x5000] =	vst v63  }
0x75: {  	s9 =	rddreg [dreg:$0x6]  }
0x76: {  	[tilespmem:s16], [sflag:$0x3] =	stream.indirect.gather [hbm4b:s4+s13], $0x10, s9, s13, $0xb8;
	[tilespmem:$0x5000] =	vst v63  }
0x77: {  	_ = 	snop  }
0x78: {  	[tilespmem:s18], [sflag:$0x4] =	stream.indirect.gather [hbm4b:s4+s13], $0x10, s17, s13, $0xb8;
	[tilespmem:$0x5000] =	vst v63  }
0x79: {  	_ =	swait.ge [sflag:s19], $0x800  }
0x7a: {  	[sflag:s19] =	ssyncset.done $0x0  }
0x7b: {  	[sflag:s19] =	ssyncadd.s32 $0xFFFFF800  }
0x7c: {  	[spmem:s2] =	stream.indirect.scatter.add.f32 [tilespmem:s14], [sflag:$0x5], $0x10, s12, s13, $0xb8;
	[tilespmem:$0x5000] =	vst v63  }
0x7d: {  	_ =	swait.ge [sflag:s10], $0x800  }
0x7e: {  	[sflag:s10] =	ssyncset.done $0x0  }
0x7f: {  	[sflag:s10] =	ssyncadd.s32 $0xFFFFF800  }
0x80: {  	[tilespmem:s14], [sflag:$0x1] =	stream.indirect.gather [hbm4b:s4+s13], $0x10, s20, s13, $0xb8;
	[tilespmem:$0x5000] =	vst v63  }
0x81: {  	_ =	swait.ge [sflag:s21], $0x800  }
0x82: {  	[sflag:s21] =	ssyncset.done $0x0  }
0x83: {  	[sflag:s21] =	ssyncadd.s32 $0xFFFFF800  }
0x84: {  	[spmem:s2] =	stream.indirect.scatter.add.f32 [tilespmem:s15], [sflag:$0x5], $0x10, s22, s13, $0xb8;
	[tilespmem:$0x5000] =	vst v63  }
0x85: {  	_ =	swait.ge [sflag:s10], $0x800  }
0x86: {  	[sflag:s10] =	ssyncset.done $0x0  }
0x87: {  	[sflag:s10] =	ssyncadd.s32 $0xFFFFF800  }
0x88: {  	[tilespmem:s15], [sflag:$0x2] =	stream.indirect.gather [hbm4b:s4+s13], $0x10, s23, s13, $0xb8;
	[tilespmem:$0x5000] =	vst v63  }
0x89: {  	_ =	swait.ge [sflag:s24], $0x800  }
0x8a: {  	[sflag:s24] =	ssyncset.done $0x0  }
0x8b: {  	[sflag:s24] =	ssyncadd.s32 $0xFFFFF800  }
0x8c: {  	[spmem:s2] =	stream.indirect.scatter.add.f32 [tilespmem:s16], [sflag:$0x5], $0x10, s25, s13, $0xb8;
	[tilespmem:$0x5000] =	vst v63  }
0x8d: {  	_ =	swait.ge [sflag:s10], $0x800  }
0x8e: {  	[sflag:s10] =	ssyncset.done $0x0  }
0x8f: {  	[sflag:s10] =	ssyncadd.s32 $0xFFFFF800  }
0x90: {  	[tilespmem:s16], [sflag:$0x3] =	stream.indirect.gather [hbm4b:s4+s13], $0x10, s26, s13, $0xb8;
	[tilespmem:$0x5000] =	vst v63  }
0x91: {  	_ =	swait.ge [sflag:s28], $0x800  }
0x92: {  	[sflag:s28] =	ssyncset.done $0x0  }
0x93: {  	[sflag:s28] =	ssyncadd.s32 $0xFFFFF800  }
0x94: {  	[spmem:s2] =	stream.indirect.scatter.add.f32 [tilespmem:s18], [sflag:$0x5], $0x10, s29, s13, $0xb8;
	[tilespmem:$0x5000] =	vst v63  }
0x95: {  	_ =	swait.ge [sflag:s10], $0x800  }
0x96: {  	[sflag:s10] =	ssyncset.done $0x0  }
0x97: {  	[sflag:s10] =	ssyncadd.s32 $0xFFFFF800  }
0x98: {  	[tilespmem:s18], [sflag:$0x4] =	stream.indirect.gather [hbm4b:s4+s13], $0x10, s30, s13, $0xb8;
	[tilespmem:$0x5000] =	vst v63  }
0x99: {  	_ =	swait.ge [sflag:s19], $0x800  }
0x9a: {  	[sflag:s19] =	ssyncset.done $0x0  }
0x9b: {  	[sflag:s19] =	ssyncadd.s32 $0xFFFFF800  }
0x9c: {  	[spmem:s2] =	stream.indirect.scatter.add.f32 [tilespmem:s14], [sflag:$0x5], $0x10, s31, s13, $0xb8;
	[tilespmem:$0x5000] =	vst v63  }
0x9d: {  	_ =	swait.ge [sflag:s10], $0x800  }
0x9e: {  	[sflag:s10] =	ssyncset.done $0x0  }
0x9f: {  	[sflag:s10] =	ssyncadd.s32 $0xFFFFF800  }
0xa0: {  	_ =	swait.ge [sflag:s21], $0x800  }
0xa1: {  	[sflag:s21] =	ssyncset.done $0x0  }
0xa2: {  	[sflag:s21] =	ssyncadd.s32 $0xFFFFF800  }
0xa3: {  	[spmem:s2] =	stream.indirect.scatter.add.f32 [tilespmem:s15], [sflag:$0x5], $0x10, s1, s13, $0xb8;
	[tilespmem:$0x5000] =	vst v63  }
0xa4: {  	_ =	swait.ge [sflag:s10], $0x800  }
0xa5: {  	[sflag:s10] =	ssyncset.done $0x0  }
0xa6: {  	[sflag:s10] =	ssyncadd.s32 $0xFFFFF800  }
0xa7: {  	_ =	swait.ge [sflag:s24], $0x800  }
0xa8: {  	[sflag:s24] =	ssyncset.done $0x0  }
0xa9: {  	[sflag:s24] =	ssyncadd.s32 $0xFFFFF800  }
0xaa: {  	[spmem:s2] =	stream.indirect.scatter.add.f32 [tilespmem:s16], [sflag:$0x5], $0x10, s0, s13, $0xb8;
	[tilespmem:$0x5000] =	vst v63  }
0xab: {  	_ =	swait.ge [sflag:s10], $0x800  }
0xac: {  	[sflag:s10] =	ssyncset.done $0x0  }
0xad: {  	p0 =	sne.s32 s8, $0x480;
	[sflag:s10] =	ssyncadd.s32 $0xFFFFF800  }
.Ltmp0:
0xae: {  	_ =	swait.ge [sflag:s28], $0x800;
	(pc) =	sbr.rel @p0 .LBB2_2-.Ltmp0, $4  }
0xaf: {  	[sflag:s28] =	ssyncset.done $0x0  }
0xb0: {  	[sflag:s28] =	ssyncadd.s32 $0xFFFFF800  }
0xb1: {  	[spmem:s2] =	stream.indirect.scatter.add.f32 [tilespmem:s18], [sflag:$0x5], $0x10, s5, s13, $0xb8;
	[tilespmem:$0x5000] =	vst v63  }
0xb2: {  	s8 =	sadd.s32 $0x80, s8;
	_ =	swait.ge [sflag:s10], $0x800  }
0xb3: {  	[sflag:s10] =	ssyncset.done $0x0  }
0xb4: {  	[sflag:s10] =	ssyncadd.s32 $0xFFFFF800  }
0xb5: {  	[bflag:$0x0] =	sbarrier.arrive $0xFFFF  }
0xb6: {  	s9 =	rddreg [dreg:$0x8]  }
0xb7: {  	s6 =	rddreg [dreg:$0x9]  }
0xb8: {  	s8 =	rddreg [dreg:$0xb]  }
0xb9: {  	[hbm:s6], [sflag:s9] =	dma.local [spmem:s8], $0x500  }
0xba: {  	_ =	swait.ge [sflag:s10], $0x500  }
0xbb: {  	s7 =	sadd.s32 $0x1, s7;
	s6 =	rddreg [dreg:$0xa]  }
0xbc: {  	p0 =	sne.s32 s7, s6  }
.Ltmp1:
0xbd: {  	_ = 	snop;
	(pc) =	sbr.rel @p0 .LBB2_1-.Ltmp1, $3  }
0xbe: {  	_ =	sdelay $0x1  }
0xbf: {  	[sflag:s10] =	ssyncset.done $0x0  }
0xc0: {  	[sflag:s10] =	ssyncadd.s32 $0xFFFFFB00  }
0xc1: {  	_ =	sfence.sel $0x180000  }
0xc2: {  	[bflag:$0x0] =	sbarrier.arrive $0xFFFF  }
0xc3: {  	_ =	strace $0x9000004D  }
0xc4: {  	s0 =	stileid.u32;
	[bflag:$0x2] =	sbarrier.arrive $0xFFFF  }
0xc5: {  	p0 =	sne.s32 s0, $0x0;
	s0 =	rddreg [dreg:$0x2]  }
0xc6: {  	s0 =	sadd.s32 @!p0 $0x100000, s0  }
0xc7: {  	[sflag:s0] =	ssyncadd.tile.s32 @!p0 $0x1;
	_ =	shalt  }
.Lfunc_end2:
_tile_overlayer_lowered:
.L_overlay_start_2:
0xc8: {  	(tag) =	ssettag $0x2  }
0xc9: {  	s0 =	rddreg [dreg:$0x0];
	s2 =	stileid.u32  }
0xca: {  	s1 =	rddreg [dreg:$0x1];
	p0 =	sne.s32 s2, $0x0  }
0xcb: {  	s3 =	rddreg [dreg:$0x2];
	[bflag:$0x3] =	sbarrier.arrive $0xFFFF;
	s2 =	simm.s32 @!p0 $0x1C05  }
0xcc: {  	[timem:s3], [sflag:s2] =	dma.local @!p0 [hbm:s0], s1  }
0xcd: {  	s0 =	simm.s32 @!p0 $0x5  }
0xce: {  	_ =	swait.ge @!p0 [sflag:s0], s1  }
0xcf: {  	s1 =	ssub.s32 @!p0 $0x0, s1;
	[sflag:s0] =	ssyncset.done @!p0 $0x0  }
0xd0: {  	[sflag:s0] =	ssyncadd.s32 @!p0 s1  }
0xd1: {  	[bflag:$0x3] =	sbarrier.arrive $0xFFFF  }
0xd2: {  	_ =	shalt  }

// kernel: kernel.8.cloned.1.call-start
scs
__scs_entry_jumppad:
0x0: {  	(pc) =	sbr.rel $0x88, $3  }
0x1: {  	(tag) =	ssettag $0x0;
	lr =	simm.s32 $0x1  }
0x2: {  	[smem:$0x3F97] =	sst lr;
	_ =	strace $0xD0000000  }
0x3: {  	_ = 	snop  }
0x4: {  	_ = 	snop  }
0x5: {  	_ = 	snop  }
0x6: {  	_ = 	snop  }
0x7: {  	_ = 	snop  }
__scs_overlays_trampoline_lowered:
0x8: {  	[smem:$0x3FA6] =	sst s0  }
0x9: {  	[smem:$0x3FA7] =	sst s1  }
0xa: {  	[smem:$0x3FA8] =	sst s2  }
0xb: {  	[smem:$0x3FA9] =	sst s3  }
0xc: {  	[smem:$0x3FAA] =	sst s4  }
0xd: {  	[smem:$0x3FAB] =	sst s5  }
0xe: {  	[smem:$0x3FAC] =	sst s6  }
0xf: {  	[smem:$0x3FAD] =	sst s7  }
0x10: {  	[smem:$0x3FAE] =	sst s8  }
0x11: {  	[smem:$0x3FAF] =	sst s9;
	s0 =	simm.s32 @!p0 $0x0  }
0x12: {  	s1 =	sld [smem:$0x3F95];
	s0 =	simm.s32 @p0 $0x1  }
0x13: {  	[smem:$0x3FB0] =	sst s0;
	s0 =	simm.s32 @!p1 $0x0  }
0x14: {  	s2 =	sld [smem:$0x3F94];
	s0 =	simm.s32 @p1 $0x1  }
0x15: {  	[smem:$0x3FB1] =	sst s0;
	s0 =	simm.s32 @!p2 $0x0  }
0x16: {  	s3 =	sld [smem:$0x3FDB];
	s0 =	simm.s32 @p2 $0x1  }
0x17: {  	s4 =	simm.s32 $0x1BF5;
	[smem:$0x3FB3] =	sst s0  }
0x18: {  	s0 =	sld [smem:$0x3F96];
	_ =	swait.ge [sflag:s4], $0x0  }
0x19: {  	s7 =	sld [smem:$0x3F97]  }
0x1a: {  	s8 =	sadd.s32 $0xFFFFE003, lr  }
0x1b: {  	s9 =	sadd.s32 $0xFFFFFEF7, lr;
	s5 =	simm.s32 $0xFFFFFFFF;
	p2 =	slt.u32 s8, $0xFFFFF086  }
0x1c: {  	p1 =	slt.u32 s9, $0xF7A;
	s5 =	simm.s32 @!p2 $0x0  }
0x1d: {  	s5 =	simm.s32 @p1 $0x1;
	p0 =	seq.s32 s7, s2  }
0x1e: {  	s7 =	smul.u32 @!p0 $0xF7A, s2;
	p2 =	seq.s32 @!p0 s5, $0x0  }
0x1f: {  	s9 =	smul.u32 $0xF7A, s1;
	s8 =	simm.s32 @!p0 $0x1BF5;
	p2 =	por !p2, p0  }
0x20: {  	[sflag:s8] =	ssyncset.s32 @!p0 $0xFFFFF086;
	s6 =	sadd.s32 @!p0 s3, s7;
	s7 =	simm.s32 @!p0 $0x108  }
0x21: {  	s3 =	sadd.s32 s3, s9;
	s6 =	sadd.s32 @!p0 $0x88, s6;
	s7 =	simm.s32 @p2 $0x1082  }
0x22: {  	[simem:s7], [sflag:s8] =	dma.local @!p0 [hbm:s6], $0xF7A  }
0x23: {  	s9 =	sor.u32 $0xD0000000, s2;
	s6 =	simm.s32 $0x108;
	_ =	swait.ge @!p0 [sflag:s8], $0x0  }
0x24: {  	s3 =	sadd.s32 $0x88, s3;
	s6 =	simm.s32 @!p1 $0x1082;
	[sflag:s4] =	ssyncset.s32 $0xFFFFF086  }
0x25: {  	[simem:s6], [sflag:s4] =	dma.local [hbm:s3], $0xF7A  }
0x26: {  	[smem:$0x3F97] =	sst s1;
	(tag) =	ssettag s2;
	_ =	strace s9  }
0x27: {  	s1 =	sld [smem:$0x3FA7]  }
0x28: {  	s2 =	sld [smem:$0x3FA8]  }
0x29: {  	s4 =	sld [smem:$0x3FAA]  }
0x2a: {  	p0 =	seq.s32 s5, $0x0;
	s5 =	sld [smem:$0x3FAB]  }
0x2b: {  	s6 =	sld [smem:$0x3FAC]  }
0x2c: {  	s7 =	sld [smem:$0x3FAD]  }
0x2d: {  	s3 =	simm.s32 $0x108;
	s8 =	sld [smem:$0x3FAE]  }
0x2e: {  	s3 =	simm.s32 @!p0 $0x1082;
	s9 =	sld [smem:$0x3FAF]  }
0x2f: {  	lr =	sadd.s32 s0, s3;
	s0 =	sld [smem:$0x3FA6]  }
0x30: {  	s3 =	sld [smem:$0x3FA9]  }
0x31: {  	[smem:$0x3FB2] =	sst s10  }
0x32: {  	s10 =	sld [smem:$0x3FB0];
	_ =	sdelay $0x3  }
0x33: {  	p0 =	seq.s32 s10, $0x1;
	s10 =	sld [smem:$0x3FB2];
	_ =	sdelay $0x3  }
0x34: {  	[smem:$0x3FB2] =	sst s10  }
0x35: {  	s10 =	sld [smem:$0x3FB1];
	_ =	sdelay $0x3  }
0x36: {  	p1 =	seq.s32 s10, $0x1;
	s10 =	sld [smem:$0x3FB2];
	_ =	sdelay $0x3  }
0x37: {  	[smem:$0x3FB2] =	sst s10  }
0x38: {  	s10 =	sld [smem:$0x3FB3]  }
0x39: {  	_ = 	snop;
	(pc) =	sbr.ind lr, $3  }
0x3a: {  	_ = 	snop  }
0x3b: {  	_ = 	snop  }
0x3c: {  	p2 =	seq.s32 s10, $0x1;
	s10 =	sld [smem:$0x3FB2]  }
0x3d: {  	_ =	shalt  }
0x3e: {  	_ =	shalt  }
0x3f: {  	_ =	shalt  }
0x40: {  	_ =	shalt  }
0x41: {  	_ =	shalt  }
0x42: {  	_ =	shalt  }
0x43: {  	_ =	shalt  }
0x44: {  	_ =	shalt  }
0x45: {  	_ =	shalt  }
0x46: {  	_ =	shalt  }
0x47: {  	_ =	shalt  }
0x48: {  	_ =	shalt  }
0x49: {  	_ =	shalt  }
0x4a: {  	_ =	shalt  }
0x4b: {  	_ =	shalt  }
0x4c: {  	_ =	shalt  }
0x4d: {  	_ =	shalt  }
0x4e: {  	_ =	shalt  }
0x4f: {  	_ =	shalt  }
0x50: {  	_ =	shalt  }
0x51: {  	_ =	shalt  }
0x52: {  	_ =	shalt  }
0x53: {  	_ =	shalt  }
0x54: {  	_ =	shalt  }
0x55: {  	_ =	shalt  }
0x56: {  	_ =	shalt  }
0x57: {  	_ =	shalt  }
0x58: {  	_ =	shalt  }
0x59: {  	_ =	shalt  }
0x5a: {  	_ =	shalt  }
0x5b: {  	_ =	shalt  }
0x5c: {  	_ =	shalt  }
0x5d: {  	_ =	shalt  }
0x5e: {  	_ =	shalt  }
0x5f: {  	_ =	shalt  }
0x60: {  	_ =	shalt  }
0x61: {  	_ =	shalt  }
0x62: {  	_ =	shalt  }
0x63: {  	_ =	shalt  }
0x64: {  	_ =	shalt  }
0x65: {  	_ =	shalt  }
0x66: {  	_ =	shalt  }
0x67: {  	_ =	shalt  }
0x68: {  	_ =	shalt  }
0x69: {  	_ =	shalt  }
0x6a: {  	_ =	shalt  }
0x6b: {  	_ =	shalt  }
0x6c: {  	_ =	shalt  }
0x6d: {  	_ =	shalt  }
0x6e: {  	_ =	shalt  }
0x6f: {  	_ =	shalt  }
0x70: {  	_ =	shalt  }
0x71: {  	_ =	shalt  }
0x72: {  	_ =	shalt  }
0x73: {  	_ =	shalt  }
0x74: {  	_ =	shalt  }
0x75: {  	_ =	shalt  }
0x76: {  	_ =	shalt  }
0x77: {  	_ =	shalt  }
0x78: {  	_ =	shalt  }
0x79: {  	_ =	shalt  }
0x7a: {  	_ =	shalt  }
0x7b: {  	_ =	shalt  }
0x7c: {  	_ =	shalt  }
0x7d: {  	_ =	shalt  }
0x7e: {  	_ =	shalt  }
0x7f: {  	_ =	shalt  }
0x80: {  	_ =	shalt  }
0x81: {  	_ =	shalt  }
0x82: {  	_ =	shalt  }
0x83: {  	_ =	shalt  }
0x84: {  	_ =	shalt  }
0x85: {  	_ =	shalt  }
0x86: {  	_ =	shalt  }
0x87: {  	_ =	shalt  }
.Lfunc_end0:
.L_simem_size_0:
called_computation_lowered:
.L_overlay_start_0:
0x88: {  	s2 =	sld [smem:$0x3FD9]  }
0x89: {  	s3 =	sld [smem:$0x3FFE];
	_ =	sdelay $0x1  }
0x8a: {  	s1 =	srdreg.scid  }
0x8b: {  	s0 =	sand.u32 $0x1, s1  }
0x8c: {  	s17 =	sshll.u32 s0, $0xA;
	s2 =	sadd.s32 s3, s2  }
0x8d: {  	s2 =	sadd.s32 s2, s17  }
0x8e: {  	[smem:$0x3FBE] =	sst s2  }
0x8f: {  	_ = 	snop  }
0x90: {  	s2 =	sld [smem:$0x3FD0];
	(tm) =	ssettm $0x1  }
0x91: {  	s18 =	sld [smem:$0x3FFB];
	_ =	sdelay $0x3  }
0x92: {  	_ =	strace s18  }
0x93: {  	s3 =	sld [smem:$0x3FFC];
	_ =	sdelay $0x3  }
0x94: {  	_ =	strace s3  }
0x95: {  	s3 =	sld [smem:$0x3FFD];
	_ =	sdelay $0x3  }
0x96: {  	_ =	strace s3  }
0x97: {  	_ =	strace $0x8FFFFFFF  }
0x98: {  	s19 =	sld [smem:$0x3FDB];
	_ =	sdelay $0x1  }
0x99: {  	s4 =	simm.s32 $_scs_section_size  }
0x9a: {  	s5 =	simm.s32 $_size__tile_overlayer_lowered;
	s6 =	simm.s32 $_tile_overlayer_lowered  }
0x9b: {  	s22 =	simm.s32 $0x1BFF;
	s21 =	sshll.u32 s6, $0x1;
	s3 =	sadd.s32 s4, s19  }
0x9c: {  	s7 =	simm.s32 $0x0;
	s20 =	sshll.u32 s5, $0x1;
	s5 =	sadd.s32 s21, s3  }
0x9d: {  	[timem:s7], [sflag:s22] =	dma.local [hbm:s5], s20  }
0x9e: {  	_ =	swait.ge [sflag:s22], s20  }
0x9f: {  	s4 =	ssub.s32 $0x0, s20;
	[sflag:s22] =	ssyncset.done $0x0  }
0xa0: {  	[sflag:s22] =	ssyncadd.s32 s4;
	_ =	sdelay $0x1  }
0xa1: {  	s23 =	simm.s32 $0x1B8B  }
0xa2: {  	_ =	swait.ge [sflag:s23], $0x1  }
0xa3: {  	[sflag:s23] =	ssyncset.done $0x0  }
0xa4: {  	s25 =	simm.s32 $0x1B8E;
	s24 =	sld [smem:$0x3FFE];
	[sflag:s23] =	ssyncadd.s32 $0xFFFFFFFF  }
0xa5: {  	s26 =	simm.s32 $execute0_lowered;
	[smem:$0x3FD2] =	sst s25  }
0xa6: {  	s5 =	sshll.u32 s26, $0x1;
	_ =	strace $0x80000046;
	[dreg:$0x1] =	wrdreg $0xFFFFFFFF  }
0xa7: {  	s28 =	simm.s32 $_size_execute0_lowered;
	s3 =	sadd.s32 s3, s5;
	[dreg:$0x0] =	wrdreg $0x0  }
0xa8: {  	s5 =	sshll.u32 s28, $0x1;
	[dreg:$0x2] =	wrdreg s3  }
0xa9: {  	[dreg:$0x3] =	wrdreg s5  }
0xaa: {  	[dreg:$0x4] =	wrdreg $0xC0  }
0xab: {  	_ =	task [dreg:s7], $0x5FFFF  }
0xac: {  	[dreg:$0x1] =	wrdreg $0xFFFFFFFF  }
0xad: {  	[dreg:$0x0] =	wrdreg $0x60  }
0xae: {  	[dreg:$0x2] =	wrdreg s24  }
0xaf: {  	[dreg:$0x3] =	wrdreg s2  }
0xb0: {  	[dreg:$0x4] =	wrdreg $0x0  }
0xb1: {  	[dreg:$0x5] =	wrdreg $0x128000  }
0xb2: {  	[dreg:$0x6] =	wrdreg $0x9  }
0xb3: {  	_ =	task.clear_ibuf [dreg:s7], $0x7FFFF;
	_ =	strace $0x90000046  }
0xb4: {  	s29 =	simm.s32 $0x9;
	_ =	strace $0x80000048  }
0xb5: {  	_ =	swait.ge [sflag:s29], $0x1  }
0xb6: {  	[sflag:s29] =	ssyncadd.s32 $0xFFFFFFFF  }
0xb7: {  	_ =	strace $0x90000048  }
0xb8: {  	_ =	sfence  }
0xb9: {  	s30 =	sld [smem:$0x0];
	_ =	sdelay $0x2  }
0xba: {  	s31 =	sshll.u32 s1, $0xD;
	s1 =	sshrl.u32 s1, $0x2  }
0xbb: {  	s3 =	sand.u32 $0x4000, s31;
	s1 =	sadd.s32 s1, s30  }
0xbc: {  	s0 =	sor.u32 s3, s0;
	s1 =	sshll.u32 s1, $0x11  }
0xbd: {  	s0 =	sor.u32 s1, s0  }
0xbe: {  	s0 =	sadd.s32 $0x8F2B, s0  }
0xbf: {  	[sflag:s0] =	ssyncadd.remote.s32 $0x1  }
0xc0: {  	_ =	sfence.sel $0xFFFF  }
0xc1: {  	[dreg:$0x0] =	wrdreg $0xFFFFFFFF;
	(pc) =	sbr.abs _section_cstart, $3  }
0xc2: {  	[dreg:$0x1] =	wrdreg $0xFFFFFFFF  }
0xc3: {  	_ =	task.clear_ibuf [dreg:s7], $0x2FFFF;
	_ =	strace $0x9FFFFFFF  }
0xc4: {  	(tm) =	ssettm $0x7FFFFFFF  }
0xc5: {  	_ =	shalt  }
tec
execute0_lowered:
.L_overlay_start_1:
0x0: {  	(tag) =	ssettag $0x1  }
0x1: {  	s0 =	rddreg [dreg:$0x0]  }
0x2: {  	s3 =	rddreg [dreg:$0x2]  }
0x3: {  	s1 =	srdreg.scid;
	s4 =	rddreg [dreg:$0x3]  }
0x4: {  	s13 =	stileid.u32;
	s5 =	simm.s32 $0x0;
	s14 =	simm.s32 $0x5  }
0x5: {  	s23 =	simm.s32 $0xA080;
	s24 =	simm.s32 $0xA100;
	s25 =	simm.s32 $0xA180  }
0x6: {  	s26 =	simm.s32 $0xA200;
	s28 =	simm.s32 $0xA280;
	s7 =	smul.u32 $0x2800, s13  }
0x7: {  	s29 =	simm.s32 $0x3;
	s30 =	simm.s32 $0xA500;
	s8 =	smul.u32 $0xA000, s13  }
0x8: {  	s31 =	simm.s32 $0xA300;
	s1 =	sand.u32 $0x1, s1;
	s9 =	smul.u32 $0x1400, s13  }
0x9: {  	[smem:$0x7FF] =	sst s5;
	s6 =	sadd.s32 $0x2000, s0;
	s2 =	smul.u32 $0x28000, s1  }
0xa: {  	s19 =	sshll.u32 s13, $0x6;
	_ =	strace $0x80000047;
	s16 =	smul.u32 $0xA0000, s1  }
0xb: {  	s11 =	smul.u32 $0x14000, s1;
	s1 =	ssub.s32 $0x2, s1;
	[dreg:$0x7] =	wrdreg s23  }
0xc: {  	s13 =	sor.u32 $0x1C05, s19;
	s19 =	simm.s32 $0x80;
	[dreg:$0x8] =	wrdreg s24  }
0xd: {  	[dreg:$0x9] =	wrdreg s25;
	s23 =	simm.s32 $0x10800;
	s24 =	simm.s32 $0x1  }
0xe: {  	[dreg:$0xa] =	wrdreg s26;
	s25 =	simm.s32 $0x2;
	s26 =	simm.s32 $0xA480  }
0xf: {  	s10 =	sshrl.u32 s8, $0x3;
	s12 =	sshrl.u32 s9, $0x3;
	s17 =	sshrl.u32 s1, $0x1  }
0x10: {  	s18 =	sadd.s32 s8, s3;
	[dreg:$0xc] =	wrdreg s13;
	s2 =	sadd.s32 s7, s2  }
0x11: {  	s10 =	sadd.s32 s10, s0;
	s12 =	sadd.s32 s12, s0;
	s7 =	sadd.s32 s8, s16  }
0x12: {  	s11 =	sadd.s32 s9, s11;
	s1 =	ssub.s32 s1, s17;
	s9 =	sadd.s32 s9, s4  }
0x13: {  	s15 =	sshrl.u32 s18, $0x3;
	s16 =	simm.s32 $0x13C00;
	s17 =	simm.s32 $0xA000  }
0x14: {  	s18 =	simm.s32 $0xA400;
	s8 =	simm.s32 $0x0;
	s2 =	sshrl.u32 s2, $0x3  }
0x15: {  	s7 =	sshrl.u32 s7, $0x3;
	s11 =	sshrl.u32 s11, $0x3;
	[dreg:$0x13] =	wrdreg s8  }
0x16: {  	s10 =	sadd.s32 $0x29A00, s10;
	s20 =	sadd.s32 $0x3DA00, s12;
	[dreg:$0x11] =	wrdreg s15  }
0x17: {  	s1 =	smax.u32 s1, $0x1;
	s12 =	sshrl.u32 s9, $0x3;
	[dreg:$0xb] =	wrdreg s10  }
0x18: {  	s9 =	simm.s32 $0xA680;
	s2 =	sadd.s32 s2, s0;
	[dreg:$0xd] =	wrdreg s20  }
0x19: {  	s7 =	sadd.s32 s7, s0;
	s0 =	sadd.s32 s11, s0;
	[dreg:$0x10] =	wrdreg s1  }
0x1a: {  	s20 =	simm.s32 $0xA800;
	[dreg:$0x12] =	wrdreg s12;
	s7 =	sadd.s32 $0x40200, s7  }
0x1b: {  	s1 =	simm.s32 $0x4;
	s0 =	sadd.s32 $0x68200, s0;
	[dreg:$0xe] =	wrdreg s7  }
0x1c: {  	s10 =	simm.s32 $0xA700;
	s21 =	sadd.s32 $0x15A00, s2;
	[dreg:$0xf] =	wrdreg s0  }
0x1d: {  	s11 =	simm.s32 $0xA780;
	s22 =	sadd.s32 $0x1FA00, s2;
	[dreg:$0x5] =	wrdreg s21  }
0x1e: {  	s2 =	simm.s32 $0xA580;
	[dreg:$0x6] =	wrdreg s22;
	s21 =	simm.s32 $0xC800  }
0x1f: {  	s22 =	simm.s32 $0xE800;
	s0 =	simm.s32 $0xA380;
	s7 =	simm.s32 $0xA600  }
.LBB2_1:
0x20: {  	s8 =	rddreg [dreg:$0xb]  }
0x21: {  	[spmem:s15], [sflag:s13] =	dma.local [hbm:s8], $0x1400  }
0x22: {  	_ =	swait.ge [sflag:s14], $0x1400  }
0x23: {  	[sflag:s14] =	ssyncset.done $0x0  }
0x24: {  	s15 =	rddreg [dreg:$0xd];
	[sflag:s14] =	ssyncadd.s32 $0xFFFFEC00  }
0x25: {  	[spmem:s12], [sflag:s13] =	dma.local [hbm:s15], $0x280  }
0x26: {  	_ =	swait.ge [sflag:s14], $0x280  }
0x27: {  	[sflag:s14] =	ssyncset.done $0x0  }
0x28: {  	[sflag:s14] =	ssyncadd.s32 $0xFFFFFD80  }
0x29: {  	s15 =	rddreg [dreg:$0x1]  }
0x2a: {  	[tilespmem:s16], [sflag:$0x5] =	stream.linear.gather [hbm4b:s15+s5], $0x400, $0x38;
	[tilespmem:$0x14000] =	vst v63  }
0x2b: {  	_ =	swait.ge [sflag:s14], $0x400  }
0x2c: {  	[sflag:s14] =	ssyncset.done $0x0  }
0x2d: {  	[sflag:s14] =	ssyncadd.s32 $0xFFFFFC00  }
0x2e: {  	[bflag:$0x0] =	sbarrier.arrive $0xFFFF  }
0x2f: {  	s8 =	rddreg [dreg:$0x6]  }
0x30: {  	s13 =	sadd.s32 $0x0, s8  }
0x31: {  	[tilespmem:s17], [sflag:$0x5] =	stream.linear.gather [hbm4b:s13+s5], $0x400, $0x38;
	[tilespmem:$0x14000] =	vst v63  }
0x32: {  	_ =	swait.ge [sflag:s14], $0x400  }
0x33: {  	s12 =	rddreg [dreg:$0x5];
	[sflag:s14] =	ssyncset.done $0x0  }
0x34: {  	[sflag:s14] =	ssyncadd.s32 $0xFFFFFC00;
	s13 =	sadd.s32 $0x0, s12  }
0x35: {  	[tilespmem:s18], [sflag:$0x5] =	stream.linear.gather [hbm4b:s13+s5], $0x400, $0x38;
	[tilespmem:$0x14000] =	vst v63  }
0x36: {  	_ =	swait.ge [sflag:s14], $0x400  }
0x37: {  	[sflag:s14] =	ssyncset.done $0x0  }
0x38: {  	[sflag:s14] =	ssyncadd.s32 $0xFFFFFC00  }
0x39: {  	[tilespmem:s20], [sflag:$0x1] =	stream.indirect.gather [hbm4b:s6+s19], $0x40, s17, s19, $0xb8;
	[tilespmem:$0x14000] =	vst v63  }
0x3a: {  	s15 =	rddreg [dreg:$0x7]  }
0x3b: {  	[tilespmem:s21], [sflag:$0x2] =	stream.indirect.gather [hbm4b:s6+s19], $0x40, s15, s19, $0xb8;
	[tilespmem:$0x14000] =	vst v63  }
0x3c: {  	s8 =	rddreg [dreg:$0x8]  }
0x3d: {  	[tilespmem:s22], [sflag:$0x3] =	stream.indirect.gather [hbm4b:s6+s19], $0x40, s8, s19, $0xb8;
	[tilespmem:$0x14000] =	vst v63  }
0x3e: {  	s12 =	rddreg [dreg:$0x9]  }
0x3f: {  	[tilespmem:s23], [sflag:$0x4] =	stream.indirect.gather [hbm4b:s6+s19], $0x40, s12, s19, $0xb8;
	[tilespmem:$0x14000] =	vst v63  }
0x40: {  	_ =	swait.ge [sflag:s24], $0x2000  }
0x41: {  	[sflag:s24] =	ssyncset.done $0x0  }
0x42: {  	[sflag:s24] =	ssyncadd.s32 $0xFFFFE000  }
0x43: {  	[spmem:s3] =	stream.indirect.scatter.add.f32 [tilespmem:s20], [sflag:$0x5], $0x40, s18, s19, $0xb8;
	[tilespmem:$0x14000] =	vst v63  }
0x44: {  	_ =	swait.ge [sflag:s14], $0x2000  }
0x45: {  	[sflag:s14] =	ssyncset.done $0x0  }
0x46: {  	[sflag:s14] =	ssyncadd.s32 $0xFFFFE000  }
0x47: {  	[spmem:s4] =	stream.indirect.scatter.add.f32 [tilespmem:s16], [sflag:$0x5], $0x8, s18, s19, $0xb8;
	[tilespmem:$0x14000] =	vst v63  }
0x48: {  	_ =	swait.ge [sflag:s14], $0x400  }
0x49: {  	[sflag:s14] =	ssyncset.done $0x0  }
0x4a: {  	s15 =	rddreg [dreg:$0xa];
	[sflag:s14] =	ssyncadd.s32 $0xFFFFFC00  }
0x4b: {  	[tilespmem:s20], [sflag:$0x1] =	stream.indirect.gather [hbm4b:s6+s19], $0x40, s15, s19, $0xb8;
	[tilespmem:$0x14000] =	vst v63  }
0x4c: {  	_ =	swait.ge [sflag:s25], $0x2000  }
0x4d: {  	[sflag:s25] =	ssyncset.done $0x0  }
0x4e: {  	[sflag:s25] =	ssyncadd.s32 $0xFFFFE000  }
0x4f: {  	[spmem:s3] =	stream.indirect.scatter.add.f32 [tilespmem:s21], [sflag:$0x5], $0x40, s26, s19, $0xb8;
	[tilespmem:$0x14000] =	vst v63  }
0x50: {  	_ =	swait.ge [sflag:s14], $0x2000  }
0x51: {  	[sflag:s14] =	ssyncset.done $0x0  }
0x52: {  	[sflag:s14] =	ssyncadd.s32 $0xFFFFE000  }
0x53: {  	[spmem:s4] =	stream.indirect.scatter.add.f32 [tilespmem:s16], [sflag:$0x5], $0x8, s26, s19, $0xb8;
	[tilespmem:$0x14000] =	vst v63  }
0x54: {  	_ =	swait.ge [sflag:s14], $0x400  }
0x55: {  	[sflag:s14] =	ssyncset.done $0x0  }
0x56: {  	[sflag:s14] =	ssyncadd.s32 $0xFFFFFC00  }
0x57: {  	[tilespmem:s21], [sflag:$0x2] =	stream.indirect.gather [hbm4b:s6+s19], $0x40, s28, s19, $0xb8;
	[tilespmem:$0x14000] =	vst v63  }
0x58: {  	_ =	swait.ge [sflag:s29], $0x2000  }
0x59: {  	[sflag:s29] =	ssyncset.done $0x0  }
0x5a: {  	[sflag:s29] =	ssyncadd.s32 $0xFFFFE000  }
0x5b: {  	[spmem:s3] =	stream.indirect.scatter.add.f32 [tilespmem:s22], [sflag:$0x5], $0x40, s30, s19, $0xb8;
	[tilespmem:$0x14000] =	vst v63  }
0x5c: {  	_ =	swait.ge [sflag:s14], $0x2000  }
0x5d: {  	[sflag:s14] =	ssyncset.done $0x0  }
0x5e: {  	[sflag:s14] =	ssyncadd.s32 $0xFFFFE000  }
0x5f: {  	[spmem:s4] =	stream.indirect.scatter.add.f32 [tilespmem:s16], [sflag:$0x5], $0x8, s30, s19, $0xb8;
	[tilespmem:$0x14000] =	vst v63  }
0x60: {  	_ =	swait.ge [sflag:s14], $0x400  }
0x61: {  	[sflag:s14] =	ssyncset.done $0x0  }
0x62: {  	[sflag:s14] =	ssyncadd.s32 $0xFFFFFC00  }
0x63: {  	[tilespmem:s22], [sflag:$0x3] =	stream.indirect.gather [hbm4b:s6+s19], $0x40, s31, s19, $0xb8;
	[tilespmem:$0x14000] =	vst v63  }
0x64: {  	_ =	swait.ge [sflag:s1], $0x2000  }
0x65: {  	[sflag:s1] =	ssyncset.done $0x0  }
0x66: {  	[sflag:s1] =	ssyncadd.s32 $0xFFFFE000  }
0x67: {  	[spmem:s3] =	stream.indirect.scatter.add.f32 [tilespmem:s23], [sflag:$0x5], $0x40, s2, s19, $0xb8;
	[tilespmem:$0x14000] =	vst v63  }
0x68: {  	_ =	swait.ge [sflag:s14], $0x2000  }
0x69: {  	[sflag:s14] =	ssyncset.done $0x0  }
0x6a: {  	[sflag:s14] =	ssyncadd.s32 $0xFFFFE000  }
0x6b: {  	[spmem:s4] =	stream.indirect.scatter.add.f32 [tilespmem:s16], [sflag:$0x5], $0x8, s2, s19, $0xb8;
	[tilespmem:$0x14000] =	vst v63  }
0x6c: {  	_ =	swait.ge [sflag:s14], $0x400  }
0x6d: {  	[sflag:s14] =	ssyncset.done $0x0  }
0x6e: {  	[sflag:s14] =	ssyncadd.s32 $0xFFFFFC00  }
0x6f: {  	[tilespmem:s23], [sflag:$0x4] =	stream.indirect.gather [hbm4b:s6+s19], $0x40, s0, s19, $0xb8;
	[tilespmem:$0x14000] =	vst v63  }
0x70: {  	_ =	swait.ge [sflag:s24], $0x2000  }
0x71: {  	[sflag:s24] =	ssyncset.done $0x0  }
0x72: {  	[sflag:s24] =	ssyncadd.s32 $0xFFFFE000  }
0x73: {  	[spmem:s3] =	stream.indirect.scatter.add.f32 [tilespmem:s20], [sflag:$0x5], $0x40, s7, s19, $0xb8;
	[tilespmem:$0x14000] =	vst v63  }
0x74: {  	_ =	swait.ge [sflag:s14], $0x2000  }
0x75: {  	[sflag:s14] =	ssyncset.done $0x0  }
0x76: {  	[sflag:s14] =	ssyncadd.s32 $0xFFFFE000  }
0x77: {  	[spmem:s4] =	stream.indirect.scatter.add.f32 [tilespmem:s16], [sflag:$0x5], $0x8, s7, s19, $0xb8;
	[tilespmem:$0x14000] =	vst v63  }
0x78: {  	_ =	swait.ge [sflag:s14], $0x400  }
0x79: {  	[sflag:s14] =	ssyncset.done $0x0  }
0x7a: {  	[sflag:s14] =	ssyncadd.s32 $0xFFFFFC00  }
0x7b: {  	_ =	swait.ge [sflag:s25], $0x2000  }
0x7c: {  	[sflag:s25] =	ssyncset.done $0x0  }
0x7d: {  	[sflag:s25] =	ssyncadd.s32 $0xFFFFE000  }
0x7e: {  	[spmem:s3] =	stream.indirect.scatter.add.f32 [tilespmem:s21], [sflag:$0x5], $0x40, s9, s19, $0xb8;
	[tilespmem:$0x14000] =	vst v63  }
0x7f: {  	_ =	swait.ge [sflag:s14], $0x2000  }
0x80: {  	[sflag:s14] =	ssyncset.done $0x0  }
0x81: {  	[sflag:s14] =	ssyncadd.s32 $0xFFFFE000  }
0x82: {  	[spmem:s4] =	stream.indirect.scatter.add.f32 [tilespmem:s16], [sflag:$0x5], $0x8, s9, s19, $0xb8;
	[tilespmem:$0x14000] =	vst v63  }
0x83: {  	_ =	swait.ge [sflag:s14], $0x400  }
0x84: {  	[sflag:s14] =	ssyncset.done $0x0  }
0x85: {  	[sflag:s14] =	ssyncadd.s32 $0xFFFFFC00  }
0x86: {  	_ =	swait.ge [sflag:s29], $0x2000  }
0x87: {  	[sflag:s29] =	ssyncset.done $0x0  }
0x88: {  	[sflag:s29] =	ssyncadd.s32 $0xFFFFE000  }
0x89: {  	[spmem:s3] =	stream.indirect.scatter.add.f32 [tilespmem:s22], [sflag:$0x5], $0x40, s10, s19, $0xb8;
	[tilespmem:$0x14000] =	vst v63  }
0x8a: {  	_ =	swait.ge [sflag:s14], $0x2000  }
0x8b: {  	[sflag:s14] =	ssyncset.done $0x0  }
0x8c: {  	[sflag:s14] =	ssyncadd.s32 $0xFFFFE000  }
0x8d: {  	[spmem:s4] =	stream.indirect.scatter.add.f32 [tilespmem:s16], [sflag:$0x5], $0x8, s10, s19, $0xb8;
	[tilespmem:$0x14000] =	vst v63  }
0x8e: {  	_ =	swait.ge [sflag:s14], $0x400  }
0x8f: {  	[sflag:s14] =	ssyncset.done $0x0  }
0x90: {  	[sflag:s14] =	ssyncadd.s32 $0xFFFFFC00  }
0x91: {  	_ =	swait.ge [sflag:s1], $0x2000  }
0x92: {  	[sflag:s1] =	ssyncset.done $0x0  }
0x93: {  	[sflag:s1] =	ssyncadd.s32 $0xFFFFE000  }
0x94: {  	[spmem:s3] =	stream.indirect.scatter.add.f32 [tilespmem:s23], [sflag:$0x5], $0x40, s11, s19, $0xb8;
	[tilespmem:$0x14000] =	vst v63  }
0x95: {  	_ =	swait.ge [sflag:s14], $0x2000  }
0x96: {  	[sflag:s14] =	ssyncset.done $0x0  }
0x97: {  	[sflag:s14] =	ssyncadd.s32 $0xFFFFE000  }
0x98: {  	[spmem:s4] =	stream.indirect.scatter.add.f32 [tilespmem:s16], [sflag:$0x5], $0x8, s11, s19, $0xb8;
	[tilespmem:$0x14000] =	vst v63  }
0x99: {  	s13 =	simm.s32 $0x80;
	_ =	swait.ge [sflag:s14], $0x400  }
.LBB2_2:
0x9a: {  	s15 =	rddreg [dreg:$0x6];
	s8 =	smov.u32 s13;
	[sflag:s14] =	ssyncset.done $0x0  }
0x9b: {  	s15 =	sadd.s32 s8, s15;
	[sflag:s14] =	ssyncadd.s32 $0xFFFFFC00  }
0x9c: {  	[tilespmem:s17], [sflag:$0x5] =	stream.linear.gather [hbm4b:s15+s5], $0x400, $0x38;
	[tilespmem:$0x14000] =	vst v63  }
0x9d: {  	_ =	swait.ge [sflag:s14], $0x400  }
0x9e: {  	s12 =	rddreg [dreg:$0x5];
	[sflag:s14] =	ssyncset.done $0x0  }
0x9f: {  	[sflag:s14] =	ssyncadd.s32 $0xFFFFFC00;
	s8 =	sadd.s32 s8, s12  }
0xa0: {  	[tilespmem:s18], [sflag:$0x5] =	stream.linear.gather [hbm4b:s8+s5], $0x400, $0x38;
	[tilespmem:$0x14000] =	vst v63  }
0xa1: {  	_ =	swait.ge [sflag:s14], $0x400  }
0xa2: {  	[sflag:s14] =	ssyncset.done $0x0  }
0xa3: {  	[sflag:s14] =	ssyncadd.s32 $0xFFFFFC00  }
0xa4: {  	[tilespmem:s20], [sflag:$0x1] =	stream.indirect.gather [hbm4b:s6+s19], $0x40, s17, s19, $0xb8;
	[tilespmem:$0x14000] =	vst v63  }
0xa5: {  	s12 =	rddreg [dreg:$0x7]  }
0xa6: {  	[tilespmem:s21], [sflag:$0x2] =	stream.indirect.gather [hbm4b:s6+s19], $0x40, s12, s19, $0xb8;
	[tilespmem:$0x14000] =	vst v63  }
0xa7: {  	s15 =	rddreg [dreg:$0x8]  }
0xa8: {  	[tilespmem:s22], [sflag:$0x3] =	stream.indirect.gather [hbm4b:s6+s19], $0x40, s15, s19, $0xb8;
	[tilespmem:$0x14000] =	vst v63  }
0xa9: {  	s12 =	rddreg [dreg:$0x9]  }
0xaa: {  	[tilespmem:s23], [sflag:$0x4] =	stream.indirect.gather [hbm4b:s6+s19], $0x40, s12, s19, $0xb8;
	[tilespmem:$0x14000] =	vst v63  }
0xab: {  	_ =	swait.ge [sflag:s24], $0x2000  }
0xac: {  	[sflag:s24] =	ssyncset.done $0x0  }
0xad: {  	[sflag:s24] =	ssyncadd.s32 $0xFFFFE000  }
0xae: {  	[spmem:s3] =	stream.indirect.scatter.add.f32 [tilespmem:s20], [sflag:$0x5], $0x40, s18, s19, $0xb8;
	[tilespmem:$0x14000] =	vst v63  }
0xaf: {  	_ =	swait.ge [sflag:s14], $0x2000  }
0xb0: {  	[sflag:s14] =	ssyncset.done $0x0  }
0xb1: {  	[sflag:s14] =	ssyncadd.s32 $0xFFFFE000  }
0xb2: {  	[spmem:s4] =	stream.indirect.scatter.add.f32 [tilespmem:s16], [sflag:$0x5], $0x8, s18, s19, $0xb8;
	[tilespmem:$0x14000] =	vst v63  }
0xb3: {  	_ =	swait.ge [sflag:s14], $0x400  }
0xb4: {  	[sflag:s14] =	ssyncset.done $0x0  }
0xb5: {  	s15 =	rddreg [dreg:$0xa];
	[sflag:s14] =	ssyncadd.s32 $0xFFFFFC00  }
0xb6: {  	[tilespmem:s20], [sflag:$0x1] =	stream.indirect.gather [hbm4b:s6+s19], $0x40, s15, s19, $0xb8;
	[tilespmem:$0x14000] =	vst v63  }
0xb7: {  	_ =	swait.ge [sflag:s25], $0x2000  }
0xb8: {  	[sflag:s25] =	ssyncset.done $0x0  }
0xb9: {  	[sflag:s25] =	ssyncadd.s32 $0xFFFFE000  }
0xba: {  	[spmem:s3] =	stream.indirect.scatter.add.f32 [tilespmem:s21], [sflag:$0x5], $0x40, s26, s19, $0xb8;
	[tilespmem:$0x14000] =	vst v63  }
0xbb: {  	_ =	swait.ge [sflag:s14], $0x2000  }
0xbc: {  	[sflag:s14] =	ssyncset.done $0x0  }
0xbd: {  	[sflag:s14] =	ssyncadd.s32 $0xFFFFE000  }
0xbe: {  	[spmem:s4] =	stream.indirect.scatter.add.f32 [tilespmem:s16], [sflag:$0x5], $0x8, s26, s19, $0xb8;
	[tilespmem:$0x14000] =	vst v63  }
0xbf: {  	_ =	swait.ge [sflag:s14], $0x400  }
0xc0: {  	[sflag:s14] =	ssyncset.done $0x0  }
0xc1: {  	[sflag:s14] =	ssyncadd.s32 $0xFFFFFC00  }
0xc2: {  	[tilespmem:s21], [sflag:$0x2] =	stream.indirect.gather [hbm4b:s6+s19], $0x40, s28, s19, $0xb8;
	[tilespmem:$0x14000] =	vst v63  }
0xc3: {  	_ =	swait.ge [sflag:s29], $0x2000  }
0xc4: {  	[sflag:s29] =	ssyncset.done $0x0  }
0xc5: {  	[sflag:s29] =	ssyncadd.s32 $0xFFFFE000  }
0xc6: {  	[spmem:s3] =	stream.indirect.scatter.add.f32 [tilespmem:s22], [sflag:$0x5], $0x40, s30, s19, $0xb8;
	[tilespmem:$0x14000] =	vst v63  }
0xc7: {  	_ =	swait.ge [sflag:s14], $0x2000  }
0xc8: {  	[sflag:s14] =	ssyncset.done $0x0  }
0xc9: {  	[sflag:s14] =	ssyncadd.s32 $0xFFFFE000  }
0xca: {  	[spmem:s4] =	stream.indirect.scatter.add.f32 [tilespmem:s16], [sflag:$0x5], $0x8, s30, s19, $0xb8;
	[tilespmem:$0x14000] =	vst v63  }
0xcb: {  	_ =	swait.ge [sflag:s14], $0x400  }
0xcc: {  	[sflag:s14] =	ssyncset.done $0x0  }
0xcd: {  	[sflag:s14] =	ssyncadd.s32 $0xFFFFFC00  }
0xce: {  	[tilespmem:s22], [sflag:$0x3] =	stream.indirect.gather [hbm4b:s6+s19], $0x40, s31, s19, $0xb8;
	[tilespmem:$0x14000] =	vst v63  }
0xcf: {  	_ =	swait.ge [sflag:s1], $0x2000  }
0xd0: {  	[sflag:s1] =	ssyncset.done $0x0  }
0xd1: {  	[sflag:s1] =	ssyncadd.s32 $0xFFFFE000  }
0xd2: {  	[spmem:s3] =	stream.indirect.scatter.add.f32 [tilespmem:s23], [sflag:$0x5], $0x40, s2, s19, $0xb8;
	[tilespmem:$0x14000] =	vst v63  }
0xd3: {  	_ =	swait.ge [sflag:s14], $0x2000  }
0xd4: {  	[sflag:s14] =	ssyncset.done $0x0  }
0xd5: {  	[sflag:s14] =	ssyncadd.s32 $0xFFFFE000  }
0xd6: {  	[spmem:s4] =	stream.indirect.scatter.add.f32 [tilespmem:s16], [sflag:$0x5], $0x8, s2, s19, $0xb8;
	[tilespmem:$0x14000] =	vst v63  }
0xd7: {  	_ =	swait.ge [sflag:s14], $0x400  }
0xd8: {  	[sflag:s14] =	ssyncset.done $0x0  }
0xd9: {  	[sflag:s14] =	ssyncadd.s32 $0xFFFFFC00  }
0xda: {  	[tilespmem:s23], [sflag:$0x4] =	stream.indirect.gather [hbm4b:s6+s19], $0x40, s0, s19, $0xb8;
	[tilespmem:$0x14000] =	vst v63  }
0xdb: {  	_ =	swait.ge [sflag:s24], $0x2000  }
0xdc: {  	[sflag:s24] =	ssyncset.done $0x0  }
0xdd: {  	[sflag:s24] =	ssyncadd.s32 $0xFFFFE000  }
0xde: {  	[spmem:s3] =	stream.indirect.scatter.add.f32 [tilespmem:s20], [sflag:$0x5], $0x40, s7, s19, $0xb8;
	[tilespmem:$0x14000] =	vst v63  }
0xdf: {  	_ =	swait.ge [sflag:s14], $0x2000  }
0xe0: {  	[sflag:s14] =	ssyncset.done $0x0  }
0xe1: {  	[sflag:s14] =	ssyncadd.s32 $0xFFFFE000  }
0xe2: {  	[spmem:s4] =	stream.indirect.scatter.add.f32 [tilespmem:s16], [sflag:$0x5], $0x8, s7, s19, $0xb8;
	[tilespmem:$0x14000] =	vst v63  }
0xe3: {  	_ =	swait.ge [sflag:s14], $0x400  }
0xe4: {  	[sflag:s14] =	ssyncset.done $0x0  }
0xe5: {  	[sflag:s14] =	ssyncadd.s32 $0xFFFFFC00  }
0xe6: {  	_ =	swait.ge [sflag:s25], $0x2000  }
0xe7: {  	[sflag:s25] =	ssyncset.done $0x0  }
0xe8: {  	[sflag:s25] =	ssyncadd.s32 $0xFFFFE000  }
0xe9: {  	[spmem:s3] =	stream.indirect.scatter.add.f32 [tilespmem:s21], [sflag:$0x5], $0x40, s9, s19, $0xb8;
	[tilespmem:$0x14000] =	vst v63  }
0xea: {  	_ =	swait.ge [sflag:s14], $0x2000  }
0xeb: {  	[sflag:s14] =	ssyncset.done $0x0  }
0xec: {  	[sflag:s14] =	ssyncadd.s32 $0xFFFFE000  }
0xed: {  	[spmem:s4] =	stream.indirect.scatter.add.f32 [tilespmem:s16], [sflag:$0x5], $0x8, s9, s19, $0xb8;
	[tilespmem:$0x14000] =	vst v63  }
0xee: {  	_ =	swait.ge [sflag:s14], $0x400  }
0xef: {  	[sflag:s14] =	ssyncset.done $0x0  }
0xf0: {  	[sflag:s14] =	ssyncadd.s32 $0xFFFFFC00  }
0xf1: {  	_ =	swait.ge [sflag:s29], $0x2000  }
0xf2: {  	[sflag:s29] =	ssyncset.done $0x0  }
0xf3: {  	[sflag:s29] =	ssyncadd.s32 $0xFFFFE000  }
0xf4: {  	[spmem:s3] =	stream.indirect.scatter.add.f32 [tilespmem:s22], [sflag:$0x5], $0x40, s10, s19, $0xb8;
	[tilespmem:$0x14000] =	vst v63  }
0xf5: {  	_ =	swait.ge [sflag:s14], $0x2000  }
0xf6: {  	[sflag:s14] =	ssyncset.done $0x0  }
0xf7: {  	[sflag:s14] =	ssyncadd.s32 $0xFFFFE000  }
0xf8: {  	[spmem:s4] =	stream.indirect.scatter.add.f32 [tilespmem:s16], [sflag:$0x5], $0x8, s10, s19, $0xb8;
	[tilespmem:$0x14000] =	vst v63  }
0xf9: {  	_ =	swait.ge [sflag:s14], $0x400  }
0xfa: {  	[sflag:s14] =	ssyncset.done $0x0  }
0xfb: {  	[sflag:s14] =	ssyncadd.s32 $0xFFFFFC00  }
0xfc: {  	_ =	swait.ge [sflag:s1], $0x2000  }
0xfd: {  	[sflag:s1] =	ssyncset.done $0x0  }
0xfe: {  	p0 =	sne.s32 s13, $0x480;
	[sflag:s1] =	ssyncadd.s32 $0xFFFFE000  }
0xff: {  	[spmem:s3] =	stream.indirect.scatter.add.f32 [tilespmem:s23], [sflag:$0x5], $0x40, s11, s19, $0xb8;
	[tilespmem:$0x14000] =	vst v63  }
.Ltmp0:
0x100: {  	_ =	swait.ge [sflag:s14], $0x2000;
	(pc) =	sbr.rel @p0 .LBB2_2-.Ltmp0, $4  }
0x101: {  	[sflag:s14] =	ssyncset.done $0x0  }
0x102: {  	[sflag:s14] =	ssyncadd.s32 $0xFFFFE000  }
0x103: {  	[spmem:s4] =	stream.indirect.scatter.add.f32 [tilespmem:s16], [sflag:$0x5], $0x8, s11, s19, $0xb8;
	[tilespmem:$0x14000] =	vst v63  }
0x104: {  	s13 =	sadd.s32 $0x80, s13;
	_ =	swait.ge [sflag:s14], $0x400  }
0x105: {  	[sflag:s14] =	ssyncset.done $0x0  }
0x106: {  	[sflag:s14] =	ssyncadd.s32 $0xFFFFFC00  }
0x107: {  	[bflag:$0x0] =	sbarrier.arrive $0xFFFF  }
0x108: {  	s13 =	rddreg [dreg:$0xc]  }
0x109: {  	s8 =	rddreg [dreg:$0xe]  }
0x10a: {  	s12 =	rddreg [dreg:$0x11]  }
0x10b: {  	[hbm:s8], [sflag:s13] =	dma.local [spmem:s12], $0x1400  }
0x10c: {  	_ =	swait.ge [sflag:s14], $0x1400  }
0x10d: {  	[sflag:s14] =	ssyncset.done $0x0;
	s15 =	rddreg [dreg:$0xf]  }
0x10e: {  	s12 =	rddreg [dreg:$0x12];
	[sflag:s14] =	ssyncadd.s32 $0xFFFFEC00  }
0x10f: {  	[hbm:s15], [sflag:s13] =	dma.local [spmem:s12], $0x280  }
0x110: {  	_ =	swait.ge [sflag:s14], $0x280  }
0x111: {  	s15 =	rddreg [dreg:$0x13]  }
0x112: {  	s8 =	rddreg [dreg:$0x10];
	s15 =	sadd.s32 $0x1, s15  }
0x113: {  	p0 =	sne.s32 s15, s8  }
.Ltmp1:
0x114: {  	_ = 	snop;
	(pc) =	sbr.rel @p0 .LBB2_1-.Ltmp1, $3  }
0x115: {  	_ =	sdelay $0x1  }
0x116: {  	[sflag:s14] =	ssyncset.done $0x0;
	[dreg:$0x13] =	wrdreg s15  }
0x117: {  	[sflag:s14] =	ssyncadd.s32 $0xFFFFFD80;
	s15 =	rddreg [dreg:$0x11]  }
0x118: {  	_ =	sfence.sel $0x180000  }
0x119: {  	[bflag:$0x0] =	sbarrier.arrive $0xFFFF  }
0x11a: {  	_ =	strace $0x90000047  }
0x11b: {  	s0 =	stileid.u32;
	[bflag:$0x2] =	sbarrier.arrive $0xFFFF  }
0x11c: {  	p0 =	sne.s32 s0, $0x0;
	s0 =	rddreg [dreg:$0x4]  }
0x11d: {  	s0 =	sadd.s32 @!p0 $0x100000, s0  }
0x11e: {  	[sflag:s0] =	ssyncadd.tile.s32 @!p0 $0x1;
	_ =	shalt  }
.Lfunc_end2:
_tile_overlayer_lowered:
.L_overlay_start_2:
0x11f: {  	(tag) =	ssettag $0x2  }
0x120: {  	s0 =	rddreg [dreg:$0x0];
	s2 =	stileid.u32  }
0x121: {  	s1 =	rddreg [dreg:$0x1];
	p0 =	sne.s32 s2, $0x0  }
0x122: {  	s3 =	rddreg [dreg:$0x2];
	[bflag:$0x3] =	sbarrier.arrive $0xFFFF;
	s2 =	simm.s32 @!p0 $0x1C05  }
0x123: {  	[timem:s3], [sflag:s2] =	dma.local @!p0 [hbm:s0], s1  }
0x124: {  	s0 =	simm.s32 @!p0 $0x5  }
0x125: {  	_ =	swait.ge @!p0 [sflag:s0], s1  }
0x126: {  	s1 =	ssub.s32 @!p0 $0x0, s1;
	[sflag:s0] =	ssyncset.done @!p0 $0x0  }
0x127: {  	[sflag:s0] =	ssyncadd.s32 @!p0 s1  }
0x128: {  	[bflag:$0x3] =	sbarrier.arrive $0xFFFF  }
0x129: {  	_ =	shalt  }

</sc_bundles>
